<compile_context>
chip_gen: v7x
topology: tpu7x:2x2x1
jax: 0.10.2.dev20260603
libtpu: 0.0.44.dev20260713+nightly
codegen_flags: <defaults>
</compile_context>

<pallas_src>
import jax
import jax.numpy as jnp
from jax import lax
from jax.experimental import pallas as pl
from jax.experimental.pallas import tpu as pltpu
from jax.experimental.pallas import tpu_sc as plsc

N = 10000
D = 128
H = 64
NP = 10240
NN = 2 * NP
NC, NS, L = 2, 16, 16
K = 128
NB = 4032
PE = NB * K
NBT = NB // NS
NBC = NB // (NS * NC)
SL2 = NN // NS
DEG2 = (NN // D, D)


def _scdeg_body(einfo, z1, deg_out,
                eb0, eb1, cb0, cb1, ewb0, ewb1, deg_sp,
                sem_e0, sem_e1, sem_s0, sem_s1):
    c = lax.axis_index("c")
    s = lax.axis_index("s")
    sl = pl.ds(s * SL2, SL2)
    pltpu.sync_copy(z1.at[sl], deg_sp.at[sl])
    plsc.subcore_barrier()

    base = (c * NS + s) * NBC
    pltpu.async_copy(einfo.at[base], eb0, sem_e0)
    pltpu.async_copy(einfo.at[base + 1], eb1, sem_e1)

    bufs = ((eb0, cb0, ewb0, sem_e0, sem_s0),
            (eb1, cb1, ewb1, sem_e1, sem_s1))

    def body(g, _):
        for b, (eb, cb, ewb, sem_e, sem_s) in enumerate(bufs):
            i = g * 2 + b
            pltpu.make_async_copy(einfo.at[0], eb, sem_e).wait()

            @pl.when(g > 0)
            def _():
                pltpu.make_async_copy(z1.at[pl.ds(0, K)], ewb, sem_s).wait()

            @plsc.parallel_loop(0, K // L, unroll=4)
            def _(j):
                jj = pl.ds(j * L, L)
                cb[jj] = eb[1, jj]
                ewb[jj] = plsc.bitcast(eb[2, jj], jnp.float32)

            @pl.when(i + 2 < NBC)
            def _():
                pltpu.async_copy(einfo.at[base + i + 2], eb, sem_e)

            pltpu.async_copy(ewb, deg_sp.at[cb], sem_s, add=True)
        return 0

    lax.fori_loop(0, NBC // 2, body, 0)
    pltpu.make_async_copy(z1.at[pl.ds(0, K)], ewb0, sem_s0).wait()
    pltpu.make_async_copy(z1.at[pl.ds(0, K)], ewb1, sem_s1).wait()
    plsc.subcore_barrier()
    pltpu.sync_copy(deg_sp.at[sl], deg_out.at[c, sl])


def _sc_deg(einfo, z1):
    f32 = jnp.float32
    i32 = jnp.int32
    kern = pl.kernel(
        _scdeg_body,
        mesh=plsc.VectorSubcoreMesh(core_axis_name="c", subcore_axis_name="s"),
        compiler_params=pltpu.CompilerParams(
            needs_layout_passes=False, use_tc_tiling_on_sc=False),
        out_type=jax.ShapeDtypeStruct((NC, NN), f32),
        scratch_types=[
            pltpu.VMEM((3, K), i32), pltpu.VMEM((3, K), i32),
            pltpu.VMEM((K,), i32), pltpu.VMEM((K,), i32),
            pltpu.VMEM((K,), f32), pltpu.VMEM((K,), f32),
            pltpu.VMEM_SHARED((NN,), f32),
            pltpu.SemaphoreType.DMA, pltpu.SemaphoreType.DMA,
            pltpu.SemaphoreType.DMA, pltpu.SemaphoreType.DMA,
        ],
    )
    return kern(einfo, z1)


def _mm_body(nf, df, nw, dw, dg, xw, dv):
    xw[0] = jnp.dot(
        nf[...], nw[...], preferred_element_type=jnp.float32
    ).astype(jnp.bfloat16)
    xw[1] = jnp.dot(
        df[...], dw[...], preferred_element_type=jnp.float32
    ).astype(jnp.bfloat16)

    @pl.when(pl.program_id(0) == 0)
    def _():
        degsum = dg[0] + dg[1]
        dv[...] = jnp.where(degsum > 0, lax.rsqrt(degsum), 0.0)


def _t1(net_feat, net_W, dag_feat, dag_W, deg):
    MB = 640
    cs = lambda shape: pl.BlockSpec(shape, lambda m: tuple(0 for _ in shape))
    return pl.pallas_call(
        _mm_body,
        grid=(NP // MB,),
        in_specs=[
            pl.BlockSpec((MB, D), lambda m: (m, 0)),
            pl.BlockSpec((MB, D), lambda m: (m, 0)),
            cs((D, D)), cs((D, D)),
            cs((NC,) + DEG2),
        ],
        out_specs=[
            pl.BlockSpec((2, MB, D), lambda m: (0, m, 0)),
            cs(DEG2),
        ],
        out_shape=[
            jax.ShapeDtypeStruct((2, NP, D), jnp.bfloat16),
            jax.ShapeDtypeStruct(DEG2, jnp.float32),
        ],
    )(net_feat, dag_feat, net_W, dag_W, deg.reshape((NC,) + DEG2))


def _scmsg_body(einfo, xwi, dinv, z2, acc_out,
                eb0, eb1, eb2, ib0, ib1, ib2, cb0, cb1, cb2,
                rows0, rows1, rows2, nbuf, dinv_full, acc_sp,
                sem_e0, sem_e1, sem_e2, sem_g0, sem_g1, sem_g2,
                sem_s0, sem_s1, sem_s2):
    c = lax.axis_index("c")
    s = lax.axis_index("s")
    sl = pl.ds(s * SL2, SL2)
    pltpu.sync_copy(z2.at[sl], acc_sp.at[sl])
    pltpu.sync_copy(dinv, dinv_full)

    base = s * NBT
    pltpu.async_copy(einfo.at[base], eb0, sem_e0)
    pltpu.async_copy(einfo.at[base + 1], eb1, sem_e1)
    plsc.subcore_barrier()

    ebs = (eb0, eb1, eb2)
    ibs = (ib0, ib1, ib2)
    cbs = (cb0, cb1, cb2)
    rowss = (rows0, rows1, rows2)
    sem_es = (sem_e0, sem_e1, sem_e2)
    sem_gs = (sem_g0, sem_g1, sem_g2)
    sem_ss = (sem_s0, sem_s1, sem_s2)

    def build_and_gather(x):
        eb, ib, cb = ebs[x], ibs[x], cbs[x]

        @plsc.parallel_loop(0, K // L, unroll=4)
        def _(j):
            jj = pl.ds(j * L, L)
            ib[jj] = eb[0, jj] * 2 + c
            cb[jj] = eb[1, jj]

        pltpu.async_copy(xwi.at[ib], rowss[x], sem_gs[x])

    pltpu.make_async_copy(einfo.at[0], eb0, sem_e0).wait()
    build_and_gather(0)

    def body(g, _):
        plsc.subcore_barrier()
        for st in range(3):
            i = g * 3 + st
            x = st
            y = (st + 1) % 3
            z = (st + 2) % 3
            eb, rows = ebs[x], rowss[x]

            @plsc.parallel_loop(0, K // L, unroll=4)
            def _(j):
                jj = pl.ds(j * L, L)
                r16 = eb[0, jj]
                ew16 = plsc.bitcast(eb[2, jj], jnp.float32)
                nbuf[jj] = ew16 * plsc.load_gather(dinv_full, [r16])

            @pl.when(i + 1 < NBT)
            def _():
                pltpu.make_async_copy(einfo.at[0], ebs[y], sem_es[y]).wait()

                @pl.when(i >= 2)
                def _():
                    pltpu.make_async_copy(
                        xwi.at[pl.ds(0, K)], rowss[y], sem_ss[y]).wait()

                build_and_gather(y)

            @pl.when(i + 2 < NBT)
            def _():
                pltpu.async_copy(einfo.at[base + i + 2], ebs[z], sem_es[z])

            pltpu.make_async_copy(xwi.at[pl.ds(0, K)], rows, sem_gs[x]).wait()

            @plsc.parallel_loop(0, K, unroll=8)
            def _(r):
                ns = plsc.load_gather(nbuf, [jnp.full((L,), r, jnp.int32)])
                nsb = plsc.pack(ns, ns, format=plsc.PackFormat.INTERLEAVED)
                for cc in range(H // 32):
                    rows[r, cc * 32:(cc + 1) * 32] = (
                        rows[r, cc * 32:(cc + 1) * 32] * nsb)

            pltpu.async_copy(rows, acc_sp.at[cbs[x]], sem_ss[x], add=True)
        return 0

    lax.fori_loop(0, NBT // 3, body, 0)
    pltpu.make_async_copy(xwi.at[pl.ds(0, K)], rows0, sem_s0).wait()
    pltpu.make_async_copy(xwi.at[pl.ds(0, K)], rows1, sem_s1).wait()
    pltpu.make_async_copy(xwi.at[pl.ds(0, K)], rows2, sem_s2).wait()
    plsc.subcore_barrier()

    pltpu.sync_copy(acc_sp.at[sl], acc_out.at[c, sl])


def _sc_msg(einfo, xwi, dinv, z2):
    f32 = jnp.float32
    bf16 = jnp.bfloat16
    i32 = jnp.int32
    kern = pl.kernel(
        _scmsg_body,
        mesh=plsc.VectorSubcoreMesh(core_axis_name="c", subcore_axis_name="s"),
        compiler_params=pltpu.CompilerParams(
            needs_layout_passes=False, use_tc_tiling_on_sc=False),
        out_type=jax.ShapeDtypeStruct((NC, NN, H), bf16),
        scratch_types=(
            [pltpu.VMEM((3, K), i32)] * 3
            + [pltpu.VMEM((K,), i32)] * 6
            + [pltpu.VMEM((K, H), bf16)] * 3
            + [pltpu.VMEM((K,), f32), pltpu.VMEM((NN,), f32),
               pltpu.VMEM_SHARED((NN, H), bf16)]
            + [pltpu.SemaphoreType.DMA] * 9
        ),
    )
    return kern(einfo, xwi, dinv, z2)


def _t2_body(acc, dinv, bsel, act, A1, b1, A2, b2, F1, fb1, F2, fb2,
             out, s_ref):
    m = pl.program_id(0)
    nblk = pl.num_programs(0)
    BLK = acc.shape[1]

    @pl.when(m == 0)
    def _():
        s_ref[...] = jnp.zeros_like(s_ref)

    r = m * BLK + lax.broadcasted_iota(jnp.int32, (BLK, 1), 0)
    mask = ((r < N) | ((r >= NP) & (r < NP + N))).astype(jnp.float32)
    g = m // (nblk // 2)

    dv = dinv[...]
    bg = bsel[pl.ds(g, 1), :]
    a0 = acc[0].astype(jnp.float32)
    a1 = acc[1].astype(jnp.float32)
    v0 = jax.nn.relu(dv * a0 + bg[0:1, 0:H])
    v1 = jax.nn.relu(dv * a1 + bg[0:1, H:D])
    s0 = jnp.sum(v0 * mask, axis=0, keepdims=True)
    s1 = jnp.sum(v1 * mask, axis=0, keepdims=True)
    s_ref[pl.ds(g, 1), 0:H] += s0
    s_ref[pl.ds(g, 1), H:D] += s1

    @pl.when(m == nblk - 1)
    def _():
        inv_n = jnp.float32(1.0 / N)
        emb_n = s_ref[0:1, :] * inv_n
        emb_d = s_ref[1:2, :] * inv_n
        hh = act[...] @ A1[...] + b1[...]
        hh = hh * jnp.tanh(jax.nn.softplus(hh))
        ae = hh @ A2[...] + b2[...]
        h2 = jax.nn.relu(
            emb_n @ F1[0:D, :] + emb_d @ F1[D:2 * D, :]
            + ae @ F1[2 * D:3 * D, :] + fb1[...])
        sv = jnp.sum(h2 * F2[...].T, axis=1, keepdims=True) + fb2[...]
        out[...] = jnp.broadcast_to(sv, out.shape)


def _t2(acc, dinv, bsel, act, A1, b1, A2, b2, F1, fb1, F2, fb2):
    BLK = 512
    nblk = NN // BLK
    cs = lambda shape: pl.BlockSpec(shape, lambda m: tuple(0 for _ in shape))
    return pl.pallas_call(
        _t2_body,
        grid=(nblk,),
        in_specs=[
            pl.BlockSpec((NC, BLK, H), lambda m: (0, m, 0)),
            pl.BlockSpec((BLK, 1), lambda m: (m, 0)),
            cs((2, D)),
            cs((1, 512)),
            cs((512, D)), cs((1, D)),
            cs((D, D)), cs((1, D)),
            cs((3 * D, D)), cs((1, D)),
            cs((D, 1)), cs((1, 1)),
        ],
        out_specs=pl.BlockSpec((1, D), lambda m: (0, 0)),
        out_shape=jax.ShapeDtypeStruct((1, D), jnp.float32),
        scratch_shapes=[pltpu.VMEM((8, D), jnp.float32)],
    )(acc, dinv, bsel, act, A1, b1, A2, b2, F1, fb1, F2, fb2)


def _prep(nei, new, dei, dew):
    i32 = jnp.int32
    f32 = jnp.float32
    ar = jnp.arange(N, dtype=i32)
    pad = PE - (new.shape[0] + dew.shape[0] + 2 * N)
    row = jnp.concatenate(
        [nei[0], ar, NP + dei[0], NP + ar, jnp.zeros((pad,), i32)])
    col = jnp.concatenate(
        [nei[1], ar, NP + dei[1], NP + ar, jnp.full((pad,), N, i32)])
    ew = jnp.concatenate(
        [new, jnp.ones((N,), f32), dew, jnp.ones((N,), f32),
         jnp.zeros((pad,), f32)])
    return jnp.concatenate(
        [row.reshape(NB, 1, K), col.reshape(NB, 1, K),
         lax.bitcast_convert_type(ew, i32).reshape(NB, 1, K)], axis=1)


def kernel(net_feat, net_edge_index, net_edge_weights, dag_feat,
           dag_edge_index, dag_edge_weights, action, net_W, net_b, dag_W,
           dag_b, A1, b1, A2, b2, F1, fb1, F2, fb2):
    einfo = _prep(net_edge_index, net_edge_weights,
                  dag_edge_index, dag_edge_weights)
    z1 = jnp.zeros((NN,), jnp.float32)
    z2 = jnp.zeros((NN, H), jnp.bfloat16)
    deg = _sc_deg(einfo, z1)
    pad_rows = jnp.zeros((NP - N, D), jnp.float32)
    nf = jnp.concatenate([net_feat, pad_rows])
    df = jnp.concatenate([dag_feat, pad_rows])
    xw, dinv = _t1(nf, net_W, df, dag_W, deg)
    acc = _sc_msg(einfo, xw.reshape(4 * NP, H), dinv.reshape(NN), z2)
    bsel = jnp.stack([net_b, dag_b])
    sv = _t2(acc, dinv.reshape(NN, 1), bsel, action.reshape(1, -1),
             A1, b1.reshape(1, D), A2, b2.reshape(1, D),
             F1, fb1.reshape(1, D), F2, fb2.reshape(1, 1))
    return sv[0, :1]

# --- scband reference (transcript-rebuilt; emitter-appended) ---
"""Pipeline reference for scband-gcn-critic-26422638805484 (READ-ONLY COPY).

The authoritative reference and input builder live on the scoring server;
editing this copy changes nothing except your own understanding.
"""

import jax, jax.numpy as jnp
import numpy as np


def gcn_conv(x, edge_index, edge_weight, W, b):
    N = x.shape[0]
    row = edge_index[0]
    col = edge_index[1]
    loop = jnp.arange(N, dtype=edge_index.dtype)
    row = jnp.concatenate([row, loop])
    col = jnp.concatenate([col, loop])
    ew = jnp.concatenate([edge_weight, jnp.ones((N,), x.dtype)])
    deg = jnp.zeros((N,), x.dtype).at[col].add(ew)
    dinv = jnp.where(deg > 0, deg ** -0.5, 0.0)
    norm = dinv[row] * ew * dinv[col]
    xw = x @ W
    msg = xw[row] * norm[:, None]
    out = jnp.zeros((N, W.shape[1]), x.dtype).at[col].add(msg)
    return out + b


def mish(x):
    return x * jnp.tanh(jax.nn.softplus(x))


def setup_inputs(seed: int = 0):
    key = jax.random.key(seed)
    ks = jax.random.split(key, 20)
    N_net, E_net, d_net = 10000, 320000, 128
    N_dag, E_dag, d_dag = 10000, 160000, 128
    d_emb = 128
    act_in = 64 * 8
    s = 0.05
    inp = {}
    inp["net_feat"] = jax.random.normal(ks[0], (N_net, d_net), jnp.float32)
    inp["net_edge_index"] = jax.random.randint(ks[1], (2, E_net), 0, N_net, dtype=jnp.int32)
    inp["net_edge_weights"] = jax.random.uniform(ks[2], (E_net,), jnp.float32)
    inp["dag_feat"] = jax.random.normal(ks[3], (N_dag, d_dag), jnp.float32)
    inp["dag_edge_index"] = jax.random.randint(ks[4], (2, E_dag), 0, N_dag, dtype=jnp.int32)
    inp["dag_edge_weights"] = jax.random.uniform(ks[5], (E_dag,), jnp.float32)
    inp["action"] = jax.random.normal(ks[6], (act_in,), jnp.float32)
    inp["net_W"] = jax.random.normal(ks[7], (d_net, d_emb), jnp.float32) * s
    inp["net_b"] = jax.random.normal(ks[8], (d_emb,), jnp.float32) * s
    inp["dag_W"] = jax.random.normal(ks[9], (d_dag, d_emb), jnp.float32) * s
    inp["dag_b"] = jax.random.normal(ks[10], (d_emb,), jnp.float32) * s
    inp["A1"] = jax.random.normal(ks[11], (act_in, d_emb), jnp.float32) * s
    inp["b1"] = jax.random.normal(ks[12], (d_emb,), jnp.float32) * s
    inp["A2"] = jax.random.normal(ks[13], (d_emb, d_emb), jnp.float32) * s
    inp["b2"] = jax.random.normal(ks[14], (d_emb,), jnp.float32) * s
    inp["F1"] = jax.random.normal(ks[15], (3 * d_emb, d_emb), jnp.float32) * s
    inp["fb1"] = jax.random.normal(ks[16], (d_emb,), jnp.float32) * s
    inp["F2"] = jax.random.normal(ks[17], (d_emb, 1), jnp.float32) * s
    inp["fb2"] = jax.random.normal(ks[18], (1,), jnp.float32) * s
    return inp


def reference(net_feat, net_edge_index, net_edge_weights, dag_feat, dag_edge_index, dag_edge_weights, action, net_W, net_b, dag_W, dag_b, A1, b1, A2, b2, F1, fb1, F2, fb2):
    # action encoder: Linear -> Mish -> Linear
    h = mish(action @ A1 + b1)
    action_embedding = h @ A2 + b2
    # GCN encoders
    net_embedding = jax.nn.relu(gcn_conv(net_feat, net_edge_index, net_edge_weights, net_W, net_b))
    dag_embedding = jax.nn.relu(gcn_conv(dag_feat, dag_edge_index, dag_edge_weights, dag_W, dag_b))
    # no batch vectors: global mean over nodes
    net_embedding = net_embedding.mean(axis=0)
    dag_embedding = dag_embedding.mean(axis=0)
    combined = jnp.concatenate([net_embedding, dag_embedding, action_embedding], axis=-1)
    h2 = jax.nn.relu(combined @ F1 + fb1)
    state_val = h2 @ F2 + fb2
    return state_val

if __name__ == "__main__":
    import jax
    _d = setup_inputs()
    print(jax.jit(kernel)(*tuple(_d.values())))

</pallas_src>

<mosaic_0001>
#map = affine_map<(d0, d1) -> (0, 0, 0)>
#map1 = affine_map<(d0, d1) -> (0)>
#map2 = affine_map<(d0, d1) -> (0, 0)>
module attributes {stable_mosaic.version = 14 : i64} {
  func.func @_scdeg_body(%arg0: i32, %arg1: i32, %arg2: memref<4032x3x128xi32, #tpu.memory_space<hbm>>, %arg3: memref<20480xf32, #tpu.memory_space<hbm>>, %arg4: memref<2x20480xf32, #tpu.memory_space<hbm>>, %arg5: memref<3x128xi32, #tpu.memory_space<vmem>>, %arg6: memref<3x128xi32, #tpu.memory_space<vmem>>, %arg7: memref<128xi32, #tpu.memory_space<vmem>>, %arg8: memref<128xi32, #tpu.memory_space<vmem>>, %arg9: memref<128xf32, #tpu.memory_space<vmem>>, %arg10: memref<128xf32, #tpu.memory_space<vmem>>, %arg11: memref<20480xf32, #tpu.memory_space<vmem_shared>>, %arg12: memref<!tpu.dma_semaphore, #tpu.memory_space<semaphore_mem>>, %arg13: memref<!tpu.dma_semaphore, #tpu.memory_space<semaphore_mem>>, %arg14: memref<!tpu.dma_semaphore, #tpu.memory_space<semaphore_mem>>, %arg15: memref<!tpu.dma_semaphore, #tpu.memory_space<semaphore_mem>>) attributes {dimension_semantics = [#tpu.dimension_semantics<core_parallel>, #tpu.dimension_semantics<subcore_parallel>], iteration_bounds = array<i64: 2, 16>, scalar_prefetch = 0 : i64, scratch_operands = 11 : i64, tpu.core_type = #tpu.core_type<sc_vector_subcore>, window_params = [{transform_indices = #map}, {transform_indices = #map1}, {transform_indices = #map2}]} {
    %mul3A = arith.constant 1280 : i32
    %mul3A_0 = arith.muli %arg1, %mul3A : i32
    "tpu.region"() ({
      %run_scoped3A = tpu.sem_alloc : memref<!tpu.dma_semaphore, #tpu.memory_space<semaphore_mem>>
      %dma_start3A_36 = tpu.memref_slice %arg11[%mul3A_0] : memref<20480xf32, #tpu.memory_space<vmem_shared>> -> memref<1280xf32, #tpu.memory_space<vmem_shared>>
      %dma_start3A_37 = tpu.memref_slice %arg3[%mul3A_0] : memref<20480xf32, #tpu.memory_space<hbm>> -> memref<1280xf32, #tpu.memory_space<hbm>>
      tpu.enqueue_dma source(%dma_start3A_37 : memref<1280xf32, #tpu.memory_space<hbm>>) target(%dma_start3A_36 : memref<1280xf32, #tpu.memory_space<vmem_shared>>) target_semaphore(%run_scoped3A : memref<!tpu.dma_semaphore, #tpu.memory_space<semaphore_mem>>)
      %dma_wait3A_38 = tpu.memref_slice %arg11[%mul3A_0] : memref<20480xf32, #tpu.memory_space<vmem_shared>> -> memref<1280xf32, #tpu.memory_space<vmem_shared>>
      %dma_wait3A_39 = tpu.memref_slice %arg3[%mul3A_0] : memref<20480xf32, #tpu.memory_space<hbm>> -> memref<1280xf32, #tpu.memory_space<hbm>>
      tpu.wait_dma2 semaphore(%run_scoped3A : memref<!tpu.dma_semaphore, #tpu.memory_space<semaphore_mem>>) src(%dma_wait3A_39 : memref<1280xf32, #tpu.memory_space<hbm>>) dst(%dma_wait3A_38 : memref<1280xf32, #tpu.memory_space<vmem_shared>>)
      tpu.yield
    }) : () -> ()
    %barrier3A = arith.constant 0 : index
    tpu.barrier barrier_id(%barrier3A)
    %mul3A_1 = arith.constant 16 : i32
    %mul3A_2 = arith.muli %arg0, %mul3A_1 : i32
    %add3A = arith.addi %mul3A_2, %arg1 : i32
    %mul3A_3 = arith.constant 126 : i32
    %mul3A_4 = arith.muli %add3A, %mul3A_3 : i32
    %dma_start3A = arith.constant 0 : i32
    %dma_start3A_5 = arith.constant 0 : i32
    %dma_start3A_6 = tpu.memref_slice %arg2[%mul3A_4, %dma_start3A, %dma_start3A_5] : memref<4032x3x128xi32, #tpu.memory_space<hbm>> -> memref<1x3x128xi32, #tpu.memory_space<hbm>>
    %dma_start3A_7 = tpu.memref_squeeze %dma_start3A_6 : memref<1x3x128xi32, #tpu.memory_space<hbm>> -> memref<3x128xi32, #tpu.memory_space<hbm>>
    %dma_start3A_8 = arith.constant 0 : i32
    %dma_start3A_9 = arith.constant 0 : i32
    %dma_start3A_10 = tpu.memref_slice %arg2[%mul3A_4, %dma_start3A_8, %dma_start3A_9] : memref<4032x3x128xi32, #tpu.memory_space<hbm>> -> memref<1x3x128xi32, #tpu.memory_space<hbm>>
    %dma_start3A_11 = tpu.memref_squeeze %dma_start3A_10 : memref<1x3x128xi32, #tpu.memory_space<hbm>> -> memref<3x128xi32, #tpu.memory_space<hbm>>
    tpu.enqueue_dma source(%dma_start3A_11 : memref<3x128xi32, #tpu.memory_space<hbm>>) target(%arg5 : memref<3x128xi32, #tpu.memory_space<vmem>>) target_semaphore(%arg12 : memref<!tpu.dma_semaphore, #tpu.memory_space<semaphore_mem>>)
    %add3A_12 = arith.constant 1 : i32
    %add3A_13 = arith.addi %mul3A_4, %add3A_12 : i32
    %dma_start3A_14 = arith.constant 0 : i32
    %dma_start3A_15 = arith.constant 0 : i32
    %dma_start3A_16 = tpu.memref_slice %arg2[%add3A_13, %dma_start3A_14, %dma_start3A_15] : memref<4032x3x128xi32, #tpu.memory_space<hbm>> -> memref<1x3x128xi32, #tpu.memory_space<hbm>>
    %dma_start3A_17 = tpu.memref_squeeze %dma_start3A_16 : memref<1x3x128xi32, #tpu.memory_space<hbm>> -> memref<3x128xi32, #tpu.memory_space<hbm>>
    %dma_start3A_18 = arith.constant 0 : i32
    %dma_start3A_19 = arith.constant 0 : i32
    %dma_start3A_20 = tpu.memref_slice %arg2[%add3A_13, %dma_start3A_18, %dma_start3A_19] : memref<4032x3x128xi32, #tpu.memory_space<hbm>> -> memref<1x3x128xi32, #tpu.memory_space<hbm>>
    %dma_start3A_21 = tpu.memref_squeeze %dma_start3A_20 : memref<1x3x128xi32, #tpu.memory_space<hbm>> -> memref<3x128xi32, #tpu.memory_space<hbm>>
    tpu.enqueue_dma source(%dma_start3A_21 : memref<3x128xi32, #tpu.memory_space<hbm>>) target(%arg6 : memref<3x128xi32, #tpu.memory_space<vmem>>) target_semaphore(%arg13 : memref<!tpu.dma_semaphore, #tpu.memory_space<semaphore_mem>>)
    %scan3A = arith.constant 0 : i32
    %scan3A_22 = arith.constant 0 : i32
    %scan3A_23 = arith.constant 63 : i32
    %scan3A_24 = arith.addi %scan3A_22, %scan3A_23 : i32
    %scan3A_25 = arith.constant 1 : i32
    %scan3A_26 = scf.for %scan3A_36 = %scan3A_22 to %scan3A_24 step %scan3A_25 iter_args(%scan3A_37 = %scan3A) -> (i32)  : i32 {
      %mul3A_38 = arith.constant 2 : i32
      %mul3A_39 = arith.muli %scan3A_36, %mul3A_38 : i32
      %add3A_40 = arith.constant 0 : i32
      %add3A_41 = arith.addi %mul3A_39, %add3A_40 : i32
      %dma_wait3A_42 = arith.constant 0 : i32
      %dma_wait3A_43 = arith.constant 0 : i32
      %dma_wait3A_44 = arith.constant 0 : i32
      %dma_wait3A_45 = tpu.memref_slice %arg2[%dma_wait3A_42, %dma_wait3A_43, %dma_wait3A_44] : memref<4032x3x128xi32, #tpu.memory_space<hbm>> -> memref<1x3x128xi32, #tpu.memory_space<hbm>>
      %dma_wait3A_46 = tpu.memref_squeeze %dma_wait3A_45 : memref<1x3x128xi32, #tpu.memory_space<hbm>> -> memref<3x128xi32, #tpu.memory_space<hbm>>
      %dma_wait3A_47 = arith.constant 0 : i32
      %dma_wait3A_48 = arith.constant 0 : i32
      %dma_wait3A_49 = tpu.memref_slice %arg2[%dma_wait3A_42, %dma_wait3A_47, %dma_wait3A_48] : memref<4032x3x128xi32, #tpu.memory_space<hbm>> -> memref<1x3x128xi32, #tpu.memory_space<hbm>>
      %dma_wait3A_50 = tpu.memref_squeeze %dma_wait3A_49 : memref<1x3x128xi32, #tpu.memory_space<hbm>> -> memref<3x128xi32, #tpu.memory_space<hbm>>
      tpu.wait_dma2 semaphore(%arg12 : memref<!tpu.dma_semaphore, #tpu.memory_space<semaphore_mem>>) src(%dma_wait3A_50 : memref<3x128xi32, #tpu.memory_space<hbm>>) dst(%arg5 : memref<3x128xi32, #tpu.memory_space<vmem>>)
      %gt3A = arith.constant 0 : i32
      %gt3A_51 = arith.cmpi sgt, %scan3A_36, %gt3A : i32
      %convert_element_type3A = arith.extui %gt3A_51 : i1 to i32
      %cond3A = arith.constant 0 : i32
      %cond3A_52 = arith.cmpi ne, %convert_element_type3A, %cond3A : i32
      scf.if %cond3A_52 {
        %dma_wait3A_94 = arith.constant 0 : i32
        %dma_wait3A_95 = tpu.memref_slice %arg3[%dma_wait3A_94] : memref<20480xf32, #tpu.memory_space<hbm>> -> memref<128xf32, #tpu.memory_space<hbm>>
        %dma_wait3A_96 = arith.constant 0 : i32
        %dma_wait3A_97 = tpu.memref_slice %arg3[%dma_wait3A_96] : memref<20480xf32, #tpu.memory_space<hbm>> -> memref<128xf32, #tpu.memory_space<hbm>>
        tpu.wait_dma2 semaphore(%arg14 : memref<!tpu.dma_semaphore, #tpu.memory_space<semaphore_mem>>) src(%dma_wait3A_97 : memref<128xf32, #tpu.memory_space<hbm>>) dst(%arg9 : memref<128xf32, #tpu.memory_space<vmem>>)
      } else {
      }
      %parallel_loop3A = arith.constant 0 : i32
      %parallel_loop3A_53 = arith.constant 8 : i32
      %parallel_loop3A_54 = arith.constant 1 : i32
      scf.for %parallel_loop3A_94 = %parallel_loop3A to %parallel_loop3A_53 step %parallel_loop3A_54  : i32 {
        %parallel_loop3A_95 = arith.constant 16 : i32
        %parallel_loop3A_96 = arith.muli %parallel_loop3A_94, %parallel_loop3A_95 : i32
        %parallel_loop3A_97 = arith.constant 1 : i32
        %parallel_loop3A_98 = arith.index_cast %parallel_loop3A_97 : i32 to index
        %parallel_loop3A_99 = arith.index_cast %parallel_loop3A_96 : i32 to index
        %parallel_loop3A_100 = tpu.vector_load %arg5[%parallel_loop3A_98, %parallel_loop3A_99] {strides = array<i32>} : memref<3x128xi32, #tpu.memory_space<vmem>>, vector<16xi32>,
        %parallel_loop3A_101 = arith.index_cast %parallel_loop3A_96 : i32 to index
        %parallel_loop3A_102 = tpu.vector_load %arg7[%parallel_loop3A_101] {strides = array<i32>} : memref<128xi32, #tpu.memory_space<vmem>>, vector<16xi32>,
        tpu.vector_store %arg7[%parallel_loop3A_101], %parallel_loop3A_100 {strides = array<i32>} : memref<128xi32, #tpu.memory_space<vmem>>, vector<16xi32>,
        %parallel_loop3A_103 = arith.constant 2 : i32
        %parallel_loop3A_104 = arith.index_cast %parallel_loop3A_103 : i32 to index
        %parallel_loop3A_105 = arith.index_cast %parallel_loop3A_96 : i32 to index
        %parallel_loop3A_106 = tpu.vector_load %arg5[%parallel_loop3A_104, %parallel_loop3A_105] {strides = array<i32>} : memref<3x128xi32, #tpu.memory_space<vmem>>, vector<16xi32>,
        %parallel_loop3A_107 = vector.bitcast %parallel_loop3A_106 : vector<16xi32> to vector<16xf32>
        %parallel_loop3A_108 = arith.index_cast %parallel_loop3A_96 : i32 to index
        %parallel_loop3A_109 = tpu.vector_load %arg9[%parallel_loop3A_108] {strides = array<i32>} : memref<128xf32, #tpu.memory_space<vmem>>, vector<16xf32>,
        tpu.vector_store %arg9[%parallel_loop3A_108], %parallel_loop3A_107 {strides = array<i32>} : memref<128xf32, #tpu.memory_space<vmem>>, vector<16xf32>,
      } {sc.loop_unroll_factor = 4 : i64, sc.parallel_access}
      %add3A_55 = arith.constant 2 : i32
      %add3A_56 = arith.addi %add3A_41, %add3A_55 : i32
      %lt3A = arith.constant 126 : i32
      %lt3A_57 = arith.cmpi slt, %add3A_56, %lt3A : i32
      %convert_element_type3A_58 = arith.extui %lt3A_57 : i1 to i32
      %cond3A_59 = arith.constant 0 : i32
      %cond3A_60 = arith.cmpi ne, %convert_element_type3A_58, %cond3A_59 : i32
      scf.if %cond3A_60 {
        %add3A_94 = arith.addi %mul3A_4, %add3A_41 : i32
        %add3A_95 = arith.constant 2 : i32
        %add3A_96 = arith.addi %add3A_94, %add3A_95 : i32
        %dma_start3A_97 = arith.constant 0 : i32
        %dma_start3A_98 = arith.constant 0 : i32
        %dma_start3A_99 = tpu.memref_slice %arg2[%add3A_96, %dma_start3A_97, %dma_start3A_98] : memref<4032x3x128xi32, #tpu.memory_space<hbm>> -> memref<1x3x128xi32, #tpu.memory_space<hbm>>
        %dma_start3A_100 = tpu.memref_squeeze %dma_start3A_99 : memref<1x3x128xi32, #tpu.memory_space<hbm>> -> memref<3x128xi32, #tpu.memory_space<hbm>>
        %dma_start3A_101 = arith.constant 0 : i32
        %dma_start3A_102 = arith.constant 0 : i32
        %dma_start3A_103 = tpu.memref_slice %arg2[%add3A_96, %dma_start3A_101, %dma_start3A_102] : memref<4032x3x128xi32, #tpu.memory_space<hbm>> -> memref<1x3x128xi32, #tpu.memory_space<hbm>>
        %dma_start3A_104 = tpu.memref_squeeze %dma_start3A_103 : memref<1x3x128xi32, #tpu.memory_space<hbm>> -> memref<3x128xi32, #tpu.memory_space<hbm>>
        tpu.enqueue_dma source(%dma_start3A_104 : memref<3x128xi32, #tpu.memory_space<hbm>>) target(%arg5 : memref<3x128xi32, #tpu.memory_space<vmem>>) target_semaphore(%arg12 : memref<!tpu.dma_semaphore, #tpu.memory_space<semaphore_mem>>)
      } else {
      }
      %dma_start3A_61 = arith.constant 0 : i32
      %dma_start3A_62 = tpu.memref_slice %arg11[%dma_start3A_61] : memref<20480xf32, #tpu.memory_space<vmem_shared>> -> memref<20480xf32, #tpu.memory_space<vmem_shared>>
      tpu.enqueue_indirect_dma source(%arg9 : memref<128xf32, #tpu.memory_space<vmem>>) target(%dma_start3A_62 : memref<20480xf32, #tpu.memory_space<vmem_shared>>) offsets(%arg7 : memref<128xi32, #tpu.memory_space<vmem>>) semaphore(%arg14 : memref<!tpu.dma_semaphore, #tpu.memory_space<semaphore_mem>>) {add = true}
      %mul3A_63 = arith.constant 2 : i32
      %mul3A_64 = arith.muli %scan3A_36, %mul3A_63 : i32
      %add3A_65 = arith.constant 1 : i32
      %add3A_66 = arith.addi %mul3A_64, %add3A_65 : i32
      %dma_wait3A_67 = arith.constant 0 : i32
      %dma_wait3A_68 = arith.constant 0 : i32
      %dma_wait3A_69 = arith.constant 0 : i32
      %dma_wait3A_70 = tpu.memref_slice %arg2[%dma_wait3A_67, %dma_wait3A_68, %dma_wait3A_69] : memref<4032x3x128xi32, #tpu.memory_space<hbm>> -> memref<1x3x128xi32, #tpu.memory_space<hbm>>
      %dma_wait3A_71 = tpu.memref_squeeze %dma_wait3A_70 : memref<1x3x128xi32, #tpu.memory_space<hbm>> -> memref<3x128xi32, #tpu.memory_space<hbm>>
      %dma_wait3A_72 = arith.constant 0 : i32
      %dma_wait3A_73 = arith.constant 0 : i32
      %dma_wait3A_74 = tpu.memref_slice %arg2[%dma_wait3A_67, %dma_wait3A_72, %dma_wait3A_73] : memref<4032x3x128xi32, #tpu.memory_space<hbm>> -> memref<1x3x128xi32, #tpu.memory_space<hbm>>
      %dma_wait3A_75 = tpu.memref_squeeze %dma_wait3A_74 : memref<1x3x128xi32, #tpu.memory_space<hbm>> -> memref<3x128xi32, #tpu.memory_space<hbm>>
      tpu.wait_dma2 semaphore(%arg13 : memref<!tpu.dma_semaphore, #tpu.memory_space<semaphore_mem>>) src(%dma_wait3A_75 : memref<3x128xi32, #tpu.memory_space<hbm>>) dst(%arg6 : memref<3x128xi32, #tpu.memory_space<vmem>>)
      %gt3A_76 = arith.constant 0 : i32
      %gt3A_77 = arith.cmpi sgt, %scan3A_36, %gt3A_76 : i32
      %convert_element_type3A_78 = arith.extui %gt3A_77 : i1 to i32
      %cond3A_79 = arith.constant 0 : i32
      %cond3A_80 = arith.cmpi ne, %convert_element_type3A_78, %cond3A_79 : i32
      scf.if %cond3A_80 {
        %dma_wait3A_94 = arith.constant 0 : i32
        %dma_wait3A_95 = tpu.memref_slice %arg3[%dma_wait3A_94] : memref<20480xf32, #tpu.memory_space<hbm>> -> memref<128xf32, #tpu.memory_space<hbm>>
        %dma_wait3A_96 = arith.constant 0 : i32
        %dma_wait3A_97 = tpu.memref_slice %arg3[%dma_wait3A_96] : memref<20480xf32, #tpu.memory_space<hbm>> -> memref<128xf32, #tpu.memory_space<hbm>>
        tpu.wait_dma2 semaphore(%arg15 : memref<!tpu.dma_semaphore, #tpu.memory_space<semaphore_mem>>) src(%dma_wait3A_97 : memref<128xf32, #tpu.memory_space<hbm>>) dst(%arg10 : memref<128xf32, #tpu.memory_space<vmem>>)
      } else {
      }
      %parallel_loop3A_81 = arith.constant 0 : i32
      %parallel_loop3A_82 = arith.constant 8 : i32
      %parallel_loop3A_83 = arith.constant 1 : i32
      scf.for %parallel_loop3A_94 = %parallel_loop3A_81 to %parallel_loop3A_82 step %parallel_loop3A_83  : i32 {
        %parallel_loop3A_95 = arith.constant 16 : i32
        %parallel_loop3A_96 = arith.muli %parallel_loop3A_94, %parallel_loop3A_95 : i32
        %parallel_loop3A_97 = arith.constant 1 : i32
        %parallel_loop3A_98 = arith.index_cast %parallel_loop3A_97 : i32 to index
        %parallel_loop3A_99 = arith.index_cast %parallel_loop3A_96 : i32 to index
        %parallel_loop3A_100 = tpu.vector_load %arg6[%parallel_loop3A_98, %parallel_loop3A_99] {strides = array<i32>} : memref<3x128xi32, #tpu.memory_space<vmem>>, vector<16xi32>,
        %parallel_loop3A_101 = arith.index_cast %parallel_loop3A_96 : i32 to index
        %parallel_loop3A_102 = tpu.vector_load %arg8[%parallel_loop3A_101] {strides = array<i32>} : memref<128xi32, #tpu.memory_space<vmem>>, vector<16xi32>,
        tpu.vector_store %arg8[%parallel_loop3A_101], %parallel_loop3A_100 {strides = array<i32>} : memref<128xi32, #tpu.memory_space<vmem>>, vector<16xi32>,
        %parallel_loop3A_103 = arith.constant 2 : i32
        %parallel_loop3A_104 = arith.index_cast %parallel_loop3A_103 : i32 to index
        %parallel_loop3A_105 = arith.index_cast %parallel_loop3A_96 : i32 to index
        %parallel_loop3A_106 = tpu.vector_load %arg6[%parallel_loop3A_104, %parallel_loop3A_105] {strides = array<i32>} : memref<3x128xi32, #tpu.memory_space<vmem>>, vector<16xi32>,
        %parallel_loop3A_107 = vector.bitcast %parallel_loop3A_106 : vector<16xi32> to vector<16xf32>
        %parallel_loop3A_108 = arith.index_cast %parallel_loop3A_96 : i32 to index
        %parallel_loop3A_109 = tpu.vector_load %arg10[%parallel_loop3A_108] {strides = array<i32>} : memref<128xf32, #tpu.memory_space<vmem>>, vector<16xf32>,
        tpu.vector_store %arg10[%parallel_loop3A_108], %parallel_loop3A_107 {strides = array<i32>} : memref<128xf32, #tpu.memory_space<vmem>>, vector<16xf32>,
      } {sc.loop_unroll_factor = 4 : i64, sc.parallel_access}
      %add3A_84 = arith.constant 2 : i32
      %add3A_85 = arith.addi %add3A_66, %add3A_84 : i32
      %lt3A_86 = arith.constant 126 : i32
      %lt3A_87 = arith.cmpi slt, %add3A_85, %lt3A_86 : i32
      %convert_element_type3A_88 = arith.extui %lt3A_87 : i1 to i32
      %cond3A_89 = arith.constant 0 : i32
      %cond3A_90 = arith.cmpi ne, %convert_element_type3A_88, %cond3A_89 : i32
      scf.if %cond3A_90 {
        %add3A_94 = arith.addi %mul3A_4, %add3A_66 : i32
        %add3A_95 = arith.constant 2 : i32
        %add3A_96 = arith.addi %add3A_94, %add3A_95 : i32
        %dma_start3A_97 = arith.constant 0 : i32
        %dma_start3A_98 = arith.constant 0 : i32
        %dma_start3A_99 = tpu.memref_slice %arg2[%add3A_96, %dma_start3A_97, %dma_start3A_98] : memref<4032x3x128xi32, #tpu.memory_space<hbm>> -> memref<1x3x128xi32, #tpu.memory_space<hbm>>
        %dma_start3A_100 = tpu.memref_squeeze %dma_start3A_99 : memref<1x3x128xi32, #tpu.memory_space<hbm>> -> memref<3x128xi32, #tpu.memory_space<hbm>>
        %dma_start3A_101 = arith.constant 0 : i32
        %dma_start3A_102 = arith.constant 0 : i32
        %dma_start3A_103 = tpu.memref_slice %arg2[%add3A_96, %dma_start3A_101, %dma_start3A_102] : memref<4032x3x128xi32, #tpu.memory_space<hbm>> -> memref<1x3x128xi32, #tpu.memory_space<hbm>>
        %dma_start3A_104 = tpu.memref_squeeze %dma_start3A_103 : memref<1x3x128xi32, #tpu.memory_space<hbm>> -> memref<3x128xi32, #tpu.memory_space<hbm>>
        tpu.enqueue_dma source(%dma_start3A_104 : memref<3x128xi32, #tpu.memory_space<hbm>>) target(%arg6 : memref<3x128xi32, #tpu.memory_space<vmem>>) target_semaphore(%arg13 : memref<!tpu.dma_semaphore, #tpu.memory_space<semaphore_mem>>)
      } else {
      }
      %dma_start3A_91 = arith.constant 0 : i32
      %dma_start3A_92 = tpu.memref_slice %arg11[%dma_start3A_91] : memref<20480xf32, #tpu.memory_space<vmem_shared>> -> memref<20480xf32, #tpu.memory_space<vmem_shared>>
      tpu.enqueue_indirect_dma source(%arg10 : memref<128xf32, #tpu.memory_space<vmem>>) target(%dma_start3A_92 : memref<20480xf32, #tpu.memory_space<vmem_shared>>) offsets(%arg8 : memref<128xi32, #tpu.memory_space<vmem>>) semaphore(%arg15 : memref<!tpu.dma_semaphore, #tpu.memory_space<semaphore_mem>>) {add = true}
      %scan3A_93 = arith.constant 0 : i32
      scf.yield %scan3A_93 : i32
    }
    %scan3A_27 = arith.constant 63 : i32
    %dma_wait3A = arith.constant 0 : i32
    %dma_wait3A_28 = tpu.memref_slice %arg3[%dma_wait3A] : memref<20480xf32, #tpu.memory_space<hbm>> -> memref<128xf32, #tpu.memory_space<hbm>>
    %dma_wait3A_29 = arith.constant 0 : i32
    %dma_wait3A_30 = tpu.memref_slice %arg3[%dma_wait3A_29] : memref<20480xf32, #tpu.memory_space<hbm>> -> memref<128xf32, #tpu.memory_space<hbm>>
    tpu.wait_dma2 semaphore(%arg14 : memref<!tpu.dma_semaphore, #tpu.memory_space<semaphore_mem>>) src(%dma_wait3A_30 : memref<128xf32, #tpu.memory_space<hbm>>) dst(%arg9 : memref<128xf32, #tpu.memory_space<vmem>>)
    %dma_wait3A_31 = arith.constant 0 : i32
    %dma_wait3A_32 = tpu.memref_slice %arg3[%dma_wait3A_31] : memref<20480xf32, #tpu.memory_space<hbm>> -> memref<128xf32, #tpu.memory_space<hbm>>
    %dma_wait3A_33 = arith.constant 0 : i32
    %dma_wait3A_34 = tpu.memref_slice %arg3[%dma_wait3A_33] : memref<20480xf32, #tpu.memory_space<hbm>> -> memref<128xf32, #tpu.memory_space<hbm>>
    tpu.wait_dma2 semaphore(%arg15 : memref<!tpu.dma_semaphore, #tpu.memory_space<semaphore_mem>>) src(%dma_wait3A_34 : memref<128xf32, #tpu.memory_space<hbm>>) dst(%arg10 : memref<128xf32, #tpu.memory_space<vmem>>)
    %barrier3A_35 = arith.constant 0 : index
    tpu.barrier barrier_id(%barrier3A_35)
    "tpu.region"() ({
      %run_scoped3A = tpu.sem_alloc : memref<!tpu.dma_semaphore, #tpu.memory_space<semaphore_mem>>
      %dma_start3A_36 = tpu.memref_slice %arg4[%arg0, %mul3A_0] : memref<2x20480xf32, #tpu.memory_space<hbm>> -> memref<1x1280xf32, #tpu.memory_space<hbm>>
      %dma_start3A_37 = tpu.memref_squeeze %dma_start3A_36 : memref<1x1280xf32, #tpu.memory_space<hbm>> -> memref<1280xf32, #tpu.memory_space<hbm>>
      %dma_start3A_38 = tpu.memref_slice %arg11[%mul3A_0] : memref<20480xf32, #tpu.memory_space<vmem_shared>> -> memref<1280xf32, #tpu.memory_space<vmem_shared>>
      tpu.enqueue_dma source(%dma_start3A_38 : memref<1280xf32, #tpu.memory_space<vmem_shared>>) target(%dma_start3A_37 : memref<1280xf32, #tpu.memory_space<hbm>>) target_semaphore(%run_scoped3A : memref<!tpu.dma_semaphore, #tpu.memory_space<semaphore_mem>>)
      %dma_wait3A_39 = tpu.memref_slice %arg4[%arg0, %mul3A_0] : memref<2x20480xf32, #tpu.memory_space<hbm>> -> memref<1x1280xf32, #tpu.memory_space<hbm>>
      %dma_wait3A_40 = tpu.memref_squeeze %dma_wait3A_39 : memref<1x1280xf32, #tpu.memory_space<hbm>> -> memref<1280xf32, #tpu.memory_space<hbm>>
      %dma_wait3A_41 = tpu.memref_slice %arg11[%mul3A_0] : memref<20480xf32, #tpu.memory_space<vmem_shared>> -> memref<1280xf32, #tpu.memory_space<vmem_shared>>
      tpu.wait_dma2 semaphore(%run_scoped3A : memref<!tpu.dma_semaphore, #tpu.memory_space<semaphore_mem>>) src(%dma_wait3A_41 : memref<1280xf32, #tpu.memory_space<vmem_shared>>) dst(%dma_wait3A_40 : memref<1280xf32, #tpu.memory_space<hbm>>)
      tpu.yield
    }) : () -> ()
    return
  }
}

#map = affine_map<(d0, d1) -> (0, 0, 0)>
#map1 = affine_map<(d0, d1) -> (0, 0)>
#map2 = affine_map<(d0, d1) -> (0)>
module attributes {stable_mosaic.version = 14 : i64} {
  func.func @_scmsg_body(%arg0: i32, %arg1: i32, %arg2: memref<4032x3x128xi32, #tpu.memory_space<hbm>>, %arg3: memref<40960x64xbf16, #tpu.memory_space<hbm>>, %arg4: memref<20480xf32, #tpu.memory_space<hbm>>, %arg5: memref<20480x64xbf16, #tpu.memory_space<hbm>>, %arg6: memref<2x20480x64xbf16, #tpu.memory_space<hbm>>, %arg7: memref<3x128xi32, #tpu.memory_space<vmem>>, %arg8: memref<3x128xi32, #tpu.memory_space<vmem>>, %arg9: memref<3x128xi32, #tpu.memory_space<vmem>>, %arg10: memref<128xi32, #tpu.memory_space<vmem>>, %arg11: memref<128xi32, #tpu.memory_space<vmem>>, %arg12: memref<128xi32, #tpu.memory_space<vmem>>, %arg13: memref<128xi32, #tpu.memory_space<vmem>>, %arg14: memref<128xi32, #tpu.memory_space<vmem>>, %arg15: memref<128xi32, #tpu.memory_space<vmem>>, %arg16: memref<128x64xbf16, #tpu.memory_space<vmem>>, %arg17: memref<128x64xbf16, #tpu.memory_space<vmem>>, %arg18: memref<128x64xbf16, #tpu.memory_space<vmem>>, %arg19: memref<128xf32, #tpu.memory_space<vmem>>, %arg20: memref<20480xf32, #tpu.memory_space<vmem>>, %arg21: memref<20480x64xbf16, #tpu.memory_space<vmem_shared>>, %arg22: memref<!tpu.dma_semaphore, #tpu.memory_space<semaphore_mem>>, %arg23: memref<!tpu.dma_semaphore, #tpu.memory_space<semaphore_mem>>, %arg24: memref<!tpu.dma_semaphore, #tpu.memory_space<semaphore_mem>>, %arg25: memref<!tpu.dma_semaphore, #tpu.memory_space<semaphore_mem>>, %arg26: memref<!tpu.dma_semaphore, #tpu.memory_space<semaphore_mem>>, %arg27: memref<!tpu.dma_semaphore, #tpu.memory_space<semaphore_mem>>, %arg28: memref<!tpu.dma_semaphore, #tpu.memory_space<semaphore_mem>>, %arg29: memref<!tpu.dma_semaphore, #tpu.memory_space<semaphore_mem>>, %arg30: memref<!tpu.dma_semaphore, #tpu.memory_space<semaphore_mem>>) attributes {dimension_semantics = [#tpu.dimension_semantics<core_parallel>, #tpu.dimension_semantics<subcore_parallel>], iteration_bounds = array<i64: 2, 16>, scalar_prefetch = 0 : i64, scratch_operands = 24 : i64, tpu.core_type = #tpu.core_type<sc_vector_subcore>, window_params = [{transform_indices = #map}, {transform_indices = #map1}, {transform_indices = #map2}, {transform_indices = #map1}, {transform_indices = #map}]} {
    %mul3A = arith.constant 1280 : i32
    %mul3A_0 = arith.muli %arg1, %mul3A : i32
    "tpu.region"() ({
      %run_scoped3A = tpu.sem_alloc : memref<!tpu.dma_semaphore, #tpu.memory_space<semaphore_mem>>
      %dma_start3A_57 = arith.constant 0 : i32
      %dma_start3A_58 = tpu.memref_slice %arg21[%mul3A_0, %dma_start3A_57] : memref<20480x64xbf16, #tpu.memory_space<vmem_shared>> -> memref<1280x64xbf16, #tpu.memory_space<vmem_shared>>
      %dma_start3A_59 = arith.constant 0 : i32
      %dma_start3A_60 = tpu.memref_slice %arg5[%mul3A_0, %dma_start3A_59] : memref<20480x64xbf16, #tpu.memory_space<hbm>> -> memref<1280x64xbf16, #tpu.memory_space<hbm>>
      tpu.enqueue_dma source(%dma_start3A_60 : memref<1280x64xbf16, #tpu.memory_space<hbm>>) target(%dma_start3A_58 : memref<1280x64xbf16, #tpu.memory_space<vmem_shared>>) target_semaphore(%run_scoped3A : memref<!tpu.dma_semaphore, #tpu.memory_space<semaphore_mem>>)
      %dma_wait3A_61 = arith.constant 0 : i32
      %dma_wait3A_62 = tpu.memref_slice %arg21[%mul3A_0, %dma_wait3A_61] : memref<20480x64xbf16, #tpu.memory_space<vmem_shared>> -> memref<1280x64xbf16, #tpu.memory_space<vmem_shared>>
      %dma_wait3A_63 = arith.constant 0 : i32
      %dma_wait3A_64 = tpu.memref_slice %arg5[%mul3A_0, %dma_wait3A_63] : memref<20480x64xbf16, #tpu.memory_space<hbm>> -> memref<1280x64xbf16, #tpu.memory_space<hbm>>
      tpu.wait_dma2 semaphore(%run_scoped3A : memref<!tpu.dma_semaphore, #tpu.memory_space<semaphore_mem>>) src(%dma_wait3A_64 : memref<1280x64xbf16, #tpu.memory_space<hbm>>) dst(%dma_wait3A_62 : memref<1280x64xbf16, #tpu.memory_space<vmem_shared>>)
      tpu.yield
    }) : () -> ()
    "tpu.region"() ({
      %run_scoped3A = tpu.sem_alloc : memref<!tpu.dma_semaphore, #tpu.memory_space<semaphore_mem>>
      tpu.enqueue_dma source(%arg4 : memref<20480xf32, #tpu.memory_space<hbm>>) target(%arg20 : memref<20480xf32, #tpu.memory_space<vmem>>) target_semaphore(%run_scoped3A : memref<!tpu.dma_semaphore, #tpu.memory_space<semaphore_mem>>)
      tpu.wait_dma2 semaphore(%run_scoped3A : memref<!tpu.dma_semaphore, #tpu.memory_space<semaphore_mem>>) src(%arg4 : memref<20480xf32, #tpu.memory_space<hbm>>) dst(%arg20 : memref<20480xf32, #tpu.memory_space<vmem>>)
      tpu.yield
    }) : () -> ()
    %mul3A_1 = arith.constant 252 : i32
    %mul3A_2 = arith.muli %arg1, %mul3A_1 : i32
    %dma_start3A = arith.constant 0 : i32
    %dma_start3A_3 = arith.constant 0 : i32
    %dma_start3A_4 = tpu.memref_slice %arg2[%mul3A_2, %dma_start3A, %dma_start3A_3] : memref<4032x3x128xi32, #tpu.memory_space<hbm>> -> memref<1x3x128xi32, #tpu.memory_space<hbm>>
    %dma_start3A_5 = tpu.memref_squeeze %dma_start3A_4 : memref<1x3x128xi32, #tpu.memory_space<hbm>> -> memref<3x128xi32, #tpu.memory_space<hbm>>
    %dma_start3A_6 = arith.constant 0 : i32
    %dma_start3A_7 = arith.constant 0 : i32
    %dma_start3A_8 = tpu.memref_slice %arg2[%mul3A_2, %dma_start3A_6, %dma_start3A_7] : memref<4032x3x128xi32, #tpu.memory_space<hbm>> -> memref<1x3x128xi32, #tpu.memory_space<hbm>>
    %dma_start3A_9 = tpu.memref_squeeze %dma_start3A_8 : memref<1x3x128xi32, #tpu.memory_space<hbm>> -> memref<3x128xi32, #tpu.memory_space<hbm>>
    tpu.enqueue_dma source(%dma_start3A_9 : memref<3x128xi32, #tpu.memory_space<hbm>>) target(%arg7 : memref<3x128xi32, #tpu.memory_space<vmem>>) target_semaphore(%arg22 : memref<!tpu.dma_semaphore, #tpu.memory_space<semaphore_mem>>)
    %add3A = arith.constant 1 : i32
    %add3A_10 = arith.addi %mul3A_2, %add3A : i32
    %dma_start3A_11 = arith.constant 0 : i32
    %dma_start3A_12 = arith.constant 0 : i32
    %dma_start3A_13 = tpu.memref_slice %arg2[%add3A_10, %dma_start3A_11, %dma_start3A_12] : memref<4032x3x128xi32, #tpu.memory_space<hbm>> -> memref<1x3x128xi32, #tpu.memory_space<hbm>>
    %dma_start3A_14 = tpu.memref_squeeze %dma_start3A_13 : memref<1x3x128xi32, #tpu.memory_space<hbm>> -> memref<3x128xi32, #tpu.memory_space<hbm>>
    %dma_start3A_15 = arith.constant 0 : i32
    %dma_start3A_16 = arith.constant 0 : i32
    %dma_start3A_17 = tpu.memref_slice %arg2[%add3A_10, %dma_start3A_15, %dma_start3A_16] : memref<4032x3x128xi32, #tpu.memory_space<hbm>> -> memref<1x3x128xi32, #tpu.memory_space<hbm>>
    %dma_start3A_18 = tpu.memref_squeeze %dma_start3A_17 : memref<1x3x128xi32, #tpu.memory_space<hbm>> -> memref<3x128xi32, #tpu.memory_space<hbm>>
    tpu.enqueue_dma source(%dma_start3A_18 : memref<3x128xi32, #tpu.memory_space<hbm>>) target(%arg8 : memref<3x128xi32, #tpu.memory_space<vmem>>) target_semaphore(%arg23 : memref<!tpu.dma_semaphore, #tpu.memory_space<semaphore_mem>>)
    %barrier3A = arith.constant 0 : index
    tpu.barrier barrier_id(%barrier3A)
    %dma_wait3A = arith.constant 0 : i32
    %dma_wait3A_19 = arith.constant 0 : i32
    %dma_wait3A_20 = arith.constant 0 : i32
    %dma_wait3A_21 = tpu.memref_slice %arg2[%dma_wait3A, %dma_wait3A_19, %dma_wait3A_20] : memref<4032x3x128xi32, #tpu.memory_space<hbm>> -> memref<1x3x128xi32, #tpu.memory_space<hbm>>
    %dma_wait3A_22 = tpu.memref_squeeze %dma_wait3A_21 : memref<1x3x128xi32, #tpu.memory_space<hbm>> -> memref<3x128xi32, #tpu.memory_space<hbm>>
    %dma_wait3A_23 = arith.constant 0 : i32
    %dma_wait3A_24 = arith.constant 0 : i32
    %dma_wait3A_25 = tpu.memref_slice %arg2[%dma_wait3A, %dma_wait3A_23, %dma_wait3A_24] : memref<4032x3x128xi32, #tpu.memory_space<hbm>> -> memref<1x3x128xi32, #tpu.memory_space<hbm>>
    %dma_wait3A_26 = tpu.memref_squeeze %dma_wait3A_25 : memref<1x3x128xi32, #tpu.memory_space<hbm>> -> memref<3x128xi32, #tpu.memory_space<hbm>>
    tpu.wait_dma2 semaphore(%arg22 : memref<!tpu.dma_semaphore, #tpu.memory_space<semaphore_mem>>) src(%dma_wait3A_26 : memref<3x128xi32, #tpu.memory_space<hbm>>) dst(%arg7 : memref<3x128xi32, #tpu.memory_space<vmem>>)
    %parallel_loop3A = arith.constant 0 : i32
    %parallel_loop3A_27 = arith.constant 8 : i32
    %parallel_loop3A_28 = arith.constant 1 : i32
    scf.for %parallel_loop3A_57 = %parallel_loop3A to %parallel_loop3A_27 step %parallel_loop3A_28  : i32 {
      %parallel_loop3A_58 = arith.constant 16 : i32
      %parallel_loop3A_59 = arith.muli %parallel_loop3A_57, %parallel_loop3A_58 : i32
      %parallel_loop3A_60 = arith.constant 0 : i32
      %parallel_loop3A_61 = arith.index_cast %parallel_loop3A_60 : i32 to index
      %parallel_loop3A_62 = arith.index_cast %parallel_loop3A_59 : i32 to index
      %parallel_loop3A_63 = tpu.vector_load %arg7[%parallel_loop3A_61, %parallel_loop3A_62] {strides = array<i32>} : memref<3x128xi32, #tpu.memory_space<vmem>>, vector<16xi32>,
      %parallel_loop3A_64 = arith.constant 2 : i32
      %parallel_loop3A_65 = vector.broadcast %parallel_loop3A_64 : i32 to vector<16xi32>
      %parallel_loop3A_66 = arith.muli %parallel_loop3A_63, %parallel_loop3A_65 : vector<16xi32>
      %parallel_loop3A_67 = vector.broadcast %arg0 : i32 to vector<16xi32>
      %parallel_loop3A_68 = arith.addi %parallel_loop3A_66, %parallel_loop3A_67 : vector<16xi32>
      %parallel_loop3A_69 = arith.index_cast %parallel_loop3A_59 : i32 to index
      %parallel_loop3A_70 = tpu.vector_load %arg10[%parallel_loop3A_69] {strides = array<i32>} : memref<128xi32, #tpu.memory_space<vmem>>, vector<16xi32>,
      tpu.vector_store %arg10[%parallel_loop3A_69], %parallel_loop3A_68 {strides = array<i32>} : memref<128xi32, #tpu.memory_space<vmem>>, vector<16xi32>,
      %parallel_loop3A_71 = arith.constant 1 : i32
      %parallel_loop3A_72 = arith.index_cast %parallel_loop3A_71 : i32 to index
      %parallel_loop3A_73 = arith.index_cast %parallel_loop3A_59 : i32 to index
      %parallel_loop3A_74 = tpu.vector_load %arg7[%parallel_loop3A_72, %parallel_loop3A_73] {strides = array<i32>} : memref<3x128xi32, #tpu.memory_space<vmem>>, vector<16xi32>,
      %parallel_loop3A_75 = arith.index_cast %parallel_loop3A_59 : i32 to index
      %parallel_loop3A_76 = tpu.vector_load %arg13[%parallel_loop3A_75] {strides = array<i32>} : memref<128xi32, #tpu.memory_space<vmem>>, vector<16xi32>,
      tpu.vector_store %arg13[%parallel_loop3A_75], %parallel_loop3A_74 {strides = array<i32>} : memref<128xi32, #tpu.memory_space<vmem>>, vector<16xi32>,
    } {sc.loop_unroll_factor = 4 : i64, sc.parallel_access}
    %dma_start3A_29 = arith.constant 0 : i32
    %dma_start3A_30 = arith.constant 0 : i32
    %dma_start3A_31 = tpu.memref_slice %arg3[%dma_start3A_29, %dma_start3A_30] : memref<40960x64xbf16, #tpu.memory_space<hbm>> -> memref<40960x64xbf16, #tpu.memory_space<hbm>>
    tpu.enqueue_indirect_dma source(%dma_start3A_31 : memref<40960x64xbf16, #tpu.memory_space<hbm>>) target(%arg16 : memref<128x64xbf16, #tpu.memory_space<vmem>>) offsets(%arg10 : memref<128xi32, #tpu.memory_space<vmem>>) semaphore(%arg25 : memref<!tpu.dma_semaphore, #tpu.memory_space<semaphore_mem>>)
    %scan3A = arith.constant 0 : i32
    %scan3A_32 = arith.constant 0 : i32
    %scan3A_33 = arith.constant 84 : i32
    %scan3A_34 = arith.addi %scan3A_32, %scan3A_33 : i32
    %scan3A_35 = arith.constant 1 : i32
    %scan3A_36 = scf.for %scan3A_57 = %scan3A_32 to %scan3A_34 step %scan3A_35 iter_args(%scan3A_58 = %scan3A) -> (i32)  : i32 {
      %barrier3A_59 = arith.constant 0 : index
      tpu.barrier barrier_id(%barrier3A_59)
      %mul3A_60 = arith.constant 3 : i32
      %mul3A_61 = arith.muli %scan3A_57, %mul3A_60 : i32
      %add3A_62 = arith.constant 0 : i32
      %add3A_63 = arith.addi %mul3A_61, %add3A_62 : i32
      %parallel_loop3A_64 = arith.constant 0 : i32
      %parallel_loop3A_65 = arith.constant 8 : i32
      %parallel_loop3A_66 = arith.constant 1 : i32
      scf.for %parallel_loop3A_157 = %parallel_loop3A_64 to %parallel_loop3A_65 step %parallel_loop3A_66  : i32 {
        %parallel_loop3A_158 = arith.constant 16 : i32
        %parallel_loop3A_159 = arith.muli %parallel_loop3A_157, %parallel_loop3A_158 : i32
        %parallel_loop3A_160 = arith.constant 0 : i32
        %parallel_loop3A_161 = arith.index_cast %parallel_loop3A_160 : i32 to index
        %parallel_loop3A_162 = arith.index_cast %parallel_loop3A_159 : i32 to index
        %parallel_loop3A_163 = tpu.vector_load %arg7[%parallel_loop3A_161, %parallel_loop3A_162] {strides = array<i32>} : memref<3x128xi32, #tpu.memory_space<vmem>>, vector<16xi32>,
        %parallel_loop3A_164 = arith.constant 2 : i32
        %parallel_loop3A_165 = arith.index_cast %parallel_loop3A_164 : i32 to index
        %parallel_loop3A_166 = arith.index_cast %parallel_loop3A_159 : i32 to index
        %parallel_loop3A_167 = tpu.vector_load %arg7[%parallel_loop3A_165, %parallel_loop3A_166] {strides = array<i32>} : memref<3x128xi32, #tpu.memory_space<vmem>>, vector<16xi32>,
        %parallel_loop3A_168 = vector.bitcast %parallel_loop3A_167 : vector<16xi32> to vector<16xf32>
        %parallel_loop3A_169 = tpu.vector_load_idx %arg20[%parallel_loop3A_163] : memref<20480xf32, #tpu.memory_space<vmem>>[vector<16xi32>], vector<16xf32>,
        %parallel_loop3A_170 = arith.mulf %parallel_loop3A_168, %parallel_loop3A_169 : vector<16xf32>
        %parallel_loop3A_171 = arith.index_cast %parallel_loop3A_159 : i32 to index
        %parallel_loop3A_172 = tpu.vector_load %arg19[%parallel_loop3A_171] {strides = array<i32>} : memref<128xf32, #tpu.memory_space<vmem>>, vector<16xf32>,
        tpu.vector_store %arg19[%parallel_loop3A_171], %parallel_loop3A_170 {strides = array<i32>} : memref<128xf32, #tpu.memory_space<vmem>>, vector<16xf32>,
      } {sc.loop_unroll_factor = 4 : i64, sc.parallel_access}
      %add3A_67 = arith.constant 1 : i32
      %add3A_68 = arith.addi %add3A_63, %add3A_67 : i32
      %lt3A = arith.constant 252 : i32
      %lt3A_69 = arith.cmpi slt, %add3A_68, %lt3A : i32
      %convert_element_type3A = arith.extui %lt3A_69 : i1 to i32
      %cond3A = arith.constant 0 : i32
      %cond3A_70 = arith.cmpi ne, %convert_element_type3A, %cond3A : i32
      scf.if %cond3A_70 {
        %dma_wait3A_157 = arith.constant 0 : i32
        %dma_wait3A_158 = arith.constant 0 : i32
        %dma_wait3A_159 = arith.constant 0 : i32
        %dma_wait3A_160 = tpu.memref_slice %arg2[%dma_wait3A_157, %dma_wait3A_158, %dma_wait3A_159] : memref<4032x3x128xi32, #tpu.memory_space<hbm>> -> memref<1x3x128xi32, #tpu.memory_space<hbm>>
        %dma_wait3A_161 = tpu.memref_squeeze %dma_wait3A_160 : memref<1x3x128xi32, #tpu.memory_space<hbm>> -> memref<3x128xi32, #tpu.memory_space<hbm>>
        %dma_wait3A_162 = arith.constant 0 : i32
        %dma_wait3A_163 = arith.constant 0 : i32
        %dma_wait3A_164 = tpu.memref_slice %arg2[%dma_wait3A_157, %dma_wait3A_162, %dma_wait3A_163] : memref<4032x3x128xi32, #tpu.memory_space<hbm>> -> memref<1x3x128xi32, #tpu.memory_space<hbm>>
        %dma_wait3A_165 = tpu.memref_squeeze %dma_wait3A_164 : memref<1x3x128xi32, #tpu.memory_space<hbm>> -> memref<3x128xi32, #tpu.memory_space<hbm>>
        tpu.wait_dma2 semaphore(%arg23 : memref<!tpu.dma_semaphore, #tpu.memory_space<semaphore_mem>>) src(%dma_wait3A_165 : memref<3x128xi32, #tpu.memory_space<hbm>>) dst(%arg8 : memref<3x128xi32, #tpu.memory_space<vmem>>)
        %ge3A = arith.constant 2 : i32
        %ge3A_166 = arith.cmpi sge, %add3A_63, %ge3A : i32
        %convert_element_type3A_167 = arith.extui %ge3A_166 : i1 to i32
        %cond3A_168 = arith.constant 0 : i32
        %cond3A_169 = arith.cmpi ne, %convert_element_type3A_167, %cond3A_168 : i32
        scf.if %cond3A_169 {
          %dma_wait3A_176 = arith.constant 0 : i32
          %dma_wait3A_177 = arith.constant 0 : i32
          %dma_wait3A_178 = tpu.memref_slice %arg3[%dma_wait3A_176, %dma_wait3A_177] : memref<40960x64xbf16, #tpu.memory_space<hbm>> -> memref<128x64xbf16, #tpu.memory_space<hbm>>
          %dma_wait3A_179 = arith.constant 0 : i32
          %dma_wait3A_180 = arith.constant 0 : i32
          %dma_wait3A_181 = tpu.memref_slice %arg3[%dma_wait3A_179, %dma_wait3A_180] : memref<40960x64xbf16, #tpu.memory_space<hbm>> -> memref<128x64xbf16, #tpu.memory_space<hbm>>
          tpu.wait_dma2 semaphore(%arg29 : memref<!tpu.dma_semaphore, #tpu.memory_space<semaphore_mem>>) src(%dma_wait3A_181 : memref<128x64xbf16, #tpu.memory_space<hbm>>) dst(%arg17 : memref<128x64xbf16, #tpu.memory_space<vmem>>)
        } else {
        }
        %parallel_loop3A_170 = arith.constant 0 : i32
        %parallel_loop3A_171 = arith.constant 8 : i32
        %parallel_loop3A_172 = arith.constant 1 : i32
        scf.for %parallel_loop3A_176 = %parallel_loop3A_170 to %parallel_loop3A_171 step %parallel_loop3A_172  : i32 {
          %parallel_loop3A_177 = arith.constant 16 : i32
          %parallel_loop3A_178 = arith.muli %parallel_loop3A_176, %parallel_loop3A_177 : i32
          %parallel_loop3A_179 = arith.constant 0 : i32
          %parallel_loop3A_180 = arith.index_cast %parallel_loop3A_179 : i32 to index
          %parallel_loop3A_181 = arith.index_cast %parallel_loop3A_178 : i32 to index
          %parallel_loop3A_182 = tpu.vector_load %arg8[%parallel_loop3A_180, %parallel_loop3A_181] {strides = array<i32>} : memref<3x128xi32, #tpu.memory_space<vmem>>, vector<16xi32>,
          %parallel_loop3A_183 = arith.constant 2 : i32
          %parallel_loop3A_184 = vector.broadcast %parallel_loop3A_183 : i32 to vector<16xi32>
          %parallel_loop3A_185 = arith.muli %parallel_loop3A_182, %parallel_loop3A_184 : vector<16xi32>
          %parallel_loop3A_186 = vector.broadcast %arg0 : i32 to vector<16xi32>
          %parallel_loop3A_187 = arith.addi %parallel_loop3A_185, %parallel_loop3A_186 : vector<16xi32>
          %parallel_loop3A_188 = arith.index_cast %parallel_loop3A_178 : i32 to index
          %parallel_loop3A_189 = tpu.vector_load %arg11[%parallel_loop3A_188] {strides = array<i32>} : memref<128xi32, #tpu.memory_space<vmem>>, vector<16xi32>,
          tpu.vector_store %arg11[%parallel_loop3A_188], %parallel_loop3A_187 {strides = array<i32>} : memref<128xi32, #tpu.memory_space<vmem>>, vector<16xi32>,
          %parallel_loop3A_190 = arith.constant 1 : i32
          %parallel_loop3A_191 = arith.index_cast %parallel_loop3A_190 : i32 to index
          %parallel_loop3A_192 = arith.index_cast %parallel_loop3A_178 : i32 to index
          %parallel_loop3A_193 = tpu.vector_load %arg8[%parallel_loop3A_191, %parallel_loop3A_192] {strides = array<i32>} : memref<3x128xi32, #tpu.memory_space<vmem>>, vector<16xi32>,
          %parallel_loop3A_194 = arith.index_cast %parallel_loop3A_178 : i32 to index
          %parallel_loop3A_195 = tpu.vector_load %arg14[%parallel_loop3A_194] {strides = array<i32>} : memref<128xi32, #tpu.memory_space<vmem>>, vector<16xi32>,
          tpu.vector_store %arg14[%parallel_loop3A_194], %parallel_loop3A_193 {strides = array<i32>} : memref<128xi32, #tpu.memory_space<vmem>>, vector<16xi32>,
        } {sc.loop_unroll_factor = 4 : i64, sc.parallel_access}
        %dma_start3A_173 = arith.constant 0 : i32
        %dma_start3A_174 = arith.constant 0 : i32
        %dma_start3A_175 = tpu.memref_slice %arg3[%dma_start3A_173, %dma_start3A_174] : memref<40960x64xbf16, #tpu.memory_space<hbm>> -> memref<40960x64xbf16, #tpu.memory_space<hbm>>
        tpu.enqueue_indirect_dma source(%dma_start3A_175 : memref<40960x64xbf16, #tpu.memory_space<hbm>>) target(%arg17 : memref<128x64xbf16, #tpu.memory_space<vmem>>) offsets(%arg11 : memref<128xi32, #tpu.memory_space<vmem>>) semaphore(%arg26 : memref<!tpu.dma_semaphore, #tpu.memory_space<semaphore_mem>>)
      } else {
      }
      %add3A_71 = arith.constant 2 : i32
      %add3A_72 = arith.addi %add3A_63, %add3A_71 : i32
      %lt3A_73 = arith.constant 252 : i32
      %lt3A_74 = arith.cmpi slt, %add3A_72, %lt3A_73 : i32
      %convert_element_type3A_75 = arith.extui %lt3A_74 : i1 to i32
      %cond3A_76 = arith.constant 0 : i32
      %cond3A_77 = arith.cmpi ne, %convert_element_type3A_75, %cond3A_76 : i32
      scf.if %cond3A_77 {
        %add3A_157 = arith.addi %mul3A_2, %add3A_63 : i32
        %add3A_158 = arith.constant 2 : i32
        %add3A_159 = arith.addi %add3A_157, %add3A_158 : i32
        %dma_start3A_160 = arith.constant 0 : i32
        %dma_start3A_161 = arith.constant 0 : i32
        %dma_start3A_162 = tpu.memref_slice %arg2[%add3A_159, %dma_start3A_160, %dma_start3A_161] : memref<4032x3x128xi32, #tpu.memory_space<hbm>> -> memref<1x3x128xi32, #tpu.memory_space<hbm>>
        %dma_start3A_163 = tpu.memref_squeeze %dma_start3A_162 : memref<1x3x128xi32, #tpu.memory_space<hbm>> -> memref<3x128xi32, #tpu.memory_space<hbm>>
        %dma_start3A_164 = arith.constant 0 : i32
        %dma_start3A_165 = arith.constant 0 : i32
        %dma_start3A_166 = tpu.memref_slice %arg2[%add3A_159, %dma_start3A_164, %dma_start3A_165] : memref<4032x3x128xi32, #tpu.memory_space<hbm>> -> memref<1x3x128xi32, #tpu.memory_space<hbm>>
        %dma_start3A_167 = tpu.memref_squeeze %dma_start3A_166 : memref<1x3x128xi32, #tpu.memory_space<hbm>> -> memref<3x128xi32, #tpu.memory_space<hbm>>
        tpu.enqueue_dma source(%dma_start3A_167 : memref<3x128xi32, #tpu.memory_space<hbm>>) target(%arg9 : memref<3x128xi32, #tpu.memory_space<vmem>>) target_semaphore(%arg24 : memref<!tpu.dma_semaphore, #tpu.memory_space<semaphore_mem>>)
      } else {
      }
      %dma_wait3A_78 = arith.constant 0 : i32
      %dma_wait3A_79 = arith.constant 0 : i32
      %dma_wait3A_80 = tpu.memref_slice %arg3[%dma_wait3A_78, %dma_wait3A_79] : memref<40960x64xbf16, #tpu.memory_space<hbm>> -> memref<128x64xbf16, #tpu.memory_space<hbm>>
      %dma_wait3A_81 = arith.constant 0 : i32
      %dma_wait3A_82 = arith.constant 0 : i32
      %dma_wait3A_83 = tpu.memref_slice %arg3[%dma_wait3A_81, %dma_wait3A_82] : memref<40960x64xbf16, #tpu.memory_space<hbm>> -> memref<128x64xbf16, #tpu.memory_space<hbm>>
      tpu.wait_dma2 semaphore(%arg25 : memref<!tpu.dma_semaphore, #tpu.memory_space<semaphore_mem>>) src(%dma_wait3A_83 : memref<128x64xbf16, #tpu.memory_space<hbm>>) dst(%arg16 : memref<128x64xbf16, #tpu.memory_space<vmem>>)
      %parallel_loop3A_84 = arith.constant 0 : i32
      %parallel_loop3A_85 = arith.constant 128 : i32
      %parallel_loop3A_86 = arith.constant 1 : i32
      scf.for %parallel_loop3A_157 = %parallel_loop3A_84 to %parallel_loop3A_85 step %parallel_loop3A_86  : i32 {
        %parallel_loop3A_158 = vector.broadcast %parallel_loop3A_157 : i32 to vector<16xi32>
        %parallel_loop3A_159 = tpu.vector_load_idx %arg19[%parallel_loop3A_158] : memref<128xf32, #tpu.memory_space<vmem>>[vector<16xi32>], vector<16xf32>,
        %parallel_loop3A_160 = tpu.pack_subelements %parallel_loop3A_159, %parallel_loop3A_159 {pack_format = #tpu.pack_format<interleaved>, positions = array<i32: 0, 1>} : vector<16xf32>, vector<16xf32> -> vector<32xbf16>
        %parallel_loop3A_161 = arith.index_cast %parallel_loop3A_157 : i32 to index
        %parallel_loop3A_162 = arith.constant 0 : index
        %parallel_loop3A_163 = tpu.vector_load %arg16[%parallel_loop3A_161, %parallel_loop3A_162] {strides = array<i32>} : memref<128x64xbf16, #tpu.memory_space<vmem>>, vector<32xbf16>,
        %parallel_loop3A_164 = arith.mulf %parallel_loop3A_163, %parallel_loop3A_160 : vector<32xbf16>
        %parallel_loop3A_165 = arith.index_cast %parallel_loop3A_157 : i32 to index
        %parallel_loop3A_166 = arith.constant 0 : index
        %parallel_loop3A_167 = tpu.vector_load %arg16[%parallel_loop3A_165, %parallel_loop3A_166] {strides = array<i32>} : memref<128x64xbf16, #tpu.memory_space<vmem>>, vector<32xbf16>,
        tpu.vector_store %arg16[%parallel_loop3A_165, %parallel_loop3A_166], %parallel_loop3A_164 {strides = array<i32>} : memref<128x64xbf16, #tpu.memory_space<vmem>>, vector<32xbf16>,
        %parallel_loop3A_168 = arith.index_cast %parallel_loop3A_157 : i32 to index
        %parallel_loop3A_169 = arith.constant 32 : index
        %parallel_loop3A_170 = tpu.vector_load %arg16[%parallel_loop3A_168, %parallel_loop3A_169] {strides = array<i32>} : memref<128x64xbf16, #tpu.memory_space<vmem>>, vector<32xbf16>,
        %parallel_loop3A_171 = arith.mulf %parallel_loop3A_170, %parallel_loop3A_160 : vector<32xbf16>
        %parallel_loop3A_172 = arith.index_cast %parallel_loop3A_157 : i32 to index
        %parallel_loop3A_173 = arith.constant 32 : index
        %parallel_loop3A_174 = tpu.vector_load %arg16[%parallel_loop3A_172, %parallel_loop3A_173] {strides = array<i32>} : memref<128x64xbf16, #tpu.memory_space<vmem>>, vector<32xbf16>,
        tpu.vector_store %arg16[%parallel_loop3A_172, %parallel_loop3A_173], %parallel_loop3A_171 {strides = array<i32>} : memref<128x64xbf16, #tpu.memory_space<vmem>>, vector<32xbf16>,
      } {sc.loop_unroll_factor = 8 : i64, sc.parallel_access}
      %dma_start3A_87 = arith.constant 0 : i32
      %dma_start3A_88 = arith.constant 0 : i32
      %dma_start3A_89 = tpu.memref_slice %arg21[%dma_start3A_87, %dma_start3A_88] : memref<20480x64xbf16, #tpu.memory_space<vmem_shared>> -> memref<20480x64xbf16, #tpu.memory_space<vmem_shared>>
      tpu.enqueue_indirect_dma source(%arg16 : memref<128x64xbf16, #tpu.memory_space<vmem>>) target(%dma_start3A_89 : memref<20480x64xbf16, #tpu.memory_space<vmem_shared>>) offsets(%arg13 : memref<128xi32, #tpu.memory_space<vmem>>) semaphore(%arg28 : memref<!tpu.dma_semaphore, #tpu.memory_space<semaphore_mem>>) {add = true}
      %mul3A_90 = arith.constant 3 : i32
      %mul3A_91 = arith.muli %scan3A_57, %mul3A_90 : i32
      %add3A_92 = arith.constant 1 : i32
      %add3A_93 = arith.addi %mul3A_91, %add3A_92 : i32
      %parallel_loop3A_94 = arith.constant 0 : i32
      %parallel_loop3A_95 = arith.constant 8 : i32
      %parallel_loop3A_96 = arith.constant 1 : i32
      scf.for %parallel_loop3A_157 = %parallel_loop3A_94 to %parallel_loop3A_95 step %parallel_loop3A_96  : i32 {
        %parallel_loop3A_158 = arith.constant 16 : i32
        %parallel_loop3A_159 = arith.muli %parallel_loop3A_157, %parallel_loop3A_158 : i32
        %parallel_loop3A_160 = arith.constant 0 : i32
        %parallel_loop3A_161 = arith.index_cast %parallel_loop3A_160 : i32 to index
        %parallel_loop3A_162 = arith.index_cast %parallel_loop3A_159 : i32 to index
        %parallel_loop3A_163 = tpu.vector_load %arg8[%parallel_loop3A_161, %parallel_loop3A_162] {strides = array<i32>} : memref<3x128xi32, #tpu.memory_space<vmem>>, vector<16xi32>,
        %parallel_loop3A_164 = arith.constant 2 : i32
        %parallel_loop3A_165 = arith.index_cast %parallel_loop3A_164 : i32 to index
        %parallel_loop3A_166 = arith.index_cast %parallel_loop3A_159 : i32 to index
        %parallel_loop3A_167 = tpu.vector_load %arg8[%parallel_loop3A_165, %parallel_loop3A_166] {strides = array<i32>} : memref<3x128xi32, #tpu.memory_space<vmem>>, vector<16xi32>,
        %parallel_loop3A_168 = vector.bitcast %parallel_loop3A_167 : vector<16xi32> to vector<16xf32>
        %parallel_loop3A_169 = tpu.vector_load_idx %arg20[%parallel_loop3A_163] : memref<20480xf32, #tpu.memory_space<vmem>>[vector<16xi32>], vector<16xf32>,
        %parallel_loop3A_170 = arith.mulf %parallel_loop3A_168, %parallel_loop3A_169 : vector<16xf32>
        %parallel_loop3A_171 = arith.index_cast %parallel_loop3A_159 : i32 to index
        %parallel_loop3A_172 = tpu.vector_load %arg19[%parallel_loop3A_171] {strides = array<i32>} : memref<128xf32, #tpu.memory_space<vmem>>, vector<16xf32>,
        tpu.vector_store %arg19[%parallel_loop3A_171], %parallel_loop3A_170 {strides = array<i32>} : memref<128xf32, #tpu.memory_space<vmem>>, vector<16xf32>,
      } {sc.loop_unroll_factor = 4 : i64, sc.parallel_access}
      %add3A_97 = arith.constant 1 : i32
      %add3A_98 = arith.addi %add3A_93, %add3A_97 : i32
      %lt3A_99 = arith.constant 252 : i32
      %lt3A_100 = arith.cmpi slt, %add3A_98, %lt3A_99 : i32
      %convert_element_type3A_101 = arith.extui %lt3A_100 : i1 to i32
      %cond3A_102 = arith.constant 0 : i32
      %cond3A_103 = arith.cmpi ne, %convert_element_type3A_101, %cond3A_102 : i32
      scf.if %cond3A_103 {
        %dma_wait3A_157 = arith.constant 0 : i32
        %dma_wait3A_158 = arith.constant 0 : i32
        %dma_wait3A_159 = arith.constant 0 : i32
        %dma_wait3A_160 = tpu.memref_slice %arg2[%dma_wait3A_157, %dma_wait3A_158, %dma_wait3A_159] : memref<4032x3x128xi32, #tpu.memory_space<hbm>> -> memref<1x3x128xi32, #tpu.memory_space<hbm>>
        %dma_wait3A_161 = tpu.memref_squeeze %dma_wait3A_160 : memref<1x3x128xi32, #tpu.memory_space<hbm>> -> memref<3x128xi32, #tpu.memory_space<hbm>>
        %dma_wait3A_162 = arith.constant 0 : i32
        %dma_wait3A_163 = arith.constant 0 : i32
        %dma_wait3A_164 = tpu.memref_slice %arg2[%dma_wait3A_157, %dma_wait3A_162, %dma_wait3A_163] : memref<4032x3x128xi32, #tpu.memory_space<hbm>> -> memref<1x3x128xi32, #tpu.memory_space<hbm>>
        %dma_wait3A_165 = tpu.memref_squeeze %dma_wait3A_164 : memref<1x3x128xi32, #tpu.memory_space<hbm>> -> memref<3x128xi32, #tpu.memory_space<hbm>>
        tpu.wait_dma2 semaphore(%arg24 : memref<!tpu.dma_semaphore, #tpu.memory_space<semaphore_mem>>) src(%dma_wait3A_165 : memref<3x128xi32, #tpu.memory_space<hbm>>) dst(%arg9 : memref<3x128xi32, #tpu.memory_space<vmem>>)
        %ge3A = arith.constant 2 : i32
        %ge3A_166 = arith.cmpi sge, %add3A_93, %ge3A : i32
        %convert_element_type3A_167 = arith.extui %ge3A_166 : i1 to i32
        %cond3A_168 = arith.constant 0 : i32
        %cond3A_169 = arith.cmpi ne, %convert_element_type3A_167, %cond3A_168 : i32
        scf.if %cond3A_169 {
          %dma_wait3A_176 = arith.constant 0 : i32
          %dma_wait3A_177 = arith.constant 0 : i32
          %dma_wait3A_178 = tpu.memref_slice %arg3[%dma_wait3A_176, %dma_wait3A_177] : memref<40960x64xbf16, #tpu.memory_space<hbm>> -> memref<128x64xbf16, #tpu.memory_space<hbm>>
          %dma_wait3A_179 = arith.constant 0 : i32
          %dma_wait3A_180 = arith.constant 0 : i32
          %dma_wait3A_181 = tpu.memref_slice %arg3[%dma_wait3A_179, %dma_wait3A_180] : memref<40960x64xbf16, #tpu.memory_space<hbm>> -> memref<128x64xbf16, #tpu.memory_space<hbm>>
          tpu.wait_dma2 semaphore(%arg30 : memref<!tpu.dma_semaphore, #tpu.memory_space<semaphore_mem>>) src(%dma_wait3A_181 : memref<128x64xbf16, #tpu.memory_space<hbm>>) dst(%arg18 : memref<128x64xbf16, #tpu.memory_space<vmem>>)
        } else {
        }
        %parallel_loop3A_170 = arith.constant 0 : i32
        %parallel_loop3A_171 = arith.constant 8 : i32
        %parallel_loop3A_172 = arith.constant 1 : i32
        scf.for %parallel_loop3A_176 = %parallel_loop3A_170 to %parallel_loop3A_171 step %parallel_loop3A_172  : i32 {
          %parallel_loop3A_177 = arith.constant 16 : i32
          %parallel_loop3A_178 = arith.muli %parallel_loop3A_176, %parallel_loop3A_177 : i32
          %parallel_loop3A_179 = arith.constant 0 : i32
          %parallel_loop3A_180 = arith.index_cast %parallel_loop3A_179 : i32 to index
          %parallel_loop3A_181 = arith.index_cast %parallel_loop3A_178 : i32 to index
          %parallel_loop3A_182 = tpu.vector_load %arg9[%parallel_loop3A_180, %parallel_loop3A_181] {strides = array<i32>} : memref<3x128xi32, #tpu.memory_space<vmem>>, vector<16xi32>,
          %parallel_loop3A_183 = arith.constant 2 : i32
          %parallel_loop3A_184 = vector.broadcast %parallel_loop3A_183 : i32 to vector<16xi32>
          %parallel_loop3A_185 = arith.muli %parallel_loop3A_182, %parallel_loop3A_184 : vector<16xi32>
          %parallel_loop3A_186 = vector.broadcast %arg0 : i32 to vector<16xi32>
          %parallel_loop3A_187 = arith.addi %parallel_loop3A_185, %parallel_loop3A_186 : vector<16xi32>
          %parallel_loop3A_188 = arith.index_cast %parallel_loop3A_178 : i32 to index
          %parallel_loop3A_189 = tpu.vector_load %arg12[%parallel_loop3A_188] {strides = array<i32>} : memref<128xi32, #tpu.memory_space<vmem>>, vector<16xi32>,
          tpu.vector_store %arg12[%parallel_loop3A_188], %parallel_loop3A_187 {strides = array<i32>} : memref<128xi32, #tpu.memory_space<vmem>>, vector<16xi32>,
          %parallel_loop3A_190 = arith.constant 1 : i32
          %parallel_loop3A_191 = arith.index_cast %parallel_loop3A_190 : i32 to index
          %parallel_loop3A_192 = arith.index_cast %parallel_loop3A_178 : i32 to index
          %parallel_loop3A_193 = tpu.vector_load %arg9[%parallel_loop3A_191, %parallel_loop3A_192] {strides = array<i32>} : memref<3x128xi32, #tpu.memory_space<vmem>>, vector<16xi32>,
          %parallel_loop3A_194 = arith.index_cast %parallel_loop3A_178 : i32 to index
          %parallel_loop3A_195 = tpu.vector_load %arg15[%parallel_loop3A_194] {strides = array<i32>} : memref<128xi32, #tpu.memory_space<vmem>>, vector<16xi32>,
          tpu.vector_store %arg15[%parallel_loop3A_194], %parallel_loop3A_193 {strides = array<i32>} : memref<128xi32, #tpu.memory_space<vmem>>, vector<16xi32>,
        } {sc.loop_unroll_factor = 4 : i64, sc.parallel_access}
        %dma_start3A_173 = arith.constant 0 : i32
        %dma_start3A_174 = arith.constant 0 : i32
        %dma_start3A_175 = tpu.memref_slice %arg3[%dma_start3A_173, %dma_start3A_174] : memref<40960x64xbf16, #tpu.memory_space<hbm>> -> memref<40960x64xbf16, #tpu.memory_space<hbm>>
        tpu.enqueue_indirect_dma source(%dma_start3A_175 : memref<40960x64xbf16, #tpu.memory_space<hbm>>) target(%arg18 : memref<128x64xbf16, #tpu.memory_space<vmem>>) offsets(%arg12 : memref<128xi32, #tpu.memory_space<vmem>>) semaphore(%arg27 : memref<!tpu.dma_semaphore, #tpu.memory_space<semaphore_mem>>)
      } else {
      }
      %add3A_104 = arith.constant 2 : i32
      %add3A_105 = arith.addi %add3A_93, %add3A_104 : i32
      %lt3A_106 = arith.constant 252 : i32
      %lt3A_107 = arith.cmpi slt, %add3A_105, %lt3A_106 : i32
      %convert_element_type3A_108 = arith.extui %lt3A_107 : i1 to i32
      %cond3A_109 = arith.constant 0 : i32
      %cond3A_110 = arith.cmpi ne, %convert_element_type3A_108, %cond3A_109 : i32
      scf.if %cond3A_110 {
        %add3A_157 = arith.addi %mul3A_2, %add3A_93 : i32
        %add3A_158 = arith.constant 2 : i32
        %add3A_159 = arith.addi %add3A_157, %add3A_158 : i32
        %dma_start3A_160 = arith.constant 0 : i32
        %dma_start3A_161 = arith.constant 0 : i32
        %dma_start3A_162 = tpu.memref_slice %arg2[%add3A_159, %dma_start3A_160, %dma_start3A_161] : memref<4032x3x128xi32, #tpu.memory_space<hbm>> -> memref<1x3x128xi32, #tpu.memory_space<hbm>>
        %dma_start3A_163 = tpu.memref_squeeze %dma_start3A_162 : memref<1x3x128xi32, #tpu.memory_space<hbm>> -> memref<3x128xi32, #tpu.memory_space<hbm>>
        %dma_start3A_164 = arith.constant 0 : i32
        %dma_start3A_165 = arith.constant 0 : i32
        %dma_start3A_166 = tpu.memref_slice %arg2[%add3A_159, %dma_start3A_164, %dma_start3A_165] : memref<4032x3x128xi32, #tpu.memory_space<hbm>> -> memref<1x3x128xi32, #tpu.memory_space<hbm>>
        %dma_start3A_167 = tpu.memref_squeeze %dma_start3A_166 : memref<1x3x128xi32, #tpu.memory_space<hbm>> -> memref<3x128xi32, #tpu.memory_space<hbm>>
        tpu.enqueue_dma source(%dma_start3A_167 : memref<3x128xi32, #tpu.memory_space<hbm>>) target(%arg7 : memref<3x128xi32, #tpu.memory_space<vmem>>) target_semaphore(%arg22 : memref<!tpu.dma_semaphore, #tpu.memory_space<semaphore_mem>>)
      } else {
      }
      %dma_wait3A_111 = arith.constant 0 : i32
      %dma_wait3A_112 = arith.constant 0 : i32
      %dma_wait3A_113 = tpu.memref_slice %arg3[%dma_wait3A_111, %dma_wait3A_112] : memref<40960x64xbf16, #tpu.memory_space<hbm>> -> memref<128x64xbf16, #tpu.memory_space<hbm>>
      %dma_wait3A_114 = arith.constant 0 : i32
      %dma_wait3A_115 = arith.constant 0 : i32
      %dma_wait3A_116 = tpu.memref_slice %arg3[%dma_wait3A_114, %dma_wait3A_115] : memref<40960x64xbf16, #tpu.memory_space<hbm>> -> memref<128x64xbf16, #tpu.memory_space<hbm>>
      tpu.wait_dma2 semaphore(%arg26 : memref<!tpu.dma_semaphore, #tpu.memory_space<semaphore_mem>>) src(%dma_wait3A_116 : memref<128x64xbf16, #tpu.memory_space<hbm>>) dst(%arg17 : memref<128x64xbf16, #tpu.memory_space<vmem>>)
      %parallel_loop3A_117 = arith.constant 0 : i32
      %parallel_loop3A_118 = arith.constant 128 : i32
      %parallel_loop3A_119 = arith.constant 1 : i32
      scf.for %parallel_loop3A_157 = %parallel_loop3A_117 to %parallel_loop3A_118 step %parallel_loop3A_119  : i32 {
        %parallel_loop3A_158 = vector.broadcast %parallel_loop3A_157 : i32 to vector<16xi32>
        %parallel_loop3A_159 = tpu.vector_load_idx %arg19[%parallel_loop3A_158] : memref<128xf32, #tpu.memory_space<vmem>>[vector<16xi32>], vector<16xf32>,
        %parallel_loop3A_160 = tpu.pack_subelements %parallel_loop3A_159, %parallel_loop3A_159 {pack_format = #tpu.pack_format<interleaved>, positions = array<i32: 0, 1>} : vector<16xf32>, vector<16xf32> -> vector<32xbf16>
        %parallel_loop3A_161 = arith.index_cast %parallel_loop3A_157 : i32 to index
        %parallel_loop3A_162 = arith.constant 0 : index
        %parallel_loop3A_163 = tpu.vector_load %arg17[%parallel_loop3A_161, %parallel_loop3A_162] {strides = array<i32>} : memref<128x64xbf16, #tpu.memory_space<vmem>>, vector<32xbf16>,
        %parallel_loop3A_164 = arith.mulf %parallel_loop3A_163, %parallel_loop3A_160 : vector<32xbf16>
        %parallel_loop3A_165 = arith.index_cast %parallel_loop3A_157 : i32 to index
        %parallel_loop3A_166 = arith.constant 0 : index
        %parallel_loop3A_167 = tpu.vector_load %arg17[%parallel_loop3A_165, %parallel_loop3A_166] {strides = array<i32>} : memref<128x64xbf16, #tpu.memory_space<vmem>>, vector<32xbf16>,
        tpu.vector_store %arg17[%parallel_loop3A_165, %parallel_loop3A_166], %parallel_loop3A_164 {strides = array<i32>} : memref<128x64xbf16, #tpu.memory_space<vmem>>, vector<32xbf16>,
        %parallel_loop3A_168 = arith.index_cast %parallel_loop3A_157 : i32 to index
        %parallel_loop3A_169 = arith.constant 32 : index
        %parallel_loop3A_170 = tpu.vector_load %arg17[%parallel_loop3A_168, %parallel_loop3A_169] {strides = array<i32>} : memref<128x64xbf16, #tpu.memory_space<vmem>>, vector<32xbf16>,
        %parallel_loop3A_171 = arith.mulf %parallel_loop3A_170, %parallel_loop3A_160 : vector<32xbf16>
        %parallel_loop3A_172 = arith.index_cast %parallel_loop3A_157 : i32 to index
        %parallel_loop3A_173 = arith.constant 32 : index
        %parallel_loop3A_174 = tpu.vector_load %arg17[%parallel_loop3A_172, %parallel_loop3A_173] {strides = array<i32>} : memref<128x64xbf16, #tpu.memory_space<vmem>>, vector<32xbf16>,
        tpu.vector_store %arg17[%parallel_loop3A_172, %parallel_loop3A_173], %parallel_loop3A_171 {strides = array<i32>} : memref<128x64xbf16, #tpu.memory_space<vmem>>, vector<32xbf16>,
      } {sc.loop_unroll_factor = 8 : i64, sc.parallel_access}
      %dma_start3A_120 = arith.constant 0 : i32
      %dma_start3A_121 = arith.constant 0 : i32
      %dma_start3A_122 = tpu.memref_slice %arg21[%dma_start3A_120, %dma_start3A_121] : memref<20480x64xbf16, #tpu.memory_space<vmem_shared>> -> memref<20480x64xbf16, #tpu.memory_space<vmem_shared>>
      tpu.enqueue_indirect_dma source(%arg17 : memref<128x64xbf16, #tpu.memory_space<vmem>>) target(%dma_start3A_122 : memref<20480x64xbf16, #tpu.memory_space<vmem_shared>>) offsets(%arg14 : memref<128xi32, #tpu.memory_space<vmem>>) semaphore(%arg29 : memref<!tpu.dma_semaphore, #tpu.memory_space<semaphore_mem>>) {add = true}
      %mul3A_123 = arith.constant 3 : i32
      %mul3A_124 = arith.muli %scan3A_57, %mul3A_123 : i32
      %add3A_125 = arith.constant 2 : i32
      %add3A_126 = arith.addi %mul3A_124, %add3A_125 : i32
      %parallel_loop3A_127 = arith.constant 0 : i32
      %parallel_loop3A_128 = arith.constant 8 : i32
      %parallel_loop3A_129 = arith.constant 1 : i32
      scf.for %parallel_loop3A_157 = %parallel_loop3A_127 to %parallel_loop3A_128 step %parallel_loop3A_129  : i32 {
        %parallel_loop3A_158 = arith.constant 16 : i32
        %parallel_loop3A_159 = arith.muli %parallel_loop3A_157, %parallel_loop3A_158 : i32
        %parallel_loop3A_160 = arith.constant 0 : i32
        %parallel_loop3A_161 = arith.index_cast %parallel_loop3A_160 : i32 to index
        %parallel_loop3A_162 = arith.index_cast %parallel_loop3A_159 : i32 to index
        %parallel_loop3A_163 = tpu.vector_load %arg9[%parallel_loop3A_161, %parallel_loop3A_162] {strides = array<i32>} : memref<3x128xi32, #tpu.memory_space<vmem>>, vector<16xi32>,
        %parallel_loop3A_164 = arith.constant 2 : i32
        %parallel_loop3A_165 = arith.index_cast %parallel_loop3A_164 : i32 to index
        %parallel_loop3A_166 = arith.index_cast %parallel_loop3A_159 : i32 to index
        %parallel_loop3A_167 = tpu.vector_load %arg9[%parallel_loop3A_165, %parallel_loop3A_166] {strides = array<i32>} : memref<3x128xi32, #tpu.memory_space<vmem>>, vector<16xi32>,
        %parallel_loop3A_168 = vector.bitcast %parallel_loop3A_167 : vector<16xi32> to vector<16xf32>
        %parallel_loop3A_169 = tpu.vector_load_idx %arg20[%parallel_loop3A_163] : memref<20480xf32, #tpu.memory_space<vmem>>[vector<16xi32>], vector<16xf32>,
        %parallel_loop3A_170 = arith.mulf %parallel_loop3A_168, %parallel_loop3A_169 : vector<16xf32>
        %parallel_loop3A_171 = arith.index_cast %parallel_loop3A_159 : i32 to index
        %parallel_loop3A_172 = tpu.vector_load %arg19[%parallel_loop3A_171] {strides = array<i32>} : memref<128xf32, #tpu.memory_space<vmem>>, vector<16xf32>,
        tpu.vector_store %arg19[%parallel_loop3A_171], %parallel_loop3A_170 {strides = array<i32>} : memref<128xf32, #tpu.memory_space<vmem>>, vector<16xf32>,
      } {sc.loop_unroll_factor = 4 : i64, sc.parallel_access}
      %add3A_130 = arith.constant 1 : i32
      %add3A_131 = arith.addi %add3A_126, %add3A_130 : i32
      %lt3A_132 = arith.constant 252 : i32
      %lt3A_133 = arith.cmpi slt, %add3A_131, %lt3A_132 : i32
      %convert_element_type3A_134 = arith.extui %lt3A_133 : i1 to i32
      %cond3A_135 = arith.constant 0 : i32
      %cond3A_136 = arith.cmpi ne, %convert_element_type3A_134, %cond3A_135 : i32
      scf.if %cond3A_136 {
        %dma_wait3A_157 = arith.constant 0 : i32
        %dma_wait3A_158 = arith.constant 0 : i32
        %dma_wait3A_159 = arith.constant 0 : i32
        %dma_wait3A_160 = tpu.memref_slice %arg2[%dma_wait3A_157, %dma_wait3A_158, %dma_wait3A_159] : memref<4032x3x128xi32, #tpu.memory_space<hbm>> -> memref<1x3x128xi32, #tpu.memory_space<hbm>>
        %dma_wait3A_161 = tpu.memref_squeeze %dma_wait3A_160 : memref<1x3x128xi32, #tpu.memory_space<hbm>> -> memref<3x128xi32, #tpu.memory_space<hbm>>
        %dma_wait3A_162 = arith.constant 0 : i32
        %dma_wait3A_163 = arith.constant 0 : i32
        %dma_wait3A_164 = tpu.memref_slice %arg2[%dma_wait3A_157, %dma_wait3A_162, %dma_wait3A_163] : memref<4032x3x128xi32, #tpu.memory_space<hbm>> -> memref<1x3x128xi32, #tpu.memory_space<hbm>>
        %dma_wait3A_165 = tpu.memref_squeeze %dma_wait3A_164 : memref<1x3x128xi32, #tpu.memory_space<hbm>> -> memref<3x128xi32, #tpu.memory_space<hbm>>
        tpu.wait_dma2 semaphore(%arg22 : memref<!tpu.dma_semaphore, #tpu.memory_space<semaphore_mem>>) src(%dma_wait3A_165 : memref<3x128xi32, #tpu.memory_space<hbm>>) dst(%arg7 : memref<3x128xi32, #tpu.memory_space<vmem>>)
        %ge3A = arith.constant 2 : i32
        %ge3A_166 = arith.cmpi sge, %add3A_126, %ge3A : i32
        %convert_element_type3A_167 = arith.extui %ge3A_166 : i1 to i32
        %cond3A_168 = arith.constant 0 : i32
        %cond3A_169 = arith.cmpi ne, %convert_element_type3A_167, %cond3A_168 : i32
        scf.if %cond3A_169 {
          %dma_wait3A_176 = arith.constant 0 : i32
          %dma_wait3A_177 = arith.constant 0 : i32
          %dma_wait3A_178 = tpu.memref_slice %arg3[%dma_wait3A_176, %dma_wait3A_177] : memref<40960x64xbf16, #tpu.memory_space<hbm>> -> memref<128x64xbf16, #tpu.memory_space<hbm>>
          %dma_wait3A_179 = arith.constant 0 : i32
          %dma_wait3A_180 = arith.constant 0 : i32
          %dma_wait3A_181 = tpu.memref_slice %arg3[%dma_wait3A_179, %dma_wait3A_180] : memref<40960x64xbf16, #tpu.memory_space<hbm>> -> memref<128x64xbf16, #tpu.memory_space<hbm>>
          tpu.wait_dma2 semaphore(%arg28 : memref<!tpu.dma_semaphore, #tpu.memory_space<semaphore_mem>>) src(%dma_wait3A_181 : memref<128x64xbf16, #tpu.memory_space<hbm>>) dst(%arg16 : memref<128x64xbf16, #tpu.memory_space<vmem>>)
        } else {
        }
        %parallel_loop3A_170 = arith.constant 0 : i32
        %parallel_loop3A_171 = arith.constant 8 : i32
        %parallel_loop3A_172 = arith.constant 1 : i32
        scf.for %parallel_loop3A_176 = %parallel_loop3A_170 to %parallel_loop3A_171 step %parallel_loop3A_172  : i32 {
          %parallel_loop3A_177 = arith.constant 16 : i32
          %parallel_loop3A_178 = arith.muli %parallel_loop3A_176, %parallel_loop3A_177 : i32
          %parallel_loop3A_179 = arith.constant 0 : i32
          %parallel_loop3A_180 = arith.index_cast %parallel_loop3A_179 : i32 to index
          %parallel_loop3A_181 = arith.index_cast %parallel_loop3A_178 : i32 to index
          %parallel_loop3A_182 = tpu.vector_load %arg7[%parallel_loop3A_180, %parallel_loop3A_181] {strides = array<i32>} : memref<3x128xi32, #tpu.memory_space<vmem>>, vector<16xi32>,
          %parallel_loop3A_183 = arith.constant 2 : i32
          %parallel_loop3A_184 = vector.broadcast %parallel_loop3A_183 : i32 to vector<16xi32>
          %parallel_loop3A_185 = arith.muli %parallel_loop3A_182, %parallel_loop3A_184 : vector<16xi32>
          %parallel_loop3A_186 = vector.broadcast %arg0 : i32 to vector<16xi32>
          %parallel_loop3A_187 = arith.addi %parallel_loop3A_185, %parallel_loop3A_186 : vector<16xi32>
          %parallel_loop3A_188 = arith.index_cast %parallel_loop3A_178 : i32 to index
          %parallel_loop3A_189 = tpu.vector_load %arg10[%parallel_loop3A_188] {strides = array<i32>} : memref<128xi32, #tpu.memory_space<vmem>>, vector<16xi32>,
          tpu.vector_store %arg10[%parallel_loop3A_188], %parallel_loop3A_187 {strides = array<i32>} : memref<128xi32, #tpu.memory_space<vmem>>, vector<16xi32>,
          %parallel_loop3A_190 = arith.constant 1 : i32
          %parallel_loop3A_191 = arith.index_cast %parallel_loop3A_190 : i32 to index
          %parallel_loop3A_192 = arith.index_cast %parallel_loop3A_178 : i32 to index
          %parallel_loop3A_193 = tpu.vector_load %arg7[%parallel_loop3A_191, %parallel_loop3A_192] {strides = array<i32>} : memref<3x128xi32, #tpu.memory_space<vmem>>, vector<16xi32>,
          %parallel_loop3A_194 = arith.index_cast %parallel_loop3A_178 : i32 to index
          %parallel_loop3A_195 = tpu.vector_load %arg13[%parallel_loop3A_194] {strides = array<i32>} : memref<128xi32, #tpu.memory_space<vmem>>, vector<16xi32>,
          tpu.vector_store %arg13[%parallel_loop3A_194], %parallel_loop3A_193 {strides = array<i32>} : memref<128xi32, #tpu.memory_space<vmem>>, vector<16xi32>,
        } {sc.loop_unroll_factor = 4 : i64, sc.parallel_access}
        %dma_start3A_173 = arith.constant 0 : i32
        %dma_start3A_174 = arith.constant 0 : i32
        %dma_start3A_175 = tpu.memref_slice %arg3[%dma_start3A_173, %dma_start3A_174] : memref<40960x64xbf16, #tpu.memory_space<hbm>> -> memref<40960x64xbf16, #tpu.memory_space<hbm>>
        tpu.enqueue_indirect_dma source(%dma_start3A_175 : memref<40960x64xbf16, #tpu.memory_space<hbm>>) target(%arg16 : memref<128x64xbf16, #tpu.memory_space<vmem>>) offsets(%arg10 : memref<128xi32, #tpu.memory_space<vmem>>) semaphore(%arg25 : memref<!tpu.dma_semaphore, #tpu.memory_space<semaphore_mem>>)
      } else {
      }
      %add3A_137 = arith.constant 2 : i32
      %add3A_138 = arith.addi %add3A_126, %add3A_137 : i32
      %lt3A_139 = arith.constant 252 : i32
      %lt3A_140 = arith.cmpi slt, %add3A_138, %lt3A_139 : i32
      %convert_element_type3A_141 = arith.extui %lt3A_140 : i1 to i32
      %cond3A_142 = arith.constant 0 : i32
      %cond3A_143 = arith.cmpi ne, %convert_element_type3A_141, %cond3A_142 : i32
      scf.if %cond3A_143 {
        %add3A_157 = arith.addi %mul3A_2, %add3A_126 : i32
        %add3A_158 = arith.constant 2 : i32
        %add3A_159 = arith.addi %add3A_157, %add3A_158 : i32
        %dma_start3A_160 = arith.constant 0 : i32
        %dma_start3A_161 = arith.constant 0 : i32
        %dma_start3A_162 = tpu.memref_slice %arg2[%add3A_159, %dma_start3A_160, %dma_start3A_161] : memref<4032x3x128xi32, #tpu.memory_space<hbm>> -> memref<1x3x128xi32, #tpu.memory_space<hbm>>
        %dma_start3A_163 = tpu.memref_squeeze %dma_start3A_162 : memref<1x3x128xi32, #tpu.memory_space<hbm>> -> memref<3x128xi32, #tpu.memory_space<hbm>>
        %dma_start3A_164 = arith.constant 0 : i32
        %dma_start3A_165 = arith.constant 0 : i32
        %dma_start3A_166 = tpu.memref_slice %arg2[%add3A_159, %dma_start3A_164, %dma_start3A_165] : memref<4032x3x128xi32, #tpu.memory_space<hbm>> -> memref<1x3x128xi32, #tpu.memory_space<hbm>>
        %dma_start3A_167 = tpu.memref_squeeze %dma_start3A_166 : memref<1x3x128xi32, #tpu.memory_space<hbm>> -> memref<3x128xi32, #tpu.memory_space<hbm>>
        tpu.enqueue_dma source(%dma_start3A_167 : memref<3x128xi32, #tpu.memory_space<hbm>>) target(%arg8 : memref<3x128xi32, #tpu.memory_space<vmem>>) target_semaphore(%arg23 : memref<!tpu.dma_semaphore, #tpu.memory_space<semaphore_mem>>)
      } else {
      }
      %dma_wait3A_144 = arith.constant 0 : i32
      %dma_wait3A_145 = arith.constant 0 : i32
      %dma_wait3A_146 = tpu.memref_slice %arg3[%dma_wait3A_144, %dma_wait3A_145] : memref<40960x64xbf16, #tpu.memory_space<hbm>> -> memref<128x64xbf16, #tpu.memory_space<hbm>>
      %dma_wait3A_147 = arith.constant 0 : i32
      %dma_wait3A_148 = arith.constant 0 : i32
      %dma_wait3A_149 = tpu.memref_slice %arg3[%dma_wait3A_147, %dma_wait3A_148] : memref<40960x64xbf16, #tpu.memory_space<hbm>> -> memref<128x64xbf16, #tpu.memory_space<hbm>>
      tpu.wait_dma2 semaphore(%arg27 : memref<!tpu.dma_semaphore, #tpu.memory_space<semaphore_mem>>) src(%dma_wait3A_149 : memref<128x64xbf16, #tpu.memory_space<hbm>>) dst(%arg18 : memref<128x64xbf16, #tpu.memory_space<vmem>>)
      %parallel_loop3A_150 = arith.constant 0 : i32
      %parallel_loop3A_151 = arith.constant 128 : i32
      %parallel_loop3A_152 = arith.constant 1 : i32
      scf.for %parallel_loop3A_157 = %parallel_loop3A_150 to %parallel_loop3A_151 step %parallel_loop3A_152  : i32 {
        %parallel_loop3A_158 = vector.broadcast %parallel_loop3A_157 : i32 to vector<16xi32>
        %parallel_loop3A_159 = tpu.vector_load_idx %arg19[%parallel_loop3A_158] : memref<128xf32, #tpu.memory_space<vmem>>[vector<16xi32>], vector<16xf32>,
        %parallel_loop3A_160 = tpu.pack_subelements %parallel_loop3A_159, %parallel_loop3A_159 {pack_format = #tpu.pack_format<interleaved>, positions = array<i32: 0, 1>} : vector<16xf32>, vector<16xf32> -> vector<32xbf16>
        %parallel_loop3A_161 = arith.index_cast %parallel_loop3A_157 : i32 to index
        %parallel_loop3A_162 = arith.constant 0 : index
        %parallel_loop3A_163 = tpu.vector_load %arg18[%parallel_loop3A_161, %parallel_loop3A_162] {strides = array<i32>} : memref<128x64xbf16, #tpu.memory_space<vmem>>, vector<32xbf16>,
        %parallel_loop3A_164 = arith.mulf %parallel_loop3A_163, %parallel_loop3A_160 : vector<32xbf16>
        %parallel_loop3A_165 = arith.index_cast %parallel_loop3A_157 : i32 to index
        %parallel_loop3A_166 = arith.constant 0 : index
        %parallel_loop3A_167 = tpu.vector_load %arg18[%parallel_loop3A_165, %parallel_loop3A_166] {strides = array<i32>} : memref<128x64xbf16, #tpu.memory_space<vmem>>, vector<32xbf16>,
        tpu.vector_store %arg18[%parallel_loop3A_165, %parallel_loop3A_166], %parallel_loop3A_164 {strides = array<i32>} : memref<128x64xbf16, #tpu.memory_space<vmem>>, vector<32xbf16>,
        %parallel_loop3A_168 = arith.index_cast %parallel_loop3A_157 : i32 to index
        %parallel_loop3A_169 = arith.constant 32 : index
        %parallel_loop3A_170 = tpu.vector_load %arg18[%parallel_loop3A_168, %parallel_loop3A_169] {strides = array<i32>} : memref<128x64xbf16, #tpu.memory_space<vmem>>, vector<32xbf16>,
        %parallel_loop3A_171 = arith.mulf %parallel_loop3A_170, %parallel_loop3A_160 : vector<32xbf16>
        %parallel_loop3A_172 = arith.index_cast %parallel_loop3A_157 : i32 to index
        %parallel_loop3A_173 = arith.constant 32 : index
        %parallel_loop3A_174 = tpu.vector_load %arg18[%parallel_loop3A_172, %parallel_loop3A_173] {strides = array<i32>} : memref<128x64xbf16, #tpu.memory_space<vmem>>, vector<32xbf16>,
        tpu.vector_store %arg18[%parallel_loop3A_172, %parallel_loop3A_173], %parallel_loop3A_171 {strides = array<i32>} : memref<128x64xbf16, #tpu.memory_space<vmem>>, vector<32xbf16>,
      } {sc.loop_unroll_factor = 8 : i64, sc.parallel_access}
      %dma_start3A_153 = arith.constant 0 : i32
      %dma_start3A_154 = arith.constant 0 : i32
      %dma_start3A_155 = tpu.memref_slice %arg21[%dma_start3A_153, %dma_start3A_154] : memref<20480x64xbf16, #tpu.memory_space<vmem_shared>> -> memref<20480x64xbf16, #tpu.memory_space<vmem_shared>>
      tpu.enqueue_indirect_dma source(%arg18 : memref<128x64xbf16, #tpu.memory_space<vmem>>) target(%dma_start3A_155 : memref<20480x64xbf16, #tpu.memory_space<vmem_shared>>) offsets(%arg15 : memref<128xi32, #tpu.memory_space<vmem>>) semaphore(%arg30 : memref<!tpu.dma_semaphore, #tpu.memory_space<semaphore_mem>>) {add = true}
      %scan3A_156 = arith.constant 0 : i32
      scf.yield %scan3A_156 : i32
    }
    %scan3A_37 = arith.constant 84 : i32
    %dma_wait3A_38 = arith.constant 0 : i32
    %dma_wait3A_39 = arith.constant 0 : i32
    %dma_wait3A_40 = tpu.memref_slice %arg3[%dma_wait3A_38, %dma_wait3A_39] : memref<40960x64xbf16, #tpu.memory_space<hbm>> -> memref<128x64xbf16, #tpu.memory_space<hbm>>
    %dma_wait3A_41 = arith.constant 0 : i32
    %dma_wait3A_42 = arith.constant 0 : i32
    %dma_wait3A_43 = tpu.memref_slice %arg3[%dma_wait3A_41, %dma_wait3A_42] : memref<40960x64xbf16, #tpu.memory_space<hbm>> -> memref<128x64xbf16, #tpu.memory_space<hbm>>
    tpu.wait_dma2 semaphore(%arg28 : memref<!tpu.dma_semaphore, #tpu.memory_space<semaphore_mem>>) src(%dma_wait3A_43 : memref<128x64xbf16, #tpu.memory_space<hbm>>) dst(%arg16 : memref<128x64xbf16, #tpu.memory_space<vmem>>)
    %dma_wait3A_44 = arith.constant 0 : i32
    %dma_wait3A_45 = arith.constant 0 : i32
    %dma_wait3A_46 = tpu.memref_slice %arg3[%dma_wait3A_44, %dma_wait3A_45] : memref<40960x64xbf16, #tpu.memory_space<hbm>> -> memref<128x64xbf16, #tpu.memory_space<hbm>>
    %dma_wait3A_47 = arith.constant 0 : i32
    %dma_wait3A_48 = arith.constant 0 : i32
    %dma_wait3A_49 = tpu.memref_slice %arg3[%dma_wait3A_47, %dma_wait3A_48] : memref<40960x64xbf16, #tpu.memory_space<hbm>> -> memref<128x64xbf16, #tpu.memory_space<hbm>>
    tpu.wait_dma2 semaphore(%arg29 : memref<!tpu.dma_semaphore, #tpu.memory_space<semaphore_mem>>) src(%dma_wait3A_49 : memref<128x64xbf16, #tpu.memory_space<hbm>>) dst(%arg17 : memref<128x64xbf16, #tpu.memory_space<vmem>>)
    %dma_wait3A_50 = arith.constant 0 : i32
    %dma_wait3A_51 = arith.constant 0 : i32
    %dma_wait3A_52 = tpu.memref_slice %arg3[%dma_wait3A_50, %dma_wait3A_51] : memref<40960x64xbf16, #tpu.memory_space<hbm>> -> memref<128x64xbf16, #tpu.memory_space<hbm>>
    %dma_wait3A_53 = arith.constant 0 : i32
    %dma_wait3A_54 = arith.constant 0 : i32
    %dma_wait3A_55 = tpu.memref_slice %arg3[%dma_wait3A_53, %dma_wait3A_54] : memref<40960x64xbf16, #tpu.memory_space<hbm>> -> memref<128x64xbf16, #tpu.memory_space<hbm>>
    tpu.wait_dma2 semaphore(%arg30 : memref<!tpu.dma_semaphore, #tpu.memory_space<semaphore_mem>>) src(%dma_wait3A_55 : memref<128x64xbf16, #tpu.memory_space<hbm>>) dst(%arg18 : memref<128x64xbf16, #tpu.memory_space<vmem>>)
    %barrier3A_56 = arith.constant 0 : index
    tpu.barrier barrier_id(%barrier3A_56)
    "tpu.region"() ({
      %run_scoped3A = tpu.sem_alloc : memref<!tpu.dma_semaphore, #tpu.memory_space<semaphore_mem>>
      %dma_start3A_57 = arith.constant 0 : i32
      %dma_start3A_58 = tpu.memref_slice %arg6[%arg0, %mul3A_0, %dma_start3A_57] : memref<2x20480x64xbf16, #tpu.memory_space<hbm>> -> memref<1x1280x64xbf16, #tpu.memory_space<hbm>>
      %dma_start3A_59 = tpu.memref_squeeze %dma_start3A_58 : memref<1x1280x64xbf16, #tpu.memory_space<hbm>> -> memref<1280x64xbf16, #tpu.memory_space<hbm>>
      %dma_start3A_60 = arith.constant 0 : i32
      %dma_start3A_61 = tpu.memref_slice %arg21[%mul3A_0, %dma_start3A_60] : memref<20480x64xbf16, #tpu.memory_space<vmem_shared>> -> memref<1280x64xbf16, #tpu.memory_space<vmem_shared>>
      tpu.enqueue_dma source(%dma_start3A_61 : memref<1280x64xbf16, #tpu.memory_space<vmem_shared>>) target(%dma_start3A_59 : memref<1280x64xbf16, #tpu.memory_space<hbm>>) target_semaphore(%run_scoped3A : memref<!tpu.dma_semaphore, #tpu.memory_space<semaphore_mem>>)
      %dma_wait3A_62 = arith.constant 0 : i32
      %dma_wait3A_63 = tpu.memref_slice %arg6[%arg0, %mul3A_0, %dma_wait3A_62] : memref<2x20480x64xbf16, #tpu.memory_space<hbm>> -> memref<1x1280x64xbf16, #tpu.memory_space<hbm>>
      %dma_wait3A_64 = tpu.memref_squeeze %dma_wait3A_63 : memref<1x1280x64xbf16, #tpu.memory_space<hbm>> -> memref<1280x64xbf16, #tpu.memory_space<hbm>>
      %dma_wait3A_65 = arith.constant 0 : i32
      %dma_wait3A_66 = tpu.memref_slice %arg21[%mul3A_0, %dma_wait3A_65] : memref<20480x64xbf16, #tpu.memory_space<vmem_shared>> -> memref<1280x64xbf16, #tpu.memory_space<vmem_shared>>
      tpu.wait_dma2 semaphore(%run_scoped3A : memref<!tpu.dma_semaphore, #tpu.memory_space<semaphore_mem>>) src(%dma_wait3A_66 : memref<1280x64xbf16, #tpu.memory_space<vmem_shared>>) dst(%dma_wait3A_64 : memref<1280x64xbf16, #tpu.memory_space<hbm>>)
      tpu.yield
    }) : () -> ()
    return
  }
}

module attributes {stable_mosaic.version = 14 : i64} {
  func.func @_mm_body(%arg0: i32, %arg1: memref<640x128xf32, #tpu.memory_space<vmem>>, %arg2: memref<640x128xf32, #tpu.memory_space<vmem>>, %arg3: memref<128x128xf32, #tpu.memory_space<vmem>>, %arg4: memref<128x128xf32, #tpu.memory_space<vmem>>, %arg5: memref<2x160x128xf32, #tpu.memory_space<vmem>>, %arg6: memref<2x640x128xbf16, #tpu.memory_space<vmem>>, %arg7: memref<160x128xf32, #tpu.memory_space<vmem>>) attributes {dimension_semantics = [#tpu.dimension_semantics<arbitrary>], iteration_bounds = array<i64: 16>, scalar_prefetch = 0 : i64, scratch_operands = 0 : i64, tpu.core_type = #tpu.core_type<tc>, window_params = [{transform_indices = @transform_0, window_bounds = array<i64: 640, 128>}, {transform_indices = @transform_1, window_bounds = array<i64: 640, 128>}, {pipeline_mode = #tpu.pipeline_mode<synchronous>, transform_indices = @transform_2, window_bounds = array<i64: 128, 128>}, {pipeline_mode = #tpu.pipeline_mode<synchronous>, transform_indices = @transform_3, window_bounds = array<i64: 128, 128>}, {pipeline_mode = #tpu.pipeline_mode<synchronous>, transform_indices = @transform_4, window_bounds = array<i64: 2, 160, 128>}, {transform_indices = @transform_5, window_bounds = array<i64: 2, 640, 128>}, {pipeline_mode = #tpu.pipeline_mode<synchronous>, transform_indices = @transform_6, window_bounds = array<i64: 160, 128>}]} {
    %get3A = arith.constant 0 : index
    %get3A_0 = arith.constant 0 : index
    %get3A_1 = vector.load %arg1[%get3A, %get3A_0] : memref<640x128xf32, #tpu.memory_space<vmem>>, vector<640x128xf32>
    %get3A_2 = arith.constant 0 : index
    %get3A_3 = arith.constant 0 : index
    %get3A_4 = vector.load %arg3[%get3A_2, %get3A_3] : memref<128x128xf32, #tpu.memory_space<vmem>>, vector<128x128xf32>
    %dot_general3A = arith.constant dense<0.000000e+00> : vector<640x128xf32>
    %dot_general3A_5 = tpu.matmul %get3A_1, %get3A_4, %dot_general3A {dimension_numbers = #tpu.dot_dimension_numbers<[1], [0], [0], [1], [0, 0, 1, 1], [], []>, transpose_lhs_hint = false} : vector<640x128xf32>, vector<128x128xf32>, vector<640x128xf32> -> vector<640x128xf32>
    %convert_element_type3A = arith.truncf %dot_general3A_5 : vector<640x128xf32> to vector<640x128xbf16>
    %swap3A = arith.constant 0 : index
    %swap3A_6 = arith.constant 0 : index
    %swap3A_7 = arith.constant 0 : index
    %swap3A_8 = vector.load %arg6[%swap3A, %swap3A_6, %swap3A_7] : memref<2x640x128xbf16, #tpu.memory_space<vmem>>, vector<1x640x128xbf16>
    %swap3A_9 = vector.shape_cast %swap3A_8 : vector<1x640x128xbf16> to vector<640x128xbf16>
    %swap3A_10 = vector.shape_cast %convert_element_type3A : vector<640x128xbf16> to vector<1x640x128xbf16>
    tpu.vector_store %arg6[%swap3A, %swap3A_6, %swap3A_7], %swap3A_10 {strides = array<i32>} : memref<2x640x128xbf16, #tpu.memory_space<vmem>>, vector<1x640x128xbf16>,
    %get3A_11 = arith.constant 0 : index
    %get3A_12 = arith.constant 0 : index
    %get3A_13 = vector.load %arg2[%get3A_11, %get3A_12] : memref<640x128xf32, #tpu.memory_space<vmem>>, vector<640x128xf32>
    %get3A_14 = arith.constant 0 : index
    %get3A_15 = arith.constant 0 : index
    %get3A_16 = vector.load %arg4[%get3A_14, %get3A_15] : memref<128x128xf32, #tpu.memory_space<vmem>>, vector<128x128xf32>
    %dot_general3A_17 = arith.constant dense<0.000000e+00> : vector<640x128xf32>
    %dot_general3A_18 = tpu.matmul %get3A_13, %get3A_16, %dot_general3A_17 {dimension_numbers = #tpu.dot_dimension_numbers<[1], [0], [0], [1], [0, 0, 1, 1], [], []>, transpose_lhs_hint = false} : vector<640x128xf32>, vector<128x128xf32>, vector<640x128xf32> -> vector<640x128xf32>
    %convert_element_type3A_19 = arith.truncf %dot_general3A_18 : vector<640x128xf32> to vector<640x128xbf16>
    %swap3A_20 = arith.constant 1 : index
    %swap3A_21 = arith.constant 0 : index
    %swap3A_22 = arith.constant 0 : index
    %swap3A_23 = vector.load %arg6[%swap3A_20, %swap3A_21, %swap3A_22] : memref<2x640x128xbf16, #tpu.memory_space<vmem>>, vector<1x640x128xbf16>
    %swap3A_24 = vector.shape_cast %swap3A_23 : vector<1x640x128xbf16> to vector<640x128xbf16>
    %swap3A_25 = vector.shape_cast %convert_element_type3A_19 : vector<640x128xbf16> to vector<1x640x128xbf16>
    tpu.vector_store %arg6[%swap3A_20, %swap3A_21, %swap3A_22], %swap3A_25 {strides = array<i32>} : memref<2x640x128xbf16, #tpu.memory_space<vmem>>, vector<1x640x128xbf16>,
    %eq3A = arith.constant 0 : i32
    %eq3A_26 = arith.cmpi eq, %arg0, %eq3A : i32
    %convert_element_type3A_27 = arith.extui %eq3A_26 : i1 to i32
    %cond3A = arith.constant 0 : i32
    %cond3A_28 = arith.cmpi ne, %convert_element_type3A_27, %cond3A : i32
    scf.if %cond3A_28 {
      %get3A_29 = arith.constant 0 : index
      %get3A_30 = arith.constant 0 : index
      %get3A_31 = arith.constant 0 : index
      %get3A_32 = vector.load %arg5[%get3A_29, %get3A_30, %get3A_31] : memref<2x160x128xf32, #tpu.memory_space<vmem>>, vector<1x160x128xf32>
      %get3A_33 = vector.shape_cast %get3A_32 : vector<1x160x128xf32> to vector<160x128xf32>
      %get3A_34 = arith.constant 1 : index
      %get3A_35 = arith.constant 0 : index
      %get3A_36 = arith.constant 0 : index
      %get3A_37 = vector.load %arg5[%get3A_34, %get3A_35, %get3A_36] : memref<2x160x128xf32, #tpu.memory_space<vmem>>, vector<1x160x128xf32>
      %get3A_38 = vector.shape_cast %get3A_37 : vector<1x160x128xf32> to vector<160x128xf32>
      %add3A = arith.addf %get3A_33, %get3A_38 : vector<160x128xf32>
      %gt3A = arith.constant 0.000000e+00 : f32
      %gt3A_39 = vector.broadcast %gt3A : f32 to vector<160x128xf32>
      %gt3A_40 = arith.cmpf ogt, %add3A, %gt3A_39 : vector<160x128xf32>
      %rsqrt3A = math.rsqrt %add3A : vector<160x128xf32>
      %jit3A = arith.constant 0.000000e+00 : f32
      %broadcast_in_dim3A = vector.broadcast %jit3A : f32 to vector<160x128xf32>
      %select_n3A = arith.select %gt3A_40, %rsqrt3A, %broadcast_in_dim3A : vector<160x128xi1>, vector<160x128xf32>
      %swap3A_41 = arith.constant 0 : index
      %swap3A_42 = arith.constant 0 : index
      %swap3A_43 = vector.load %arg7[%swap3A_41, %swap3A_42] : memref<160x128xf32, #tpu.memory_space<vmem>>, vector<160x128xf32>
      tpu.vector_store %arg7[%swap3A_41, %swap3A_42], %select_n3A {strides = array<i32>} : memref<160x128xf32, #tpu.memory_space<vmem>>, vector<160x128xf32>,
    } else {
    }
    return
  }
  func.func @transform_0(%arg0: i32) -> (i32, i32) {
    %c0_i32 = arith.constant 0 : i32
    %c0_i32_0 = arith.constant 0 : i32
    return %arg0, %c0_i32 : i32, i32
  }
  func.func @transform_1(%arg0: i32) -> (i32, i32) {
    %c0_i32 = arith.constant 0 : i32
    %c0_i32_0 = arith.constant 0 : i32
    return %arg0, %c0_i32 : i32, i32
  }
  func.func @transform_2(%arg0: i32) -> (i32, i32) {
    %c0_i32 = arith.constant 0 : i32
    %c0_i32_0 = arith.constant 0 : i32
    %c0_i32_1 = arith.constant 0 : i32
    return %c0_i32, %c0_i32_0 : i32, i32
  }
  func.func @transform_3(%arg0: i32) -> (i32, i32) {
    %c0_i32 = arith.constant 0 : i32
    %c0_i32_0 = arith.constant 0 : i32
    %c0_i32_1 = arith.constant 0 : i32
    return %c0_i32, %c0_i32_0 : i32, i32
  }
  func.func @transform_4(%arg0: i32) -> (i32, i32, i32) {
    %c0_i32 = arith.constant 0 : i32
    %c0_i32_0 = arith.constant 0 : i32
    %c0_i32_1 = arith.constant 0 : i32
    %c0_i32_2 = arith.constant 0 : i32
    return %c0_i32, %c0_i32_0, %c0_i32_1 : i32, i32, i32
  }
  func.func @transform_5(%arg0: i32) -> (i32, i32, i32) {
    %c0_i32 = arith.constant 0 : i32
    %c0_i32_0 = arith.constant 0 : i32
    %c0_i32_1 = arith.constant 0 : i32
    return %c0_i32, %arg0, %c0_i32_0 : i32, i32, i32
  }
  func.func @transform_6(%arg0: i32) -> (i32, i32) {
    %c0_i32 = arith.constant 0 : i32
    %c0_i32_0 = arith.constant 0 : i32
    %c0_i32_1 = arith.constant 0 : i32
    return %c0_i32, %c0_i32_0 : i32, i32
  }
}

module attributes {stable_mosaic.version = 14 : i64} {
  func.func @_t2_body(%arg0: i32, %arg1: memref<2x512x64xbf16, #tpu.memory_space<vmem>>, %arg2: memref<512x1xf32, #tpu.memory_space<vmem>>, %arg3: memref<2x128xf32, #tpu.memory_space<vmem>>, %arg4: memref<1x512xf32, #tpu.memory_space<vmem>>, %arg5: memref<512x128xf32, #tpu.memory_space<vmem>>, %arg6: memref<1x128xf32, #tpu.memory_space<vmem>>, %arg7: memref<128x128xf32, #tpu.memory_space<vmem>>, %arg8: memref<1x128xf32, #tpu.memory_space<vmem>>, %arg9: memref<384x128xf32, #tpu.memory_space<vmem>>, %arg10: memref<1x128xf32, #tpu.memory_space<vmem>>, %arg11: memref<128x1xf32, #tpu.memory_space<vmem>>, %arg12: memref<1x1xf32, #tpu.memory_space<vmem>>, %arg13: memref<1x128xf32, #tpu.memory_space<vmem>>, %arg14: memref<8x128xf32, #tpu.memory_space<vmem>>) attributes {dimension_semantics = [#tpu.dimension_semantics<arbitrary>], iteration_bounds = array<i64: 40>, scalar_prefetch = 0 : i64, scratch_operands = 1 : i64, tpu.core_type = #tpu.core_type<tc>, window_params = [{transform_indices = @transform_0, window_bounds = array<i64: 2, 512, 64>}, {transform_indices = @transform_1, window_bounds = array<i64: 512, 1>}, {pipeline_mode = #tpu.pipeline_mode<synchronous>, transform_indices = @transform_2, window_bounds = array<i64: 2, 128>}, {pipeline_mode = #tpu.pipeline_mode<synchronous>, transform_indices = @transform_3, window_bounds = array<i64: 1, 512>}, {pipeline_mode = #tpu.pipeline_mode<synchronous>, transform_indices = @transform_4, window_bounds = array<i64: 512, 128>}, {pipeline_mode = #tpu.pipeline_mode<synchronous>, transform_indices = @transform_5, window_bounds = array<i64: 1, 128>}, {pipeline_mode = #tpu.pipeline_mode<synchronous>, transform_indices = @transform_6, window_bounds = array<i64: 128, 128>}, {pipeline_mode = #tpu.pipeline_mode<synchronous>, transform_indices = @transform_7, window_bounds = array<i64: 1, 128>}, {pipeline_mode = #tpu.pipeline_mode<synchronous>, transform_indices = @transform_8, window_bounds = array<i64: 384, 128>}, {pipeline_mode = #tpu.pipeline_mode<synchronous>, transform_indices = @transform_9, window_bounds = array<i64: 1, 128>}, {pipeline_mode = #tpu.pipeline_mode<synchronous>, transform_indices = @transform_10, window_bounds = array<i64: 128, 1>}, {pipeline_mode = #tpu.pipeline_mode<synchronous>, transform_indices = @transform_11, window_bounds = array<i64: 1, 1>}, {pipeline_mode = #tpu.pipeline_mode<synchronous>, transform_indices = @transform_12, window_bounds = array<i64: 1, 128>}]} {
    %eq3A = arith.constant 0 : i32
    %eq3A_0 = arith.cmpi eq, %arg0, %eq3A : i32
    %convert_element_type3A = arith.extui %eq3A_0 : i1 to i32
    %cond3A = arith.constant 0 : i32
    %cond3A_1 = arith.cmpi ne, %convert_element_type3A, %cond3A : i32
    scf.if %cond3A_1 {
      %broadcast_in_dim3A_87 = arith.constant 0.000000e+00 : f32
      %broadcast_in_dim3A_88 = vector.broadcast %broadcast_in_dim3A_87 : f32 to vector<8x128xf32>
      %swap3A_89 = arith.constant 0 : index
      %swap3A_90 = arith.constant 0 : index
      %swap3A_91 = vector.load %arg14[%swap3A_89, %swap3A_90] : memref<8x128xf32, #tpu.memory_space<vmem>>, vector<8x128xf32>
      tpu.vector_store %arg14[%swap3A_89, %swap3A_90], %broadcast_in_dim3A_88 {strides = array<i32>} : memref<8x128xf32, #tpu.memory_space<vmem>>, vector<8x128xf32>,
    } else {
    }
    %mul3A = arith.constant 512 : i32
    %mul3A_2 = arith.muli %arg0, %mul3A : i32
    %iota3A = tpu.iota {dimensions = array<i32: 0>} : vector<512x1xi32>
    %add3A = vector.broadcast %mul3A_2 : i32 to vector<512x1xi32>
    %add3A_3 = arith.addi %add3A, %iota3A : vector<512x1xi32>
    %lt3A = arith.constant 10000 : i32
    %lt3A_4 = vector.broadcast %lt3A : i32 to vector<512x1xi32>
    %lt3A_5 = arith.cmpi slt, %add3A_3, %lt3A_4 : vector<512x1xi32>
    %ge3A = arith.constant 10240 : i32
    %ge3A_6 = vector.broadcast %ge3A : i32 to vector<512x1xi32>
    %ge3A_7 = arith.cmpi sge, %add3A_3, %ge3A_6 : vector<512x1xi32>
    %lt3A_8 = arith.constant 20240 : i32
    %lt3A_9 = vector.broadcast %lt3A_8 : i32 to vector<512x1xi32>
    %lt3A_10 = arith.cmpi slt, %add3A_3, %lt3A_9 : vector<512x1xi32>
    %and3A = arith.andi %ge3A_7, %lt3A_10 : vector<512x1xi1>
    %or3A = arith.ori %lt3A_5, %and3A : vector<512x1xi1>
    %convert_element_type3A_11 = arith.extui %or3A : vector<512x1xi1> to vector<512x1xi32>
    %convert_element_type3A_12 = arith.sitofp %convert_element_type3A_11 : vector<512x1xi32> to vector<512x1xf32>
    %jit3A = arith.constant 20 : i32
    %div3A = arith.divsi %arg0, %jit3A : i32
    %sign3A = arith.constant 0 : i32
    %sign3A_13 = arith.cmpi sgt, %arg0, %sign3A : i32
    %sign3A_14 = arith.extui %sign3A_13 : i1 to i32
    %sign3A_15 = arith.constant 0 : i32
    %sign3A_16 = arith.cmpi slt, %arg0, %sign3A_15 : i32
    %sign3A_17 = arith.extui %sign3A_16 : i1 to i32
    %sign3A_18 = arith.subi %sign3A_14, %sign3A_17 : i32
    %sign3A_19 = arith.constant 0 : i32
    %sign3A_20 = arith.cmpi sgt, %jit3A, %sign3A_19 : i32
    %sign3A_21 = arith.extui %sign3A_20 : i1 to i32
    %sign3A_22 = arith.constant 0 : i32
    %sign3A_23 = arith.cmpi slt, %jit3A, %sign3A_22 : i32
    %sign3A_24 = arith.extui %sign3A_23 : i1 to i32
    %sign3A_25 = arith.subi %sign3A_21, %sign3A_24 : i32
    %ne3A = arith.cmpi ne, %sign3A_18, %sign3A_25 : i32
    %rem3A = arith.remsi %arg0, %jit3A : i32
    %ne3A_26 = arith.constant 0 : i32
    %ne3A_27 = arith.cmpi ne, %rem3A, %ne3A_26 : i32
    %and3A_28 = arith.andi %ne3A, %ne3A_27 : i1
    %sub3A = arith.constant 1 : i32
    %sub3A_29 = arith.subi %div3A, %sub3A : i32
    %select_n3A = arith.select %and3A_28, %sub3A_29, %div3A : i32
    %get3A = arith.constant 0 : index
    %get3A_30 = arith.constant 0 : index
    %get3A_31 = vector.load %arg2[%get3A, %get3A_30] : memref<512x1xf32, #tpu.memory_space<vmem>>, vector<512x1xf32>
    %get3A_32 = arith.index_cast %select_n3A : i32 to index
    %get3A_33 = arith.constant 0 : index
    %get3A_34 = vector.load %arg3[%get3A_32, %get3A_33] : memref<2x128xf32, #tpu.memory_space<vmem>>, vector<1x128xf32>
    %get3A_35 = arith.constant 0 : index
    %get3A_36 = arith.constant 0 : index
    %get3A_37 = arith.constant 0 : index
    %get3A_38 = vector.load %arg1[%get3A_35, %get3A_36, %get3A_37] : memref<2x512x64xbf16, #tpu.memory_space<vmem>>, vector<1x512x64xbf16>
    %get3A_39 = vector.shape_cast %get3A_38 : vector<1x512x64xbf16> to vector<512x64xbf16>
    %convert_element_type3A_40 = arith.extf %get3A_39 : vector<512x64xbf16> to vector<512x64xf32>
    %get3A_41 = arith.constant 1 : index
    %get3A_42 = arith.constant 0 : index
    %get3A_43 = arith.constant 0 : index
    %get3A_44 = vector.load %arg1[%get3A_41, %get3A_42, %get3A_43] : memref<2x512x64xbf16, #tpu.memory_space<vmem>>, vector<1x512x64xbf16>
    %get3A_45 = vector.shape_cast %get3A_44 : vector<1x512x64xbf16> to vector<512x64xbf16>
    %convert_element_type3A_46 = arith.extf %get3A_45 : vector<512x64xbf16> to vector<512x64xf32>
    %mul3A_47 = vector.broadcast %get3A_31 : vector<512x1xf32> to vector<512x64xf32>
    %mul3A_48 = arith.mulf %mul3A_47, %convert_element_type3A_40 : vector<512x64xf32>
    %slice3A = vector.extract_strided_slice %get3A_34 {offsets = [0, 0], sizes = [1, 64], strides = [1, 1]} : vector<1x128xf32> to vector<1x64xf32>
    %add3A_49 = vector.broadcast %slice3A : vector<1x64xf32> to vector<512x64xf32>
    %add3A_50 = arith.addf %mul3A_48, %add3A_49 : vector<512x64xf32>
    %max3A = arith.constant 0.000000e+00 : f32
    %max3A_51 = vector.broadcast %max3A : f32 to vector<512x64xf32>
    %max3A_52 = arith.maximumf %add3A_50, %max3A_51 : vector<512x64xf32>
    %mul3A_53 = vector.broadcast %get3A_31 : vector<512x1xf32> to vector<512x64xf32>
    %mul3A_54 = arith.mulf %mul3A_53, %convert_element_type3A_46 : vector<512x64xf32>
    %slice3A_55 = vector.extract_strided_slice %get3A_34 {offsets = [0, 64], sizes = [1, 64], strides = [1, 1]} : vector<1x128xf32> to vector<1x64xf32>
    %add3A_56 = vector.broadcast %slice3A_55 : vector<1x64xf32> to vector<512x64xf32>
    %add3A_57 = arith.addf %mul3A_54, %add3A_56 : vector<512x64xf32>
    %max3A_58 = arith.constant 0.000000e+00 : f32
    %max3A_59 = vector.broadcast %max3A_58 : f32 to vector<512x64xf32>
    %max3A_60 = arith.maximumf %add3A_57, %max3A_59 : vector<512x64xf32>
    %mul3A_61 = vector.broadcast %convert_element_type3A_12 : vector<512x1xf32> to vector<512x64xf32>
    %mul3A_62 = arith.mulf %max3A_52, %mul3A_61 : vector<512x64xf32>
    %reduce_sum3A = arith.constant dense<0.000000e+00> : vector<64xf32>
    %reduce_sum3A_63 = vector.multi_reduction <add>, %mul3A_62, %reduce_sum3A [0] : vector<512x64xf32> to vector<64xf32>
    %broadcast_in_dim3A = vector.shape_cast %reduce_sum3A_63 : vector<64xf32> to vector<1x64xf32>
    %mul3A_64 = vector.broadcast %convert_element_type3A_12 : vector<512x1xf32> to vector<512x64xf32>
    %mul3A_65 = arith.mulf %max3A_60, %mul3A_64 : vector<512x64xf32>
    %reduce_sum3A_66 = arith.constant dense<0.000000e+00> : vector<64xf32>
    %reduce_sum3A_67 = vector.multi_reduction <add>, %mul3A_65, %reduce_sum3A_66 [0] : vector<512x64xf32> to vector<64xf32>
    %broadcast_in_dim3A_68 = vector.shape_cast %reduce_sum3A_67 : vector<64xf32> to vector<1x64xf32>
    %get3A_69 = arith.index_cast %select_n3A : i32 to index
    %get3A_70 = arith.constant 0 : index
    %get3A_71 = vector.load %arg14[%get3A_69, %get3A_70] : memref<8x128xf32, #tpu.memory_space<vmem>>, vector<1x64xf32>
    %add3A_72 = arith.addf %get3A_71, %broadcast_in_dim3A : vector<1x64xf32>
    %swap3A = arith.index_cast %select_n3A : i32 to index
    %swap3A_73 = arith.constant 0 : index
    %swap3A_74 = vector.load %arg14[%swap3A, %swap3A_73] : memref<8x128xf32, #tpu.memory_space<vmem>>, vector<1x64xf32>
    tpu.vector_store %arg14[%swap3A, %swap3A_73], %add3A_72 {strides = array<i32>} : memref<8x128xf32, #tpu.memory_space<vmem>>, vector<1x64xf32>,
    %get3A_75 = arith.index_cast %select_n3A : i32 to index
    %get3A_76 = arith.constant 64 : index
    %get3A_77 = vector.load %arg14[%get3A_75, %get3A_76] : memref<8x128xf32, #tpu.memory_space<vmem>>, vector<1x64xf32>
    %add3A_78 = arith.addf %get3A_77, %broadcast_in_dim3A_68 : vector<1x64xf32>
    %swap3A_79 = arith.index_cast %select_n3A : i32 to index
    %swap3A_80 = arith.constant 64 : index
    %swap3A_81 = vector.load %arg14[%swap3A_79, %swap3A_80] : memref<8x128xf32, #tpu.memory_space<vmem>>, vector<1x64xf32>
    tpu.vector_store %arg14[%swap3A_79, %swap3A_80], %add3A_78 {strides = array<i32>} : memref<8x128xf32, #tpu.memory_space<vmem>>, vector<1x64xf32>,
    %eq3A_82 = arith.constant 39 : i32
    %eq3A_83 = arith.cmpi eq, %arg0, %eq3A_82 : i32
    %convert_element_type3A_84 = arith.extui %eq3A_83 : i1 to i32
    %cond3A_85 = arith.constant 0 : i32
    %cond3A_86 = arith.cmpi ne, %convert_element_type3A_84, %cond3A_85 : i32
    scf.if %cond3A_86 {
      %get3A_87 = arith.constant 0 : index
      %get3A_88 = arith.constant 0 : index
      %get3A_89 = vector.load %arg14[%get3A_87, %get3A_88] : memref<8x128xf32, #tpu.memory_space<vmem>>, vector<1x128xf32>
      %mul3A_90 = arith.constant 9.99999974E-5 : f32
      %mul3A_91 = vector.broadcast %mul3A_90 : f32 to vector<1x128xf32>
      %mul3A_92 = arith.mulf %get3A_89, %mul3A_91 : vector<1x128xf32>
      %get3A_93 = arith.constant 1 : index
      %get3A_94 = arith.constant 0 : index
      %get3A_95 = vector.load %arg14[%get3A_93, %get3A_94] : memref<8x128xf32, #tpu.memory_space<vmem>>, vector<1x128xf32>
      %mul3A_96 = arith.constant 9.99999974E-5 : f32
      %mul3A_97 = vector.broadcast %mul3A_96 : f32 to vector<1x128xf32>
      %mul3A_98 = arith.mulf %get3A_95, %mul3A_97 : vector<1x128xf32>
      %get3A_99 = arith.constant 0 : index
      %get3A_100 = arith.constant 0 : index
      %get3A_101 = vector.load %arg4[%get3A_99, %get3A_100] : memref<1x512xf32, #tpu.memory_space<vmem>>, vector<1x512xf32>
      %get3A_102 = arith.constant 0 : index
      %get3A_103 = arith.constant 0 : index
      %get3A_104 = vector.load %arg5[%get3A_102, %get3A_103] : memref<512x128xf32, #tpu.memory_space<vmem>>, vector<512x128xf32>
      %dot_general3A = arith.constant dense<0.000000e+00> : vector<1x128xf32>
      %dot_general3A_105 = tpu.matmul %get3A_101, %get3A_104, %dot_general3A {dimension_numbers = #tpu.dot_dimension_numbers<[1], [0], [0], [1], [0, 0, 1, 1], [], []>, transpose_lhs_hint = false} : vector<1x512xf32>, vector<512x128xf32>, vector<1x128xf32> -> vector<1x128xf32>
      %get3A_106 = arith.constant 0 : index
      %get3A_107 = arith.constant 0 : index
      %get3A_108 = vector.load %arg6[%get3A_106, %get3A_107] : memref<1x128xf32, #tpu.memory_space<vmem>>, vector<1x128xf32>
      %add3A_109 = arith.addf %dot_general3A_105, %get3A_108 : vector<1x128xf32>
      %custom_jvp_call3A = arith.constant 0.000000e+00 : f32
      %max3A_110 = vector.broadcast %custom_jvp_call3A : f32 to vector<1x128xf32>
      %max3A_111 = arith.maximumf %add3A_109, %max3A_110 : vector<1x128xf32>
      %sub3A_112 = vector.broadcast %custom_jvp_call3A : f32 to vector<1x128xf32>
      %sub3A_113 = arith.subf %add3A_109, %sub3A_112 : vector<1x128xf32>
      %ne3A_114 = arith.cmpf one, %sub3A_113, %sub3A_113 : vector<1x128xf32>
      %add3A_115 = vector.broadcast %custom_jvp_call3A : f32 to vector<1x128xf32>
      %add3A_116 = arith.addf %add3A_109, %add3A_115 : vector<1x128xf32>
      %abs3A = math.absf %sub3A_113 : vector<1x128xf32>
      %neg3A = arith.constant 0.000000e+00 : f32
      %neg3A_117 = vector.broadcast %neg3A : f32 to vector<1x128xf32>
      %neg3A_118 = arith.subf %neg3A_117, %abs3A : vector<1x128xf32>
      %exp3A = math.exp %neg3A_118 : vector<1x128xf32>
      %log1p3A = math.log1p %exp3A : vector<1x128xf32>
      %add3A_119 = arith.addf %max3A_111, %log1p3A : vector<1x128xf32>
      %select_n3A_120 = arith.select %ne3A_114, %add3A_116, %add3A_119 : vector<1x128xi1>, vector<1x128xf32>
      %tanh3A = math.tanh %select_n3A_120 : vector<1x128xf32>
      %mul3A_121 = arith.mulf %add3A_109, %tanh3A : vector<1x128xf32>
      %get3A_122 = arith.constant 0 : index
      %get3A_123 = arith.constant 0 : index
      %get3A_124 = vector.load %arg7[%get3A_122, %get3A_123] : memref<128x128xf32, #tpu.memory_space<vmem>>, vector<128x128xf32>
      %dot_general3A_125 = arith.constant dense<0.000000e+00> : vector<1x128xf32>
      %dot_general3A_126 = tpu.matmul %mul3A_121, %get3A_124, %dot_general3A_125 {dimension_numbers = #tpu.dot_dimension_numbers<[1], [0], [0], [1], [0, 0, 1, 1], [], []>, transpose_lhs_hint = false} : vector<1x128xf32>, vector<128x128xf32>, vector<1x128xf32> -> vector<1x128xf32>
      %get3A_127 = arith.constant 0 : index
      %get3A_128 = arith.constant 0 : index
      %get3A_129 = vector.load %arg8[%get3A_127, %get3A_128] : memref<1x128xf32, #tpu.memory_space<vmem>>, vector<1x128xf32>
      %add3A_130 = arith.addf %dot_general3A_126, %get3A_129 : vector<1x128xf32>
      %get3A_131 = arith.constant 0 : index
      %get3A_132 = arith.constant 0 : index
      %get3A_133 = vector.load %arg9[%get3A_131, %get3A_132] : memref<384x128xf32, #tpu.memory_space<vmem>>, vector<128x128xf32>
      %dot_general3A_134 = arith.constant dense<0.000000e+00> : vector<1x128xf32>
      %dot_general3A_135 = tpu.matmul %mul3A_92, %get3A_133, %dot_general3A_134 {dimension_numbers = #tpu.dot_dimension_numbers<[1], [0], [0], [1], [0, 0, 1, 1], [], []>, transpose_lhs_hint = false} : vector<1x128xf32>, vector<128x128xf32>, vector<1x128xf32> -> vector<1x128xf32>
      %get3A_136 = arith.constant 128 : index
      %get3A_137 = arith.constant 0 : index
      %get3A_138 = vector.load %arg9[%get3A_136, %get3A_137] : memref<384x128xf32, #tpu.memory_space<vmem>>, vector<128x128xf32>
      %dot_general3A_139 = arith.constant dense<0.000000e+00> : vector<1x128xf32>
      %dot_general3A_140 = tpu.matmul %mul3A_98, %get3A_138, %dot_general3A_139 {dimension_numbers = #tpu.dot_dimension_numbers<[1], [0], [0], [1], [0, 0, 1, 1], [], []>, transpose_lhs_hint = false} : vector<1x128xf32>, vector<128x128xf32>, vector<1x128xf32> -> vector<1x128xf32>
      %add3A_141 = arith.addf %dot_general3A_135, %dot_general3A_140 : vector<1x128xf32>
      %get3A_142 = arith.constant 256 : index
      %get3A_143 = arith.constant 0 : index
      %get3A_144 = vector.load %arg9[%get3A_142, %get3A_143] : memref<384x128xf32, #tpu.memory_space<vmem>>, vector<128x128xf32>
      %dot_general3A_145 = arith.constant dense<0.000000e+00> : vector<1x128xf32>
      %dot_general3A_146 = tpu.matmul %add3A_130, %get3A_144, %dot_general3A_145 {dimension_numbers = #tpu.dot_dimension_numbers<[1], [0], [0], [1], [0, 0, 1, 1], [], []>, transpose_lhs_hint = false} : vector<1x128xf32>, vector<128x128xf32>, vector<1x128xf32> -> vector<1x128xf32>
      %add3A_147 = arith.addf %add3A_141, %dot_general3A_146 : vector<1x128xf32>
      %get3A_148 = arith.constant 0 : index
      %get3A_149 = arith.constant 0 : index
      %get3A_150 = vector.load %arg10[%get3A_148, %get3A_149] : memref<1x128xf32, #tpu.memory_space<vmem>>, vector<1x128xf32>
      %add3A_151 = arith.addf %add3A_147, %get3A_150 : vector<1x128xf32>
      %max3A_152 = arith.constant 0.000000e+00 : f32
      %max3A_153 = vector.broadcast %max3A_152 : f32 to vector<1x128xf32>
      %max3A_154 = arith.maximumf %add3A_151, %max3A_153 : vector<1x128xf32>
      %get3A_155 = arith.constant 0 : index
      %get3A_156 = arith.constant 0 : index
      %get3A_157 = vector.load %arg11[%get3A_155, %get3A_156] : memref<128x1xf32, #tpu.memory_space<vmem>>, vector<128x1xf32>
      %transpose3A = tpu.transpose %get3A_157, [1, 0] : vector<128x1xf32> -> vector<1x128xf32>
      %mul3A_158 = arith.mulf %max3A_154, %transpose3A : vector<1x128xf32>
      %reduce_sum3A_159 = arith.constant dense<0.000000e+00> : vector<1xf32>
      %reduce_sum3A_160 = vector.multi_reduction <add>, %mul3A_158, %reduce_sum3A_159 [1] : vector<1x128xf32> to vector<1xf32>
      %broadcast_in_dim3A_161 = vector.shape_cast %reduce_sum3A_160 : vector<1xf32> to vector<1x1xf32>
      %get3A_162 = arith.constant 0 : index
      %get3A_163 = arith.constant 0 : index
      %get3A_164 = vector.load %arg12[%get3A_162, %get3A_163] : memref<1x1xf32, #tpu.memory_space<vmem>>, vector<1x1xf32>
      %add3A_165 = arith.addf %broadcast_in_dim3A_161, %get3A_164 : vector<1x1xf32>
      %broadcast_in_dim3A_166 = vector.shape_cast %add3A_165 : vector<1x1xf32> to vector<1x1xf32>
      %broadcast_in_dim3A_167 = vector.broadcast %broadcast_in_dim3A_166 : vector<1x1xf32> to vector<1x128xf32>
      %swap3A_168 = arith.constant 0 : index
      %swap3A_169 = arith.constant 0 : index
      %swap3A_170 = vector.load %arg13[%swap3A_168, %swap3A_169] : memref<1x128xf32, #tpu.memory_space<vmem>>, vector<1x128xf32>
      tpu.vector_store %arg13[%swap3A_168, %swap3A_169], %broadcast_in_dim3A_167 {strides = array<i32>} : memref<1x128xf32, #tpu.memory_space<vmem>>, vector<1x128xf32>,
    } else {
    }
    return
  }
  func.func @transform_0(%arg0: i32) -> (i32, i32, i32) {
    %c0_i32 = arith.constant 0 : i32
    %c0_i32_0 = arith.constant 0 : i32
    %c0_i32_1 = arith.constant 0 : i32
    return %c0_i32, %arg0, %c0_i32_0 : i32, i32, i32
  }
  func.func @transform_1(%arg0: i32) -> (i32, i32) {
    %c0_i32 = arith.constant 0 : i32
    %c0_i32_0 = arith.constant 0 : i32
    return %arg0, %c0_i32 : i32, i32
  }
  func.func @transform_2(%arg0: i32) -> (i32, i32) {
    %c0_i32 = arith.constant 0 : i32
    %c0_i32_0 = arith.constant 0 : i32
    %c0_i32_1 = arith.constant 0 : i32
    return %c0_i32, %c0_i32_0 : i32, i32
  }
  func.func @transform_3(%arg0: i32) -> (i32, i32) {
    %c0_i32 = arith.constant 0 : i32
    %c0_i32_0 = arith.constant 0 : i32
    %c0_i32_1 = arith.constant 0 : i32
    return %c0_i32, %c0_i32_0 : i32, i32
  }
  func.func @transform_4(%arg0: i32) -> (i32, i32) {
    %c0_i32 = arith.constant 0 : i32
    %c0_i32_0 = arith.constant 0 : i32
    %c0_i32_1 = arith.constant 0 : i32
    return %c0_i32, %c0_i32_0 : i32, i32
  }
  func.func @transform_5(%arg0: i32) -> (i32, i32) {
    %c0_i32 = arith.constant 0 : i32
    %c0_i32_0 = arith.constant 0 : i32
    %c0_i32_1 = arith.constant 0 : i32
    return %c0_i32, %c0_i32_0 : i32, i32
  }
  func.func @transform_6(%arg0: i32) -> (i32, i32) {
    %c0_i32 = arith.constant 0 : i32
    %c0_i32_0 = arith.constant 0 : i32
    %c0_i32_1 = arith.constant 0 : i32
    return %c0_i32, %c0_i32_0 : i32, i32
  }
  func.func @transform_7(%arg0: i32) -> (i32, i32) {
    %c0_i32 = arith.constant 0 : i32
    %c0_i32_0 = arith.constant 0 : i32
    %c0_i32_1 = arith.constant 0 : i32
    return %c0_i32, %c0_i32_0 : i32, i32
  }
  func.func @transform_8(%arg0: i32) -> (i32, i32) {
    %c0_i32 = arith.constant 0 : i32
    %c0_i32_0 = arith.constant 0 : i32
    %c0_i32_1 = arith.constant 0 : i32
    return %c0_i32, %c0_i32_0 : i32, i32
  }
  func.func @transform_9(%arg0: i32) -> (i32, i32) {
    %c0_i32 = arith.constant 0 : i32
    %c0_i32_0 = arith.constant 0 : i32
    %c0_i32_1 = arith.constant 0 : i32
    return %c0_i32, %c0_i32_0 : i32, i32
  }
  func.func @transform_10(%arg0: i32) -> (i32, i32) {
    %c0_i32 = arith.constant 0 : i32
    %c0_i32_0 = arith.constant 0 : i32
    %c0_i32_1 = arith.constant 0 : i32
    return %c0_i32, %c0_i32_0 : i32, i32
  }
  func.func @transform_11(%arg0: i32) -> (i32, i32) {
    %c0_i32 = arith.constant 0 : i32
    %c0_i32_0 = arith.constant 0 : i32
    %c0_i32_1 = arith.constant 0 : i32
    return %c0_i32, %c0_i32_0 : i32, i32
  }
  func.func @transform_12(%arg0: i32) -> (i32, i32) {
    %c0_i32 = arith.constant 0 : i32
    %c0_i32_0 = arith.constant 0 : i32
    %c0_i32_1 = arith.constant 0 : i32
    return %c0_i32, %c0_i32_0 : i32, i32
  }
}

</mosaic_0001>

<sc_bundles>
// kernel: kernel.6.cloned.1.call-start
scs
__scs_entry_jumppad:
0x0: {  	(pc) =	sbr.rel $0x88, $3  }
0x1: {  	(tag) =	ssettag $0x0;
	lr =	simm.s32 $0x1  }
0x2: {  	[smem:$0x3F8E] =	sst lr;
	_ =	strace $0xD0000000  }
0x3: {  	_ = 	snop  }
0x4: {  	_ = 	snop  }
0x5: {  	_ = 	snop  }
0x6: {  	_ = 	snop  }
0x7: {  	_ = 	snop  }
__scs_overlays_trampoline_lowered:
0x8: {  	[smem:$0x3F9D] =	sst s0  }
0x9: {  	[smem:$0x3F9E] =	sst s1  }
0xa: {  	[smem:$0x3F9F] =	sst s2  }
0xb: {  	[smem:$0x3FA0] =	sst s3  }
0xc: {  	[smem:$0x3FA1] =	sst s4  }
0xd: {  	[smem:$0x3FA2] =	sst s5  }
0xe: {  	[smem:$0x3FA3] =	sst s6  }
0xf: {  	[smem:$0x3FA4] =	sst s7  }
0x10: {  	[smem:$0x3FA5] =	sst s8  }
0x11: {  	[smem:$0x3FA6] =	sst s9;
	s0 =	simm.s32 @!p0 $0x0  }
0x12: {  	s1 =	sld [smem:$0x3F8C];
	s0 =	simm.s32 @p0 $0x1  }
0x13: {  	[smem:$0x3FA7] =	sst s0;
	s0 =	simm.s32 @!p1 $0x0  }
0x14: {  	s2 =	sld [smem:$0x3F8B];
	s0 =	simm.s32 @p1 $0x1  }
0x15: {  	[smem:$0x3FA8] =	sst s0;
	s0 =	simm.s32 @!p2 $0x0  }
0x16: {  	s3 =	sld [smem:$0x3FDB];
	s0 =	simm.s32 @p2 $0x1  }
0x17: {  	s4 =	simm.s32 $0x1BF5;
	[smem:$0x3FAA] =	sst s0  }
0x18: {  	s0 =	sld [smem:$0x3F8D];
	_ =	swait.ge [sflag:s4], $0x0  }
0x19: {  	s7 =	sld [smem:$0x3F8E]  }
0x1a: {  	s8 =	sadd.s32 $0xFFFFE003, lr  }
0x1b: {  	s9 =	sadd.s32 $0xFFFFFEF7, lr;
	s5 =	simm.s32 $0xFFFFFFFF;
	p2 =	slt.u32 s8, $0xFFFFF086  }
0x1c: {  	p1 =	slt.u32 s9, $0xF7A;
	s5 =	simm.s32 @!p2 $0x0  }
0x1d: {  	s5 =	simm.s32 @p1 $0x1;
	p0 =	seq.s32 s7, s2  }
0x1e: {  	s7 =	smul.u32 @!p0 $0xF7A, s2;
	p2 =	seq.s32 @!p0 s5, $0x0  }
0x1f: {  	s9 =	smul.u32 $0xF7A, s1;
	s8 =	simm.s32 @!p0 $0x1BF5;
	p2 =	por !p2, p0  }
0x20: {  	[sflag:s8] =	ssyncset.s32 @!p0 $0xFFFFF086;
	s6 =	sadd.s32 @!p0 s3, s7;
	s7 =	simm.s32 @!p0 $0x108  }
0x21: {  	s3 =	sadd.s32 s3, s9;
	s6 =	sadd.s32 @!p0 $0x88, s6;
	s7 =	simm.s32 @p2 $0x1082  }
0x22: {  	[simem:s7], [sflag:s8] =	dma.local @!p0 [hbm:s6], $0xF7A  }
0x23: {  	s9 =	sor.u32 $0xD0000000, s2;
	s6 =	simm.s32 $0x108;
	_ =	swait.ge @!p0 [sflag:s8], $0x0  }
0x24: {  	s3 =	sadd.s32 $0x88, s3;
	s6 =	simm.s32 @!p1 $0x1082;
	[sflag:s4] =	ssyncset.s32 $0xFFFFF086  }
0x25: {  	[simem:s6], [sflag:s4] =	dma.local [hbm:s3], $0xF7A  }
0x26: {  	[smem:$0x3F8E] =	sst s1;
	(tag) =	ssettag s2;
	_ =	strace s9  }
0x27: {  	s1 =	sld [smem:$0x3F9E]  }
0x28: {  	s2 =	sld [smem:$0x3F9F]  }
0x29: {  	s4 =	sld [smem:$0x3FA1]  }
0x2a: {  	p0 =	seq.s32 s5, $0x0;
	s5 =	sld [smem:$0x3FA2]  }
0x2b: {  	s6 =	sld [smem:$0x3FA3]  }
0x2c: {  	s7 =	sld [smem:$0x3FA4]  }
0x2d: {  	s3 =	simm.s32 $0x108;
	s8 =	sld [smem:$0x3FA5]  }
0x2e: {  	s3 =	simm.s32 @!p0 $0x1082;
	s9 =	sld [smem:$0x3FA6]  }
0x2f: {  	lr =	sadd.s32 s0, s3;
	s0 =	sld [smem:$0x3F9D]  }
0x30: {  	s3 =	sld [smem:$0x3FA0]  }
0x31: {  	[smem:$0x3FA9] =	sst s10  }
0x32: {  	s10 =	sld [smem:$0x3FA7];
	_ =	sdelay $0x3  }
0x33: {  	p0 =	seq.s32 s10, $0x1;
	s10 =	sld [smem:$0x3FA9];
	_ =	sdelay $0x3  }
0x34: {  	[smem:$0x3FA9] =	sst s10  }
0x35: {  	s10 =	sld [smem:$0x3FA8];
	_ =	sdelay $0x3  }
0x36: {  	p1 =	seq.s32 s10, $0x1;
	s10 =	sld [smem:$0x3FA9];
	_ =	sdelay $0x3  }
0x37: {  	[smem:$0x3FA9] =	sst s10  }
0x38: {  	s10 =	sld [smem:$0x3FAA]  }
0x39: {  	_ = 	snop;
	(pc) =	sbr.ind lr, $3  }
0x3a: {  	_ = 	snop  }
0x3b: {  	_ = 	snop  }
0x3c: {  	p2 =	seq.s32 s10, $0x1;
	s10 =	sld [smem:$0x3FA9]  }
0x3d: {  	_ =	shalt  }
0x3e: {  	_ =	shalt  }
0x3f: {  	_ =	shalt  }
0x40: {  	_ =	shalt  }
0x41: {  	_ =	shalt  }
0x42: {  	_ =	shalt  }
0x43: {  	_ =	shalt  }
0x44: {  	_ =	shalt  }
0x45: {  	_ =	shalt  }
0x46: {  	_ =	shalt  }
0x47: {  	_ =	shalt  }
0x48: {  	_ =	shalt  }
0x49: {  	_ =	shalt  }
0x4a: {  	_ =	shalt  }
0x4b: {  	_ =	shalt  }
0x4c: {  	_ =	shalt  }
0x4d: {  	_ =	shalt  }
0x4e: {  	_ =	shalt  }
0x4f: {  	_ =	shalt  }
0x50: {  	_ =	shalt  }
0x51: {  	_ =	shalt  }
0x52: {  	_ =	shalt  }
0x53: {  	_ =	shalt  }
0x54: {  	_ =	shalt  }
0x55: {  	_ =	shalt  }
0x56: {  	_ =	shalt  }
0x57: {  	_ =	shalt  }
0x58: {  	_ =	shalt  }
0x59: {  	_ =	shalt  }
0x5a: {  	_ =	shalt  }
0x5b: {  	_ =	shalt  }
0x5c: {  	_ =	shalt  }
0x5d: {  	_ =	shalt  }
0x5e: {  	_ =	shalt  }
0x5f: {  	_ =	shalt  }
0x60: {  	_ =	shalt  }
0x61: {  	_ =	shalt  }
0x62: {  	_ =	shalt  }
0x63: {  	_ =	shalt  }
0x64: {  	_ =	shalt  }
0x65: {  	_ =	shalt  }
0x66: {  	_ =	shalt  }
0x67: {  	_ =	shalt  }
0x68: {  	_ =	shalt  }
0x69: {  	_ =	shalt  }
0x6a: {  	_ =	shalt  }
0x6b: {  	_ =	shalt  }
0x6c: {  	_ =	shalt  }
0x6d: {  	_ =	shalt  }
0x6e: {  	_ =	shalt  }
0x6f: {  	_ =	shalt  }
0x70: {  	_ =	shalt  }
0x71: {  	_ =	shalt  }
0x72: {  	_ =	shalt  }
0x73: {  	_ =	shalt  }
0x74: {  	_ =	shalt  }
0x75: {  	_ =	shalt  }
0x76: {  	_ =	shalt  }
0x77: {  	_ =	shalt  }
0x78: {  	_ =	shalt  }
0x79: {  	_ =	shalt  }
0x7a: {  	_ =	shalt  }
0x7b: {  	_ =	shalt  }
0x7c: {  	_ =	shalt  }
0x7d: {  	_ =	shalt  }
0x7e: {  	_ =	shalt  }
0x7f: {  	_ =	shalt  }
0x80: {  	_ =	shalt  }
0x81: {  	_ =	shalt  }
0x82: {  	_ =	shalt  }
0x83: {  	_ =	shalt  }
0x84: {  	_ =	shalt  }
0x85: {  	_ =	shalt  }
0x86: {  	_ =	shalt  }
0x87: {  	_ =	shalt  }
.Lfunc_end0:
.L_simem_size_0:
called_computation_lowered:
.L_overlay_start_0:
0x88: {  	s2 =	sld [smem:$0x3FD9]  }
0x89: {  	s3 =	sld [smem:$0x3FFE];
	_ =	sdelay $0x1  }
0x8a: {  	s1 =	srdreg.scid  }
0x8b: {  	s0 =	sand.u32 $0x1, s1  }
0x8c: {  	s16 =	sshll.u32 s0, $0xA;
	s2 =	sadd.s32 s3, s2  }
0x8d: {  	s2 =	sadd.s32 s2, s16  }
0x8e: {  	[smem:$0x3FB5] =	sst s2  }
0x8f: {  	_ = 	snop  }
0x90: {  	(tm) =	ssettm $0x1  }
0x91: {  	s17 =	sld [smem:$0x3FFB];
	_ =	sdelay $0x3  }
0x92: {  	_ =	strace s17  }
0x93: {  	s2 =	sld [smem:$0x3FFC];
	_ =	sdelay $0x3  }
0x94: {  	_ =	strace s2  }
0x95: {  	s2 =	sld [smem:$0x3FFD];
	_ =	sdelay $0x3  }
0x96: {  	_ =	strace s2  }
0x97: {  	_ =	strace $0x8FFFFFFF  }
0x98: {  	s18 =	sld [smem:$0x3FDB];
	_ =	sdelay $0x1  }
0x99: {  	s19 =	simm.s32 $_scs_section_size  }
0x9a: {  	s4 =	simm.s32 $_size__tile_overlayer_lowered;
	s5 =	simm.s32 $_tile_overlayer_lowered  }
0x9b: {  	s22 =	simm.s32 $0x1BFF;
	s21 =	sshll.u32 s5, $0x1;
	s2 =	sadd.s32 s19, s18  }
0x9c: {  	s6 =	simm.s32 $0x0;
	s20 =	sshll.u32 s4, $0x1;
	s4 =	sadd.s32 s21, s2  }
0x9d: {  	[timem:s6], [sflag:s22] =	dma.local [hbm:s4], s20  }
0x9e: {  	_ =	swait.ge [sflag:s22], s20  }
0x9f: {  	s3 =	ssub.s32 $0x0, s20;
	[sflag:s22] =	ssyncset.done $0x0  }
0xa0: {  	[sflag:s22] =	ssyncadd.s32 s3;
	_ =	sdelay $0x1  }
0xa1: {  	s23 =	simm.s32 $0x1B8B  }
0xa2: {  	_ =	swait.ge [sflag:s23], $0x1  }
0xa3: {  	[sflag:s23] =	ssyncset.done $0x0  }
0xa4: {  	s25 =	simm.s32 $0x1B8E;
	s24 =	sld [smem:$0x3FFE];
	[sflag:s23] =	ssyncadd.s32 $0xFFFFFFFF  }
0xa5: {  	s26 =	simm.s32 $execute0_lowered;
	[smem:$0x3FD2] =	sst s25  }
0xa6: {  	s4 =	sshll.u32 s26, $0x1;
	_ =	strace $0x80000046;
	[dreg:$0x1] =	wrdreg $0xFFFFFFFF  }
0xa7: {  	s28 =	simm.s32 $_size_execute0_lowered;
	s2 =	sadd.s32 s2, s4;
	[dreg:$0x0] =	wrdreg $0x0  }
0xa8: {  	s4 =	sshll.u32 s28, $0x1;
	[dreg:$0x2] =	wrdreg s2  }
0xa9: {  	[dreg:$0x3] =	wrdreg s4  }
0xaa: {  	[dreg:$0x4] =	wrdreg $0xC0  }
0xab: {  	_ =	task [dreg:s6], $0x5FFFF  }
0xac: {  	[dreg:$0x1] =	wrdreg $0xFFFFFFFF  }
0xad: {  	[dreg:$0x0] =	wrdreg $0x60  }
0xae: {  	[dreg:$0x2] =	wrdreg s24  }
0xaf: {  	[dreg:$0x3] =	wrdreg $0x5000  }
0xb0: {  	[dreg:$0x4] =	wrdreg $0x9  }
0xb1: {  	_ =	task.clear_ibuf [dreg:s6], $0x5FFFF;
	_ =	strace $0x90000046  }
0xb2: {  	s29 =	simm.s32 $0x9;
	_ =	strace $0x80000048  }
0xb3: {  	_ =	swait.ge [sflag:s29], $0x1  }
0xb4: {  	[sflag:s29] =	ssyncadd.s32 $0xFFFFFFFF  }
0xb5: {  	_ =	strace $0x90000048  }
0xb6: {  	_ =	sfence  }
0xb7: {  	s30 =	sld [smem:$0x0];
	_ =	sdelay $0x2  }
0xb8: {  	s31 =	sshll.u32 s1, $0xD;
	s1 =	sshrl.u32 s1, $0x2  }
0xb9: {  	s3 =	sand.u32 $0x4000, s31;
	s1 =	sadd.s32 s1, s30  }
0xba: {  	s0 =	sor.u32 s3, s0;
	s1 =	sshll.u32 s1, $0x11  }
0xbb: {  	s0 =	sor.u32 s1, s0  }
0xbc: {  	s0 =	sadd.s32 $0x8F2B, s0  }
0xbd: {  	[sflag:s0] =	ssyncadd.remote.s32 $0x1  }
0xbe: {  	_ =	sfence.sel $0xFFFF  }
0xbf: {  	[dreg:$0x0] =	wrdreg $0xFFFFFFFF;
	(pc) =	sbr.abs _section_cstart, $3  }
0xc0: {  	[dreg:$0x1] =	wrdreg $0xFFFFFFFF  }
0xc1: {  	_ =	task.clear_ibuf [dreg:s6], $0x2FFFF;
	_ =	strace $0x9FFFFFFF  }
0xc2: {  	(tm) =	ssettm $0x7FFFFFFF  }
0xc3: {  	_ =	shalt  }
tec
execute0_lowered:
.L_overlay_start_1:
0x0: {  	(tag) =	ssettag $0x1  }
0x1: {  	s5 =	rddreg [dreg:$0x0]  }
0x2: {  	s2 =	rddreg [dreg:$0x1]  }
0x3: {  	s0 =	rddreg [dreg:$0x2]  }
0x4: {  	s1 =	stileid.u32;
	s4 =	srdreg.scid  }
0x5: {  	s3 =	simm.s32 $0x0;
	s14 =	simm.s32 $0x5;
	s15 =	simm.s32 $0x180  }
0x6: {  	s16 =	simm.s32 $0x1;
	s17 =	simm.s32 $0x80;
	s18 =	simm.s32 $0x300  }
0x7: {  	s19 =	simm.s32 $0x400;
	s20 =	simm.s32 $0x2;
	s21 =	simm.s32 $0x380  }
0x8: {  	s22 =	simm.s32 $0x480;
	s23 =	simm.s32 $0x3;
	s24 =	simm.s32 $0x4  }
0x9: {  	s25 =	simm.s32 $0x0;
	s6 =	smul.u32 $0x500, s1;
	s7 =	sand.u32 $0x1, s4  }
0xa: {  	[smem:$0x7FF] =	sst s3;
	s4 =	sadd.s32 $0x2C00, s5;
	s30 =	sshll.u32 s1, $0x6  }
0xb: {  	s8 =	smul.u32 $0x5000, s7;
	_ =	strace $0x80000047;
	s10 =	sshll.u32 s7, $0x4  }
0xc: {  	s7 =	ssub.s32 $0x2, s7;
	s9 =	sshrl.u32 s6, $0x3;
	s10 =	sor.u32 s1, s10  }
0xd: {  	s28 =	sshrl.u32 s7, $0x1;
	s13 =	sadd.s32 s6, s2;
	s9 =	sadd.s32 s9, s5  }
0xe: {  	s8 =	sadd.s32 s6, s8;
	s29 =	smul.u32 $0xBD00, s10;
	s12 =	ssub.s32 s7, s28  }
.Ltmp0:
0xf: {  	s7 =	sor.u32 $0x1C05, s30;
	s8 =	sshrl.u32 s8, $0x3;
	(pc) =	sbr.rel .LBB2_1-.Ltmp0, $4  }
0x10: {  	s13 =	sshrl.u32 s13, $0x3;
	s11 =	sadd.s32 s8, s5;
	s5 =	smul.u32 $0x7E, s10  }
0x11: {  	s6 =	sadd.s32 $0x32000, s9;
	s10 =	smul.u32 $0x17A0, s10;
	s8 =	sshrl.u32 s29, $0x3  }
0x12: {  	s12 =	smax.u32 s12, $0x1;
	s31 =	sadd.s32 s4, s8;
	s11 =	sadd.s32 $0x32A00, s11  }
0x13: {  	s8 =	sadd.s32 s4, s10;
	s9 =	sadd.s32 $0x30, s31;
	s10 =	sor.u32 $0x1, s5  }
.LBB2_8:
0x14: {  	[spmem:s2] =	stream.indirect.scatter.add.f32 [tilespmem:s22], [sflag:$0x4], $0x1, s21, s17, $0xb8;
	[tilespmem:$0xA00] =	vst v63  }
0x15: {  	_ =	swait.ge [sflag:s23], $0x80  }
0x16: {  	[sflag:s23] =	ssyncset.done $0x0  }
0x17: {  	[sflag:s23] =	ssyncadd.s32 $0xFFFFFF80  }
0x18: {  	_ =	swait.ge [sflag:s24], $0x80  }
0x19: {  	s25 =	sadd.s32 $0x1, s25;
	[sflag:s24] =	ssyncset.done $0x0  }
0x1a: {  	p0 =	sne.s32 s25, s12;
	[sflag:s24] =	ssyncadd.s32 $0xFFFFFF80  }
.Ltmp1:
0x1b: {  	[bflag:$0x0] =	sbarrier.arrive $0xFFFF;
	(pc) =	sbr.rel @!p0 .LBB2_9-.Ltmp1, $4  }
0x1c: {  	[hbm:s11], [sflag:s7] =	dma.local [spmem:s13], $0xA0  }
0x1d: {  	_ =	swait.ge [sflag:s14], $0xA0  }
0x1e: {  	[sflag:s14] =	ssyncset.done $0x0  }
0x1f: {  	[sflag:s14] =	ssyncadd.s32 $0xFFFFFF60  }
.LBB2_1:
0x20: {  	[spmem:s13], [sflag:s7] =	dma.local [hbm:s6], $0xA0  }
0x21: {  	_ =	swait.ge [sflag:s14], $0xA0  }
0x22: {  	[sflag:s14] =	ssyncset.done $0x0  }
0x23: {  	[sflag:s14] =	ssyncadd.s32 $0xFFFFFF60  }
0x24: {  	[bflag:$0x0] =	sbarrier.arrive $0xFFFF  }
0x25: {  	[tilespmem:s3], [sflag:$0x1] =	stream.linear.gather [hbm4b:s8+s3], $0x180, $0x38;
	[tilespmem:$0xA00] =	vst v63  }
0x26: {  	s26 =	simm.s32 $0x0  }
0x27: {  	[tilespmem:s15], [sflag:$0x2] =	stream.linear.gather [hbm4b:s9+s3], $0x180, $0x38;
	[tilespmem:$0xA00] =	vst v63  }
.LBB2_2:
0x28: {  	_ =	swait.ge [sflag:s16], $0x180  }
0x29: {  	p0 =	seq.s32 s26, $0x0;
	[sflag:s16] =	ssyncset.done $0x0  }
0x2a: {  	s29 =	simm.s32 @!p0 $0x3;
	[sflag:s16] =	ssyncadd.s32 $0xFFFFFE80  }
0x2b: {  	_ =	swait.ge @!p0 [sflag:s29], $0x80  }
0x2c: {  	s28 =	sshll.u32 s26, $0x1;
	[sflag:s29] =	ssyncset.done @!p0 $0x0  }
0x2d: {  	p1 =	por $0x1, $0x1;
	[sflag:s29] =	ssyncadd.s32 @!p0 $0xFFFFFF80;
	s29 =	simm.s32 $0x0  }
.LBB2_3:
0x2e: {  	v0 =	vld [tilespmem:s29+$0x80]  }
0x2f: {  	v1 =	vld [tilespmem:s29+$0x90]  }
0x30: {  	v2 =	vld [tilespmem:s29+$0xA0]  }
0x31: {  	v3 =	vld [tilespmem:s29+$0xB0]  }
0x32: {  	v60 =	vld [tilespmem:s29+$0x100]  }
0x33: {  	v61 =	vld [tilespmem:s29+$0x110];
	[tilespmem:s29+$0x300] =	vst v0  }
0x34: {  	v62 =	vld [tilespmem:s29+$0x120];
	[tilespmem:s29+$0x310] =	vst v1  }
0x35: {  	v63 =	vld [tilespmem:s29+$0x130];
	p2 =	por p1, p1;
	[tilespmem:s29+$0x320] =	vst v2  }
.Ltmp2:
0x36: {  	[tilespmem:s29+$0x330] =	vst v3;
	(pc) =	sbr.rel @p2 .LBB2_3-.Ltmp2, $4  }
0x37: {  	[tilespmem:s29+$0x400] =	vst v60  }
0x38: {  	[tilespmem:s29+$0x410] =	vst v61  }
0x39: {  	[tilespmem:s29+$0x420] =	vst v62  }
0x3a: {  	p1 =	por $0x0, $0x0;
	[tilespmem:s29+$0x430] =	vst v63;
	s29 =	simm.s32 $0x40  }
0x3b: {  	p1 =	seq.s32 s26, $0x3E  }
0x3c: {  	s29 =	sadd.s32 @!p1 s5, s28  }
0x3d: {  	s29 =	smul.u32 @!p1 $0x180, s29;
	_ =	sdelay $0x1  }
0x3e: {  	s29 =	sshrl.u32 @!p1 s29, $0x3  }
0x3f: {  	s29 =	sadd.s32 @!p1 s4, s29  }
0x40: {  	s30 =	simm.s32 @!p1 $0x0;
	s29 =	sadd.s32 @!p1 $0x60, s29  }
0x41: {  	[tilespmem:s30], [sflag:$0x1] =	stream.linear.gather @!p1 [hbm4b:s29+s30], $0x180, $0x38;
	[tilespmem:$0xA00] =	vst v63  }
0x42: {  	_ = 	snop  }
0x43: {  	[spmem:s2] =	stream.indirect.scatter.add.f32 [tilespmem:s19], [sflag:$0x3], $0x1, s18, s17, $0xb8;
	[tilespmem:$0xA00] =	vst v63  }
0x44: {  	_ =	swait.ge [sflag:s20], $0x180  }
0x45: {  	[sflag:s20] =	ssyncset.done $0x0  }
0x46: {  	s29 =	simm.s32 @!p0 $0x4;
	[sflag:s20] =	ssyncadd.s32 $0xFFFFFE80  }
0x47: {  	_ =	swait.ge @!p0 [sflag:s29], $0x80  }
0x48: {  	[sflag:s29] =	ssyncset.done @!p0 $0x0  }
0x49: {  	[sflag:s29] =	ssyncadd.s32 @!p0 $0xFFFFFF80;
	s29 =	simm.s32 $0x0;
	p0 =	por $0x1, $0x1  }
.LBB2_5:
0x4a: {  	v0 =	vld [tilespmem:s29+$0x200]  }
0x4b: {  	v1 =	vld [tilespmem:s29+$0x210]  }
0x4c: {  	v2 =	vld [tilespmem:s29+$0x220]  }
0x4d: {  	v3 =	vld [tilespmem:s29+$0x230]  }
0x4e: {  	v60 =	vld [tilespmem:s29+$0x280]  }
0x4f: {  	v61 =	vld [tilespmem:s29+$0x290];
	[tilespmem:s29+$0x380] =	vst v0  }
0x50: {  	v62 =	vld [tilespmem:s29+$0x2A0];
	[tilespmem:s29+$0x390] =	vst v1  }
0x51: {  	v63 =	vld [tilespmem:s29+$0x2B0];
	p2 =	por p0, p0;
	[tilespmem:s29+$0x3A0] =	vst v2  }
.Ltmp3:
0x52: {  	[tilespmem:s29+$0x3B0] =	vst v3;
	(pc) =	sbr.rel @p2 .LBB2_5-.Ltmp3, $4  }
0x53: {  	[tilespmem:s29+$0x480] =	vst v60  }
0x54: {  	[tilespmem:s29+$0x490] =	vst v61  }
0x55: {  	[tilespmem:s29+$0x4A0] =	vst v62  }
0x56: {  	p0 =	por $0x0, $0x0;
	[tilespmem:s29+$0x4B0] =	vst v63;
	s29 =	simm.s32 $0x40  }
.Ltmp4:
0x57: {  	(pc) =	sbr.rel @p1 .LBB2_8-.Ltmp4, $1  }
0x58: {  	_ =	sdelay $0x3  }
0x59: {  	s28 =	sadd.s32 s28, s10  }
0x5a: {  	s28 =	smul.u32 $0x180, s28;
	_ =	sdelay $0x1  }
0x5b: {  	s28 =	sshrl.u32 s28, $0x3  }
.Ltmp5:
0x5c: {  	s28 =	sadd.s32 s4, s28;
	(pc) =	sbr.rel .LBB2_2-.Ltmp5, $4  }
0x5d: {  	s28 =	sadd.s32 $0x60, s28  }
0x5e: {  	[tilespmem:s15], [sflag:$0x2] =	stream.linear.gather [hbm4b:s28+s3], $0x180, $0x38;
	[tilespmem:$0xA00] =	vst v63  }
0x5f: {  	s26 =	sadd.s32 $0x1, s26  }
0x60: {  	[spmem:s2] =	stream.indirect.scatter.add.f32 [tilespmem:s22], [sflag:$0x4], $0x1, s21, s17, $0xb8;
	[tilespmem:$0xA00] =	vst v63  }
.LBB2_9:
0x61: {  	_ =	sfence.sel $0x180000  }
0x62: {  	[bflag:$0x0] =	sbarrier.arrive $0xFFFF  }
0x63: {  	p0 =	sne.s32 s1, $0x0;
	_ =	strace $0x90000047  }
0x64: {  	s0 =	sadd.s32 @!p0 $0x100000, s0;
	[bflag:$0x2] =	sbarrier.arrive $0xFFFF  }
0x65: {  	[sflag:s0] =	ssyncadd.tile.s32 @!p0 $0x1;
	_ =	shalt  }
.Lfunc_end2:
_tile_overlayer_lowered:
.L_overlay_start_2:
0x66: {  	(tag) =	ssettag $0x2  }
0x67: {  	s0 =	rddreg [dreg:$0x0];
	s2 =	stileid.u32  }
0x68: {  	s1 =	rddreg [dreg:$0x1];
	p0 =	sne.s32 s2, $0x0  }
0x69: {  	s3 =	rddreg [dreg:$0x2];
	[bflag:$0x3] =	sbarrier.arrive $0xFFFF;
	s2 =	simm.s32 @!p0 $0x1C05  }
0x6a: {  	[timem:s3], [sflag:s2] =	dma.local @!p0 [hbm:s0], s1  }
0x6b: {  	s0 =	simm.s32 @!p0 $0x5  }
0x6c: {  	_ =	swait.ge @!p0 [sflag:s0], s1  }
0x6d: {  	s1 =	ssub.s32 @!p0 $0x0, s1;
	[sflag:s0] =	ssyncset.done @!p0 $0x0  }
0x6e: {  	[sflag:s0] =	ssyncadd.s32 @!p0 s1  }
0x6f: {  	[bflag:$0x3] =	sbarrier.arrive $0xFFFF  }
0x70: {  	_ =	shalt  }

// kernel: kernel.9.cloned.1.call-start
scs
__scs_entry_jumppad:
0x0: {  	(pc) =	sbr.rel $0x88, $3  }
0x1: {  	(tag) =	ssettag $0x0;
	lr =	simm.s32 $0x1  }
0x2: {  	[smem:$0x3F8E] =	sst lr;
	_ =	strace $0xD0000000  }
0x3: {  	_ = 	snop  }
0x4: {  	_ = 	snop  }
0x5: {  	_ = 	snop  }
0x6: {  	_ = 	snop  }
0x7: {  	_ = 	snop  }
__scs_overlays_trampoline_lowered:
0x8: {  	[smem:$0x3F9D] =	sst s0  }
0x9: {  	[smem:$0x3F9E] =	sst s1  }
0xa: {  	[smem:$0x3F9F] =	sst s2  }
0xb: {  	[smem:$0x3FA0] =	sst s3  }
0xc: {  	[smem:$0x3FA1] =	sst s4  }
0xd: {  	[smem:$0x3FA2] =	sst s5  }
0xe: {  	[smem:$0x3FA3] =	sst s6  }
0xf: {  	[smem:$0x3FA4] =	sst s7  }
0x10: {  	[smem:$0x3FA5] =	sst s8  }
0x11: {  	[smem:$0x3FA6] =	sst s9;
	s0 =	simm.s32 @!p0 $0x0  }
0x12: {  	s1 =	sld [smem:$0x3F8C];
	s0 =	simm.s32 @p0 $0x1  }
0x13: {  	[smem:$0x3FA7] =	sst s0;
	s0 =	simm.s32 @!p1 $0x0  }
0x14: {  	s2 =	sld [smem:$0x3F8B];
	s0 =	simm.s32 @p1 $0x1  }
0x15: {  	[smem:$0x3FA8] =	sst s0;
	s0 =	simm.s32 @!p2 $0x0  }
0x16: {  	s3 =	sld [smem:$0x3FDB];
	s0 =	simm.s32 @p2 $0x1  }
0x17: {  	s4 =	simm.s32 $0x1BF5;
	[smem:$0x3FAA] =	sst s0  }
0x18: {  	s0 =	sld [smem:$0x3F8D];
	_ =	swait.ge [sflag:s4], $0x0  }
0x19: {  	s7 =	sld [smem:$0x3F8E]  }
0x1a: {  	s8 =	sadd.s32 $0xFFFFE003, lr  }
0x1b: {  	s9 =	sadd.s32 $0xFFFFFEF7, lr;
	s5 =	simm.s32 $0xFFFFFFFF;
	p2 =	slt.u32 s8, $0xFFFFF086  }
0x1c: {  	p1 =	slt.u32 s9, $0xF7A;
	s5 =	simm.s32 @!p2 $0x0  }
0x1d: {  	s5 =	simm.s32 @p1 $0x1;
	p0 =	seq.s32 s7, s2  }
0x1e: {  	s7 =	smul.u32 @!p0 $0xF7A, s2;
	p2 =	seq.s32 @!p0 s5, $0x0  }
0x1f: {  	s9 =	smul.u32 $0xF7A, s1;
	s8 =	simm.s32 @!p0 $0x1BF5;
	p2 =	por !p2, p0  }
0x20: {  	[sflag:s8] =	ssyncset.s32 @!p0 $0xFFFFF086;
	s6 =	sadd.s32 @!p0 s3, s7;
	s7 =	simm.s32 @!p0 $0x108  }
0x21: {  	s3 =	sadd.s32 s3, s9;
	s6 =	sadd.s32 @!p0 $0x88, s6;
	s7 =	simm.s32 @p2 $0x1082  }
0x22: {  	[simem:s7], [sflag:s8] =	dma.local @!p0 [hbm:s6], $0xF7A  }
0x23: {  	s9 =	sor.u32 $0xD0000000, s2;
	s6 =	simm.s32 $0x108;
	_ =	swait.ge @!p0 [sflag:s8], $0x0  }
0x24: {  	s3 =	sadd.s32 $0x88, s3;
	s6 =	simm.s32 @!p1 $0x1082;
	[sflag:s4] =	ssyncset.s32 $0xFFFFF086  }
0x25: {  	[simem:s6], [sflag:s4] =	dma.local [hbm:s3], $0xF7A  }
0x26: {  	[smem:$0x3F8E] =	sst s1;
	(tag) =	ssettag s2;
	_ =	strace s9  }
0x27: {  	s1 =	sld [smem:$0x3F9E]  }
0x28: {  	s2 =	sld [smem:$0x3F9F]  }
0x29: {  	s4 =	sld [smem:$0x3FA1]  }
0x2a: {  	p0 =	seq.s32 s5, $0x0;
	s5 =	sld [smem:$0x3FA2]  }
0x2b: {  	s6 =	sld [smem:$0x3FA3]  }
0x2c: {  	s7 =	sld [smem:$0x3FA4]  }
0x2d: {  	s3 =	simm.s32 $0x108;
	s8 =	sld [smem:$0x3FA5]  }
0x2e: {  	s3 =	simm.s32 @!p0 $0x1082;
	s9 =	sld [smem:$0x3FA6]  }
0x2f: {  	lr =	sadd.s32 s0, s3;
	s0 =	sld [smem:$0x3F9D]  }
0x30: {  	s3 =	sld [smem:$0x3FA0]  }
0x31: {  	[smem:$0x3FA9] =	sst s10  }
0x32: {  	s10 =	sld [smem:$0x3FA7];
	_ =	sdelay $0x3  }
0x33: {  	p0 =	seq.s32 s10, $0x1;
	s10 =	sld [smem:$0x3FA9];
	_ =	sdelay $0x3  }
0x34: {  	[smem:$0x3FA9] =	sst s10  }
0x35: {  	s10 =	sld [smem:$0x3FA8];
	_ =	sdelay $0x3  }
0x36: {  	p1 =	seq.s32 s10, $0x1;
	s10 =	sld [smem:$0x3FA9];
	_ =	sdelay $0x3  }
0x37: {  	[smem:$0x3FA9] =	sst s10  }
0x38: {  	s10 =	sld [smem:$0x3FAA]  }
0x39: {  	_ = 	snop;
	(pc) =	sbr.ind lr, $3  }
0x3a: {  	_ = 	snop  }
0x3b: {  	_ = 	snop  }
0x3c: {  	p2 =	seq.s32 s10, $0x1;
	s10 =	sld [smem:$0x3FA9]  }
0x3d: {  	_ =	shalt  }
0x3e: {  	_ =	shalt  }
0x3f: {  	_ =	shalt  }
0x40: {  	_ =	shalt  }
0x41: {  	_ =	shalt  }
0x42: {  	_ =	shalt  }
0x43: {  	_ =	shalt  }
0x44: {  	_ =	shalt  }
0x45: {  	_ =	shalt  }
0x46: {  	_ =	shalt  }
0x47: {  	_ =	shalt  }
0x48: {  	_ =	shalt  }
0x49: {  	_ =	shalt  }
0x4a: {  	_ =	shalt  }
0x4b: {  	_ =	shalt  }
0x4c: {  	_ =	shalt  }
0x4d: {  	_ =	shalt  }
0x4e: {  	_ =	shalt  }
0x4f: {  	_ =	shalt  }
0x50: {  	_ =	shalt  }
0x51: {  	_ =	shalt  }
0x52: {  	_ =	shalt  }
0x53: {  	_ =	shalt  }
0x54: {  	_ =	shalt  }
0x55: {  	_ =	shalt  }
0x56: {  	_ =	shalt  }
0x57: {  	_ =	shalt  }
0x58: {  	_ =	shalt  }
0x59: {  	_ =	shalt  }
0x5a: {  	_ =	shalt  }
0x5b: {  	_ =	shalt  }
0x5c: {  	_ =	shalt  }
0x5d: {  	_ =	shalt  }
0x5e: {  	_ =	shalt  }
0x5f: {  	_ =	shalt  }
0x60: {  	_ =	shalt  }
0x61: {  	_ =	shalt  }
0x62: {  	_ =	shalt  }
0x63: {  	_ =	shalt  }
0x64: {  	_ =	shalt  }
0x65: {  	_ =	shalt  }
0x66: {  	_ =	shalt  }
0x67: {  	_ =	shalt  }
0x68: {  	_ =	shalt  }
0x69: {  	_ =	shalt  }
0x6a: {  	_ =	shalt  }
0x6b: {  	_ =	shalt  }
0x6c: {  	_ =	shalt  }
0x6d: {  	_ =	shalt  }
0x6e: {  	_ =	shalt  }
0x6f: {  	_ =	shalt  }
0x70: {  	_ =	shalt  }
0x71: {  	_ =	shalt  }
0x72: {  	_ =	shalt  }
0x73: {  	_ =	shalt  }
0x74: {  	_ =	shalt  }
0x75: {  	_ =	shalt  }
0x76: {  	_ =	shalt  }
0x77: {  	_ =	shalt  }
0x78: {  	_ =	shalt  }
0x79: {  	_ =	shalt  }
0x7a: {  	_ =	shalt  }
0x7b: {  	_ =	shalt  }
0x7c: {  	_ =	shalt  }
0x7d: {  	_ =	shalt  }
0x7e: {  	_ =	shalt  }
0x7f: {  	_ =	shalt  }
0x80: {  	_ =	shalt  }
0x81: {  	_ =	shalt  }
0x82: {  	_ =	shalt  }
0x83: {  	_ =	shalt  }
0x84: {  	_ =	shalt  }
0x85: {  	_ =	shalt  }
0x86: {  	_ =	shalt  }
0x87: {  	_ =	shalt  }
.Lfunc_end0:
.L_simem_size_0:
called_computation.1_lowered:
.L_overlay_start_0:
0x88: {  	s2 =	sld [smem:$0x3FD9]  }
0x89: {  	s3 =	sld [smem:$0x3FFE];
	_ =	sdelay $0x1  }
0x8a: {  	s1 =	srdreg.scid  }
0x8b: {  	s0 =	sand.u32 $0x1, s1  }
0x8c: {  	s16 =	sshll.u32 s0, $0xA;
	s2 =	sadd.s32 s3, s2  }
0x8d: {  	s2 =	sadd.s32 s2, s16  }
0x8e: {  	[smem:$0x3FB5] =	sst s2  }
0x8f: {  	_ = 	snop  }
0x90: {  	(tm) =	ssettm $0x1  }
0x91: {  	s17 =	sld [smem:$0x3FFB];
	_ =	sdelay $0x3  }
0x92: {  	_ =	strace s17  }
0x93: {  	s2 =	sld [smem:$0x3FFC];
	_ =	sdelay $0x3  }
0x94: {  	_ =	strace s2  }
0x95: {  	s2 =	sld [smem:$0x3FFD];
	_ =	sdelay $0x3  }
0x96: {  	_ =	strace s2  }
0x97: {  	_ =	strace $0x8FFFFFFF  }
0x98: {  	s18 =	sld [smem:$0x3FDB];
	_ =	sdelay $0x1  }
0x99: {  	s19 =	simm.s32 $_scs_section_size  }
0x9a: {  	s4 =	simm.s32 $_size__tile_overlayer_lowered;
	s5 =	simm.s32 $_tile_overlayer_lowered  }
0x9b: {  	s22 =	simm.s32 $0x1BFF;
	s21 =	sshll.u32 s5, $0x1;
	s2 =	sadd.s32 s19, s18  }
0x9c: {  	s6 =	simm.s32 $0x0;
	s20 =	sshll.u32 s4, $0x1;
	s4 =	sadd.s32 s21, s2  }
0x9d: {  	[timem:s6], [sflag:s22] =	dma.local [hbm:s4], s20  }
0x9e: {  	_ =	swait.ge [sflag:s22], s20  }
0x9f: {  	s3 =	ssub.s32 $0x0, s20;
	[sflag:s22] =	ssyncset.done $0x0  }
0xa0: {  	[sflag:s22] =	ssyncadd.s32 s3;
	_ =	sdelay $0x1  }
0xa1: {  	s23 =	simm.s32 $0x1B8B  }
0xa2: {  	_ =	swait.ge [sflag:s23], $0x1  }
0xa3: {  	[sflag:s23] =	ssyncset.done $0x0  }
0xa4: {  	s25 =	simm.s32 $0x1B8E;
	s24 =	sld [smem:$0x3FFE];
	[sflag:s23] =	ssyncadd.s32 $0xFFFFFFFF  }
0xa5: {  	s26 =	simm.s32 $execute0_lowered;
	[smem:$0x3FD2] =	sst s25  }
0xa6: {  	s4 =	sshll.u32 s26, $0x1;
	_ =	strace $0x80000049;
	[dreg:$0x1] =	wrdreg $0xFFFFFFFF  }
0xa7: {  	s28 =	simm.s32 $_size_execute0_lowered;
	s2 =	sadd.s32 s2, s4;
	[dreg:$0x0] =	wrdreg $0x0  }
0xa8: {  	s4 =	sshll.u32 s28, $0x1;
	[dreg:$0x2] =	wrdreg s2  }
0xa9: {  	[dreg:$0x3] =	wrdreg s4  }
0xaa: {  	[dreg:$0x4] =	wrdreg $0xC0  }
0xab: {  	_ =	task [dreg:s6], $0x5FFFF  }
0xac: {  	[dreg:$0x1] =	wrdreg $0xFFFFFFFF  }
0xad: {  	[dreg:$0x0] =	wrdreg $0x60  }
0xae: {  	[dreg:$0x2] =	wrdreg s24  }
0xaf: {  	[dreg:$0x3] =	wrdreg $0x88000  }
0xb0: {  	[dreg:$0x4] =	wrdreg $0x9  }
0xb1: {  	_ =	task.clear_ibuf [dreg:s6], $0x5FFFF;
	_ =	strace $0x90000049  }
0xb2: {  	s29 =	simm.s32 $0x9;
	_ =	strace $0x8000004B  }
0xb3: {  	_ =	swait.ge [sflag:s29], $0x1  }
0xb4: {  	[sflag:s29] =	ssyncadd.s32 $0xFFFFFFFF  }
0xb5: {  	_ =	strace $0x9000004B  }
0xb6: {  	_ =	sfence  }
0xb7: {  	s30 =	sld [smem:$0x0];
	_ =	sdelay $0x2  }
0xb8: {  	s31 =	sshll.u32 s1, $0xD;
	s1 =	sshrl.u32 s1, $0x2  }
0xb9: {  	s3 =	sand.u32 $0x4000, s31;
	s1 =	sadd.s32 s1, s30  }
0xba: {  	s0 =	sor.u32 s3, s0;
	s1 =	sshll.u32 s1, $0x11  }
0xbb: {  	s0 =	sor.u32 s1, s0  }
0xbc: {  	s0 =	sadd.s32 $0x8F2B, s0  }
0xbd: {  	[sflag:s0] =	ssyncadd.remote.s32 $0x1  }
0xbe: {  	_ =	sfence.sel $0xFFFF  }
0xbf: {  	[dreg:$0x0] =	wrdreg $0xFFFFFFFF;
	(pc) =	sbr.abs _section_cstart, $3  }
0xc0: {  	[dreg:$0x1] =	wrdreg $0xFFFFFFFF  }
0xc1: {  	_ =	task.clear_ibuf [dreg:s6], $0x2FFFF;
	_ =	strace $0x9FFFFFFF  }
0xc2: {  	(tm) =	ssettm $0x7FFFFFFF  }
0xc3: {  	_ =	shalt  }
tec
execute0_lowered:
.L_overlay_start_1:
0x0: {  	(tag) =	ssettag $0x1  }
0x1: {  	s0 =	rddreg [dreg:$0x0]  }
0x2: {  	s2 =	rddreg [dreg:$0x1]  }
0x3: {  	s3 =	stileid.u32;
	s1 =	srdreg.scid;
	s4 =	simm.s32 $0x0  }
0x4: {  	s17 =	simm.s32 $0xA;
	s18 =	simm.s32 $0x3800;
	s28 =	simm.s32 $0x300  }
0x5: {  	s29 =	simm.s32 $0x4;
	s30 =	simm.s32 $0x3780;
	s31 =	simm.s32 $0x600  }
0x6: {  	s14 =	simm.s32 $0x6;
	s15 =	simm.s32 $0x700;
	s6 =	smul.u32 $0x14000, s3  }
0x7: {  	s10 =	sand.u32 $0x1, s1;
	[smem:$0x7FF] =	sst s4;
	s4 =	sadd.s32 $0x2C00, s0  }
0x8: {  	s5 =	sadd.s32 $0x47E00, s0;
	s7 =	sadd.s32 $0x32000, s0;
	s11 =	smul.u32 $0x2F40, s3  }
0x9: {  	s23 =	sshll.u32 s3, $0x6;
	s1 =	smul.u32 $0x140000, s10;
	_ =	strace $0x8000004A  }
0xa: {  	[dreg:$0x3] =	wrdreg s7;
	s21 =	ssub.s32 $0x2, s10;
	s7 =	smul.u32 $0xFC, s3  }
0xb: {  	s13 =	sor.u32 $0x1C0A, s23;
	s23 =	simm.s32 $0x780;
	v0 =	vmov s10;
	s10 =	simm.s32 $0x0  }
0xc: {  	s20 =	sshrl.u32 s6, $0x4;
	s9 =	sshrl.u32 s21, $0x1;
	s24 =	sadd.s32 s4, s11  }
0xd: {  	s11 =	simm.s32 $0x680;
	[dreg:$0x6] =	wrdreg s13;
	s1 =	sadd.s32 s6, s1  }
0xe: {  	s8 =	sadd.s32 s20, s0;
	s6 =	sshrl.u32 s6, $0x1;
	s22 =	ssub.s32 s21, s9  }
0xf: {  	[dreg:$0x4] =	wrdreg s24;
	s3 =	sadd.s32 $0x30, s24;
	s12 =	sor.u32 $0x1, s7  }
0x10: {  	s25 =	sor.u32 $0x2, s7;
	s20 =	simm.s32 $0x1;
	s21 =	simm.s32 $0x80  }
0x11: {  	s24 =	simm.s32 $0x2;
	s9 =	simm.s32 $0x5;
	[dreg:$0x7] =	wrdreg s3  }
0x12: {  	s1 =	sshrl.u32 s1, $0x4;
	s8 =	sadd.s32 $0x33E00, s8;
	[dreg:$0x8] =	wrdreg s25  }
0x13: {  	s6 =	sadd.s32 s6, s2;
	s26 =	smax.u32 s22, $0x1;
	[dreg:$0x5] =	wrdreg s8  }
0x14: {  	s25 =	simm.s32 $0x500;
	s0 =	sadd.s32 s1, s0;
	[dreg:$0xa] =	wrdreg s26  }
0x15: {  	s16 =	sshrl.u32 s6, $0x3;
	s26 =	simm.s32 $0x1780;
	s1 =	simm.s32 $0x580  }
0x16: {  	v1 =	vimm.s32 $0x0;
	vm0 =	vcmask $0x300;
	s6 =	simm.s32 $0x2780;
	s0 =	sadd.s32 $0x6FE00, s0;
	[dreg:$0xb] =	wrdreg s16  }
0x17: {  	v1 =	vsel vm0, $0x3, v1;
	s8 =	simm.s32 $0x7;
	[dreg:$0x9] =	wrdreg s0;
	s0 =	simm.s32 $0x3  }
.LBB2_1:
0x18: {  	[dreg:$0xc] =	wrdreg s10  }
0x19: {  	s3 =	rddreg [dreg:$0x5]  }
0x1a: {  	[spmem:s16], [sflag:s13] =	dma.local [hbm:s3], $0x1400  }
0x1b: {  	_ =	swait.ge [sflag:s17], $0x1400  }
0x1c: {  	[sflag:s17] =	ssyncset.done $0x0  }
0x1d: {  	s13 =	simm.s32 $0x0;
	s16 =	rddreg [dreg:$0x3];
	[sflag:s17] =	ssyncadd.s32 $0xFFFFEC00  }
0x1e: {  	[tilespmem:s18], [sflag:$0xA] =	stream.linear.gather [hbm4b:s16+s13], $0x5000, $0x38;
	[tilespmem:$0x12800] =	vst v63  }
0x1f: {  	_ =	swait.ge [sflag:s17], $0x5000  }
0x20: {  	[sflag:s17] =	ssyncset.done $0x0  }
0x21: {  	[sflag:s17] =	ssyncadd.s32 $0xFFFFB000;
	s17 =	rddreg [dreg:$0x4]  }
0x22: {  	[tilespmem:s13], [sflag:$0x1] =	stream.linear.gather [hbm4b:s17+s13], $0x180, $0x38;
	[tilespmem:$0x12800] =	vst v63  }
0x23: {  	s22 =	simm.s32 $0x180;
	s19 =	rddreg [dreg:$0x7]  }
0x24: {  	[tilespmem:s22], [sflag:$0x2] =	stream.linear.gather [hbm4b:s19+s13], $0x180, $0x38;
	[tilespmem:$0x12800] =	vst v63  }
0x25: {  	[bflag:$0x0] =	sbarrier.arrive $0xFFFF  }
0x26: {  	_ =	swait.ge [sflag:s20], $0x180  }
0x27: {  	[sflag:s20] =	ssyncset.done $0x0  }
0x28: {  	p0 =	por $0x1, $0x1;
	s10 =	simm.s32 $0x0;
	[sflag:s20] =	ssyncadd.s32 $0xFFFFFE80  }
.LBB2_2:
0x29: {  	v2 =	vld [tilespmem:s10+$0x0];
	s16 =	sor.u32 $0x10, s10  }
0x2a: {  	s19 =	sor.u32 $0x20, s10;
	v3 =	vld [tilespmem:s16+$0x0]  }
0x2b: {  	s22 =	sor.u32 $0x30, s10;
	v4 =	vld [tilespmem:s19+$0x0]  }
0x2c: {  	v5 =	vld [tilespmem:s22+$0x0];
	_ =	sdelay $0x1  }
0x2d: {  	v2 =	vshll.u32 v2, $0x1  }
0x2e: {  	v2 =	vor.u32 v0, v2;
	v3 =	vshll.u32 v3, $0x1  }
0x2f: {  	v62 =	vld [tilespmem:s10+$0x80];
	[tilespmem:s10+$0x480] =	vst v2;
	v2 =	vor.u32 v0, v3;
	v3 =	vshll.u32 v4, $0x1  }
0x30: {  	v63 =	vld [tilespmem:s10+$0x90];
	[tilespmem:s10+$0x490] =	vst v2;
	v2 =	vor.u32 v0, v3;
	v3 =	vshll.u32 v5, $0x1  }
0x31: {  	[tilespmem:s10+$0x4A0] =	vst v2;
	v2 =	vor.u32 v0, v3;
	v3 =	vld [tilespmem:s10+$0xA0]  }
0x32: {  	p1 =	por p0, p0;
	[tilespmem:s10+$0x4B0] =	vst v2;
	v2 =	vld [tilespmem:s10+$0xB0]  }
.Ltmp0:
0x33: {  	_ = 	snop;
	(pc) =	sbr.rel @p1 .LBB2_2-.Ltmp0, $4  }
0x34: {  	[tilespmem:s10+$0x600] =	vst v62  }
0x35: {  	[tilespmem:s10+$0x610] =	vst v63  }
0x36: {  	[tilespmem:s10+$0x620] =	vst v3  }
0x37: {  	p0 =	por $0x0, $0x0;
	[tilespmem:s10+$0x630] =	vst v2;
	s10 =	simm.s32 $0x40  }
0x38: {  	s3 =	simm.s32 $0x480;
	s16 =	simm.s32 $0x0  }
0x39: {  	[tilespmem:s23], [sflag:$0x4] =	stream.indirect.gather [hbm4b:s5+s21], $0x20, s3, s21, $0xb8;
	[tilespmem:$0x12800] =	vst v63  }
.LBB2_4:
0x3a: {  	[bflag:$0x0] =	sbarrier.arrive $0xFFFF;
	p0 =	por $0x1, $0x1;
	s10 =	simm.s32 $0x0  }
.LBB2_5:
0x3b: {  	v2 =	vld [tilespmem:s10+$0x0];
	s17 =	sor.u32 $0x10, s10  }
0x3c: {  	s19 =	sor.u32 $0x20, s10;
	v3 =	vld [tilespmem:s17+$0x0]  }
0x3d: {  	s22 =	sor.u32 $0x30, s10;
	v4 =	vld [tilespmem:s19+$0x0]  }
0x3e: {  	v5 =	vld [tilespmem:s22+$0x0]  }
0x3f: {  	v6 =	vld [tilespmem:s10+$0x100]  }
0x40: {  	v7 =	vld [tilespmem:s10+$0x110]  }
0x41: {  	v8 =	vld [tilespmem:s10+$0x120]  }
0x42: {  	v9 =	vld [tilespmem:s10+$0x130]  }
0x43: {  	v2 =	vld.idx.msk [tilespmem:v2+s18+$0x0], $0xffff  }
0x44: {  	v3 =	vld.idx.msk [tilespmem:v3+s18+$0x0], $0xffff  }
0x45: {  	v4 =	vld.idx.msk [tilespmem:v4+s18+$0x0], $0xffff  }
0x46: {  	v5 =	vld.idx.msk [tilespmem:v5+s18+$0x0], $0xffff;
	_ =	sdelay $0x1  }
0x47: {  	p1 =	por p0, p0;
	v2 =	vmul.f32 v2, v6  }
.Ltmp1:
0x48: {  	v3 =	vmul.f32 v3, v7;
	(pc) =	sbr.rel @p1 .LBB2_5-.Ltmp1, $4  }
0x49: {  	[tilespmem:s10+$0x3780] =	vst v2;
	v2 =	vmul.f32 v4, v8  }
0x4a: {  	[tilespmem:s10+$0x3790] =	vst v3;
	v3 =	vmul.f32 v5, v9  }
0x4b: {  	[tilespmem:s10+$0x37A0] =	vst v2  }
0x4c: {  	p0 =	por $0x0, $0x0;
	[tilespmem:s10+$0x37B0] =	vst v3;
	s10 =	simm.s32 $0x40  }
0x4d: {  	_ =	swait.ge [sflag:s24], $0x180  }
0x4e: {  	p0 =	seq.s32 s16, $0x0;
	[sflag:s24] =	ssyncset.done $0x0  }
0x4f: {  	s10 =	simm.s32 @!p0 $0x8;
	[sflag:s24] =	ssyncadd.s32 $0xFFFFFE80  }
0x50: {  	_ =	swait.ge @!p0 [sflag:s10], $0x1000  }
0x51: {  	s17 =	smul.u32 $0x3, s16;
	[sflag:s10] =	ssyncset.done @!p0 $0x0  }
0x52: {  	p1 =	por $0x1, $0x1;
	[sflag:s10] =	ssyncadd.s32 @!p0 $0xFFFFF000;
	s10 =	simm.s32 $0x0  }
.LBB2_7:
0x53: {  	v2 =	vld [tilespmem:s10+$0x180]  }
0x54: {  	v3 =	vld [tilespmem:s10+$0x190]  }
0x55: {  	v4 =	vld [tilespmem:s10+$0x1A0]  }
0x56: {  	v5 =	vld [tilespmem:s10+$0x1B0];
	_ =	sdelay $0x1  }
0x57: {  	v2 =	vshll.u32 v2, $0x1  }
0x58: {  	v3 =	vshll.u32 v3, $0x1;
	v2 =	vor.u32 v0, v2  }
0x59: {  	v62 =	vld [tilespmem:s10+$0x200];
	[tilespmem:s10+$0x500] =	vst v2;
	v2 =	vor.u32 v0, v3;
	v3 =	vshll.u32 v4, $0x1  }
0x5a: {  	v63 =	vld [tilespmem:s10+$0x210];
	[tilespmem:s10+$0x510] =	vst v2;
	v2 =	vor.u32 v0, v3;
	v3 =	vshll.u32 v5, $0x1  }
0x5b: {  	[tilespmem:s10+$0x520] =	vst v2;
	v2 =	vor.u32 v0, v3;
	v3 =	vld [tilespmem:s10+$0x220]  }
0x5c: {  	p2 =	por p1, p1;
	[tilespmem:s10+$0x530] =	vst v2;
	v2 =	vld [tilespmem:s10+$0x230]  }
.Ltmp2:
0x5d: {  	_ = 	snop;
	(pc) =	sbr.rel @p2 .LBB2_7-.Ltmp2, $4  }
0x5e: {  	[tilespmem:s10+$0x680] =	vst v62  }
0x5f: {  	[tilespmem:s10+$0x690] =	vst v63  }
0x60: {  	[tilespmem:s10+$0x6A0] =	vst v3  }
0x61: {  	p1 =	por $0x0, $0x0;
	[tilespmem:s10+$0x6B0] =	vst v2;
	s10 =	simm.s32 $0x40  }
0x62: {  	s10 =	simm.s32 $0x0  }
0x63: {  	s19 =	simm.s32 $0x1;
	s13 =	simm.s32 $0x2;
	s22 =	simm.s32 $0x3;
	v2 =	vmov s10  }
0x64: {  	s3 =	simm.s32 $0x4;
	v3 =	vmov s19;
	v4 =	vmov s13;
	v5 =	vmov s22;
	s19 =	simm.s32 $0x5  }
0x65: {  	v6 =	vmov s3;
	s22 =	simm.s32 $0x6;
	s13 =	sadd.s32 s7, s17;
	v2 =	vshrl.u32 v2, $0x3;
	v7 =	vmov s19  }
0x66: {  	v8 =	vmov s22;
	s19 =	smul.u32 $0x180, s13;
	v3 =	vshrl.u32 v3, $0x3;
	v4 =	vshrl.u32 v4, $0x3  }
0x67: {  	[tilespmem:s26], [sflag:$0x5] =	stream.indirect.gather [hbm4b:s5+s21], $0x20, s25, s21, $0xb8;
	v5 =	vshrl.u32 v5, $0x3;
	v6 =	vshrl.u32 v6, $0x3;
	v2 =	vshll.u32 v2, v1;
	[tilespmem:$0x12800] =	vst v63  }
0x68: {  	v7 =	vshrl.u32 v7, $0x3;
	v3 =	vshll.u32 v3, v1;
	v4 =	vshll.u32 v4, v1;
	s3 =	sshrl.u32 s19, $0x3  }
0x69: {  	v5 =	vshll.u32 v5, v1;
	v2 =	vbroadcast v2, $0x0;
	v3 =	vadd.s32 $0x1, v3;
	s3 =	sadd.s32 s4, s3  }
0x6a: {  	s22 =	simm.s32 $0x7;
	v6 =	vshll.u32 v6, v1;
	v4 =	vadd.s32 $0x2, v4;
	v3 =	vbroadcast v3, $0x0;
	s3 =	sadd.s32 $0x60, s3  }
0x6b: {  	v9 =	vmov s22;
	v5 =	vadd.s32 $0x3, v5;
	v4 =	vbroadcast v4, $0x0;
	[tilespmem:s28], [sflag:$0x3] =	stream.linear.gather [hbm4b:s3+s10], $0x180, $0x38;
	[tilespmem:$0x12800] =	vst v63  }
0x6c: {  	v7 =	vshll.u32 v7, v1;
	v6 =	vadd.s32 $0x4, v6;
	v5 =	vbroadcast v5, $0x0;
	_ =	swait.ge [sflag:s29], $0x1000  }
0x6d: {  	v9 =	vshrl.u32 v9, $0x3;
	v7 =	vadd.s32 $0x5, v7;
	v6 =	vbroadcast v6, $0x0;
	[sflag:s29] =	ssyncset.done $0x0  }
0x6e: {  	v8 =	vshrl.u32 v8, $0x3;
	v9 =	vshll.u32 v9, v1;
	v7 =	vbroadcast v7, $0x0;
	[sflag:s29] =	ssyncadd.s32 $0xFFFFF000  }
0x6f: {  	v8 =	vshll.u32 v8, v1;
	v9 =	vadd.s32 $0x7, v9;
	v10 =	vld.idx.msk [tilespmem:v2+s30+$0x0], $0xffff  }
0x70: {  	v2 =	vadd.s32 $0x6, v8;
	v8 =	vbroadcast v9, $0x0;
	v9 =	vld.idx.msk [tilespmem:v3+s30+$0x0], $0xffff  }
0x71: {  	v11 =	vld.idx.msk [tilespmem:v4+s30+$0x0], $0xffff  }
0x72: {  	v15 =	vld.idx.msk [tilespmem:v5+s30+$0x0], $0xffff  }
0x73: {  	s22 =	simm.s32 $0xB;
	s10 =	simm.s32 $0x8;
	v4 =	vld.idx.msk [tilespmem:v6+s30+$0x0], $0xffff  }
0x74: {  	v12 =	vmov s22;
	s22 =	simm.s32 $0xE;
	v5 =	vmov s10;
	s10 =	simm.s32 $0x800;
	v3 =	vbroadcast v2, $0x0;
	v2 =	vld.idx.msk [tilespmem:v7+s30+$0x0], $0xffff  }
0x75: {  	v16 =	vmov s22;
	v12 =	vshrl.u32 v12, $0x3;
	v19 =	vld [tilespmem:s10+$0xFFFFFF80]  }
0x76: {  	s13 =	simm.s32 $0x9;
	v16 =	vshrl.u32 v16, $0x3;
	v12 =	vshll.u32 v12, v1;
	v20 =	vld [tilespmem:s10+$0xFFFFFF90]  }
0x77: {  	v26 =	vadd.s32 $0x3, v12;
	v6 =	vmov s13;
	s13 =	simm.s32 $0xC;
	v5 =	vshrl.u32 v5, $0x3;
	v21 =	vld [tilespmem:s10+$0xFFFFFFA0]  }
0x78: {  	v13 =	vmov s13;
	v18 =	vshrl.u32 v6, $0x3;
	v22 =	vld [tilespmem:s10+$0xFFFFFFB0];
	v5 =	vshll.u32 v5, v1  }
0x79: {  	v13 =	vshrl.u32 v13, $0x3;
	v18 =	vshll.u32 v18, v1;
	v6 =	vbroadcast v5, $0x0;
	v7 =	vld.idx.msk [tilespmem:v8+s30+$0x0], $0xffff  }
0x7a: {  	s19 =	simm.s32 $0xA;
	v17 =	vld [tilespmem:s10+$0x70];
	v13 =	vshll.u32 v13, v1;
	v18 =	vadd.s32 $0x1, v18;
	v10 =	vpack.i.f32.bf16 v10, v10  }
0x7b: {  	v23 =	vld [tilespmem:s10+$0xFFFFFFC0];
	v9 =	vpack.i.f32.bf16 v9, v9;
	v8 =	vmov s19;
	s19 =	simm.s32 $0xD;
	v19 =	vmul.bf16 v19, v10  }
0x7c: {  	v24 =	vld [tilespmem:s10+$0xFFFFFFD0];
	v20 =	vmul.bf16 v20, v10;
	v14 =	vmov s19;
	v8 =	vshrl.u32 v8, $0x3  }
0x7d: {  	v12 =	vld [tilespmem:s10+$0xFFFFFFF0];
	v14 =	vshrl.u32 v14, $0x3;
	v8 =	vshll.u32 v8, v1;
	[tilespmem:s10+$0xFFFFFF80] =	vst v19;
	v19 =	vmul.bf16 v21, v9  }
0x7e: {  	v10 =	vld [tilespmem:s10+$0xFFFFFFE0];
	[tilespmem:s10+$0xFFFFFF90] =	vst v20;
	v20 =	vmul.bf16 v22, v9;
	v21 =	vpack.i.f32.bf16 v11, v11;
	v5 =	vpack.i.f32.bf16 v7, v7  }
0x7f: {  	v3 =	vld.idx.msk [tilespmem:v3+s30+$0x0], $0xffff;
	v11 =	vbroadcast v26, $0x0;
	v14 =	vshll.u32 v14, v1;
	v17 =	vmul.bf16 v17, v5  }
0x80: {  	v25 =	vadd.s32 $0x2, v8;
	[tilespmem:s10+$0xFFFFFFA0] =	vst v19;
	v7 =	vshll.u32 v16, v1;
	v16 =	vadd.s32 $0x4, v13;
	v13 =	vld [tilespmem:s10+$0x0]  }
0x81: {  	v8 =	vbroadcast v18, $0x0;
	v18 =	vmul.bf16 v23, v21;
	[tilespmem:s10+$0x70] =	vst v17;
	v17 =	vadd.s32 $0x5, v14;
	v14 =	vld [tilespmem:s10+$0x10]  }
0x82: {  	s22 =	simm.s32 $0xF;
	s19 =	simm.s32 $0x10;
	v9 =	vbroadcast v25, $0x0;
	[tilespmem:s10+$0xFFFFFFB0] =	vst v20;
	v20 =	vmul.bf16 v24, v21;
	v19 =	vpack.i.f32.bf16 v15, v15;
	v15 =	vld [tilespmem:s10+$0x20]  }
.LBB2_9:
0x83: {  	p1 =	slt.u32 s19, $0x78;
	v16 =	vbroadcast v16, $0x0;
	v21 =	vmov s22;
	[tilespmem:s10+$0xFFFFFFC0] =	vst v18;
	v10 =	vmul.bf16 v10, v19;
	v18 =	vld [tilespmem:s10+$0x30]  }
0x84: {  	v4 =	vpack.i.f32.bf16 v4, v4;
	v21 =	vshrl.u32 v21, $0x3;
	[tilespmem:s10+$0xFFFFFFD0] =	vst v20;
	v12 =	vmul.bf16 v12, v19;
	v19 =	vld [tilespmem:s10+$0x40]  }
0x85: {  	v17 =	vbroadcast v17, $0x0;
	v20 =	vshll.u32 v21, v1;
	[tilespmem:s10+$0xFFFFFFE0] =	vst v10;
	v10 =	vmul.bf16 v13, v4;
	v13 =	vld [tilespmem:s10+$0x50]  }
0x86: {  	v2 =	vpack.i.f32.bf16 v2, v2;
	v20 =	vadd.s32 $0x7, v20;
	[tilespmem:s10+$0xFFFFFFF0] =	vst v12;
	v4 =	vmul.bf16 v14, v4;
	v12 =	vld [tilespmem:s10+$0x60]  }
0x87: {  	v14 =	vld.idx.msk [tilespmem:v6+s30+$0x0], $0xffff;
	v6 =	vadd.s32 $0x6, v7;
	v7 =	vbroadcast v20, $0x0;
	[tilespmem:s10+$0x0] =	vst v10;
	v10 =	vmul.bf16 v15, v2  }
0x88: {  	v3 =	vpack.i.f32.bf16 v3, v3;
	v8 =	vld.idx.msk [tilespmem:v8+s30+$0x0], $0xffff;
	v6 =	vbroadcast v6, $0x0;
	[tilespmem:s10+$0x10] =	vst v4;
	v2 =	vmul.bf16 v18, v2  }
0x89: {  	v9 =	vld.idx.msk [tilespmem:v9+s30+$0x0], $0xffff;
	[tilespmem:s10+$0x20] =	vst v10;
	v10 =	vmul.bf16 v19, v3  }
0x8a: {  	v15 =	vld.idx.msk [tilespmem:v11+s30+$0x0], $0xffff;
	[tilespmem:s10+$0x30] =	vst v2;
	v3 =	vmul.bf16 v13, v3  }
0x8b: {  	v4 =	vld.idx.msk [tilespmem:v16+s30+$0x0], $0xffff;
	[tilespmem:s10+$0x40] =	vst v10;
	v5 =	vmul.bf16 v12, v5  }
0x8c: {  	s3 =	sadd.s32 $0x1, s19;
	v10 =	vmov s19;
	v2 =	vld.idx.msk [tilespmem:v17+s30+$0x0], $0xffff;
	[tilespmem:s10+$0x50] =	vst v3  }
0x8d: {  	s22 =	sadd.s32 $0x3, s19;
	s13 =	sadd.s32 $0x4, s19;
	v11 =	vmov s3;
	s3 =	sadd.s32 $0x2, s19;
	v10 =	vshrl.u32 v10, $0x3;
	v7 =	vld.idx.msk [tilespmem:v7+s30+$0x0], $0xffff;
	[tilespmem:s10+$0x60] =	vst v5  }
0x8e: {  	v13 =	vmov s13;
	s13 =	sadd.s32 $0x6, s19;
	v12 =	vmov s22;
	v5 =	vmov s3;
	s3 =	sadd.s32 $0x5, s19;
	s10 =	sadd.s32 $0x100, s10;
	v3 =	vld.idx.msk [tilespmem:v6+s30+$0x0], $0xffff  }
0x8f: {  	v16 =	vmov s13;
	v6 =	vshll.u32 v10, v1;
	v10 =	vmov s3;
	v17 =	vld [tilespmem:s10+$0x70]  }
0x90: {  	v11 =	vshrl.u32 v11, $0x3;
	v12 =	vshrl.u32 v12, $0x3;
	v5 =	vshrl.u32 v5, $0x3;
	v18 =	vld [tilespmem:s10+$0xFFFFFF80]  }
0x91: {  	v13 =	vshrl.u32 v13, $0x3;
	v16 =	vshrl.u32 v16, $0x3;
	v10 =	vshrl.u32 v10, $0x3;
	v19 =	vld [tilespmem:s10+$0xFFFFFF90]  }
0x92: {  	v11 =	vshll.u32 v11, v1;
	v6 =	vbroadcast v6, $0x0;
	v20 =	vshll.u32 v5, v1;
	v21 =	vld [tilespmem:s10+$0xFFFFFFA0]  }
0x93: {  	v13 =	vshll.u32 v13, v1;
	v12 =	vshll.u32 v12, v1;
	v5 =	vpack.i.f32.bf16 v7, v7;
	v22 =	vld [tilespmem:s10+$0xFFFFFFB0]  }
0x94: {  	v23 =	vshll.u32 v10, v1;
	v10 =	vpack.i.f32.bf16 v14, v14;
	v14 =	vld [tilespmem:s10+$0xFFFFFFC0];
	v17 =	vmul.bf16 v17, v5  }
0x95: {  	v11 =	vadd.s32 $0x1, v11;
	v7 =	vshll.u32 v16, v1;
	v18 =	vmul.bf16 v18, v10;
	v24 =	vld [tilespmem:s10+$0xFFFFFFD0]  }
.Ltmp3:
0x96: {  	v25 =	vpack.i.f32.bf16 v8, v8;
	v20 =	vadd.s32 $0x2, v20;
	v19 =	vmul.bf16 v19, v10;
	v10 =	vld [tilespmem:s10+$0xFFFFFFE0];
	[tilespmem:s10+$0x70] =	vst v17;
	(pc) =	sbr.rel @p1 .LBB2_9-.Ltmp3, $4  }
0x97: {  	v26 =	vadd.s32 $0x3, v12;
	v16 =	vadd.s32 $0x4, v13;
	[tilespmem:s10+$0xFFFFFF80] =	vst v18;
	v18 =	vmul.bf16 v21, v25;
	v12 =	vld [tilespmem:s10+$0xFFFFFFF0]  }
0x98: {  	v8 =	vbroadcast v11, $0x0;
	v21 =	vpack.i.f32.bf16 v9, v9;
	[tilespmem:s10+$0xFFFFFF90] =	vst v19;
	v19 =	vmul.bf16 v22, v25;
	v13 =	vld [tilespmem:s10+$0x0]  }
0x99: {  	v17 =	vadd.s32 $0x5, v23;
	v9 =	vbroadcast v20, $0x0;
	[tilespmem:s10+$0xFFFFFFA0] =	vst v18;
	v18 =	vmul.bf16 v14, v21;
	v14 =	vld [tilespmem:s10+$0x10]  }
0x9a: {  	s22 =	sadd.s32 $0x7, s19;
	s19 =	sadd.s32 $0x8, s19;
	v11 =	vbroadcast v26, $0x0;
	[tilespmem:s10+$0xFFFFFFB0] =	vst v19;
	v20 =	vmul.bf16 v24, v21;
	v19 =	vpack.i.f32.bf16 v15, v15;
	v15 =	vld [tilespmem:s10+$0x20]  }
0x9b: {  	v22 =	vld [tilespmem:s10+$0x30]  }
0x9c: {  	v23 =	vld [tilespmem:s10+$0x40]  }
0x9d: {  	v24 =	vld [tilespmem:s10+$0x50]  }
0x9e: {  	v25 =	vld [tilespmem:s10+$0x60]  }
0x9f: {  	v6 =	vld.idx.msk [tilespmem:v6+s30+$0x0], $0xffff  }
0xa0: {  	v8 =	vld.idx.msk [tilespmem:v8+s30+$0x0], $0xffff  }
0xa1: {  	v9 =	vld.idx.msk [tilespmem:v9+s30+$0x0], $0xffff  }
0xa2: {  	v21 =	vmov s22;
	s19 =	sadd.s32 $0x100, s10;
	v11 =	vld.idx.msk [tilespmem:v11+s30+$0x0], $0xffff  }
0xa3: {  	[tilespmem:s10+$0xFFFFFFC0] =	vst v18;
	v10 =	vmul.bf16 v10, v19;
	v21 =	vshrl.u32 v21, $0x3;
	v43 =	vld [tilespmem:s19+$0x70]  }
0xa4: {  	v4 =	vpack.i.f32.bf16 v4, v4;
	[tilespmem:s10+$0xFFFFFFD0] =	vst v20;
	v12 =	vmul.bf16 v12, v19;
	v44 =	vld [tilespmem:s19+$0xFFFFFF80];
	v21 =	vshll.u32 v21, v1  }
0xa5: {  	v46 =	vld [tilespmem:s19+$0xFFFFFF90];
	[tilespmem:s10+$0xFFFFFFE0] =	vst v10;
	v40 =	vmul.bf16 v13, v4;
	v21 =	vadd.s32 $0x7, v21  }
0xa6: {  	v2 =	vpack.i.f32.bf16 v2, v2;
	v47 =	vld [tilespmem:s19+$0xFFFFFFB0];
	[tilespmem:s10+$0xFFFFFFF0] =	vst v12;
	v4 =	vmul.bf16 v14, v4;
	v21 =	vbroadcast v21, $0x0  }
0xa7: {  	v48 =	vld [tilespmem:s19+$0xFFFFFFC0];
	[tilespmem:s10+$0x0] =	vst v40;
	v42 =	vmul.bf16 v15, v2;
	v2 =	vmul.bf16 v22, v2  }
0xa8: {  	v16 =	vbroadcast v16, $0x0;
	v3 =	vpack.i.f32.bf16 v3, v3;
	v49 =	vld [tilespmem:s19+$0xFFFFFFD0];
	[tilespmem:s10+$0x10] =	vst v4  }
0xa9: {  	v45 =	vmul.bf16 v23, v3;
	[tilespmem:s10+$0x30] =	vst v2;
	v2 =	vmul.bf16 v24, v3;
	v3 =	vld [tilespmem:s19+$0xFFFFFFA0]  }
0xaa: {  	v50 =	vld [tilespmem:s19+$0xFFFFFFE0];
	[tilespmem:s10+$0x20] =	vst v42  }
0xab: {  	v17 =	vbroadcast v17, $0x0;
	v51 =	vld [tilespmem:s19+$0xFFFFFFF0];
	v5 =	vmul.bf16 v25, v5;
	[tilespmem:s10+$0x50] =	vst v2;
	v2 =	vpack.i.f32.bf16 v6, v6  }
0xac: {  	v7 =	vadd.s32 $0x6, v7;
	[tilespmem:s10+$0x40] =	vst v45;
	v41 =	vld.idx.msk [tilespmem:v21+s30+$0x0], $0xffff;
	v4 =	vmul.bf16 v44, v2  }
0xad: {  	v7 =	vbroadcast v7, $0x0;
	v53 =	vld [tilespmem:s19+$0x0];
	v8 =	vpack.i.f32.bf16 v8, v8;
	[tilespmem:s10+$0x60] =	vst v5;
	v2 =	vmul.bf16 v46, v2  }
0xae: {  	v54 =	vld [tilespmem:s19+$0x10];
	[tilespmem:s19+$0xFFFFFF80] =	vst v4;
	v3 =	vmul.bf16 v3, v8  }
0xaf: {  	v52 =	vpack.i.f32.bf16 v9, v9;
	v16 =	vld.idx.msk [tilespmem:v16+s30+$0x0], $0xffff;
	[tilespmem:s19+$0xFFFFFF90] =	vst v2;
	v2 =	vmul.bf16 v47, v8  }
0xb0: {  	v56 =	vld [tilespmem:s19+$0x20];
	[tilespmem:s19+$0xFFFFFFA0] =	vst v3;
	v3 =	vmul.bf16 v48, v52  }
0xb1: {  	v17 =	vld.idx.msk [tilespmem:v17+s30+$0x0], $0xffff;
	[tilespmem:s19+$0xFFFFFFB0] =	vst v2;
	v2 =	vmul.bf16 v49, v52;
	v13 =	vpack.i.f32.bf16 v41, v41  }
0xb2: {  	v57 =	vld [tilespmem:s19+$0x30];
	v55 =	vpack.i.f32.bf16 v11, v11;
	v12 =	vmul.bf16 v43, v13;
	[tilespmem:s19+$0xFFFFFFC0] =	vst v3  }
0xb3: {  	v7 =	vld.idx.msk [tilespmem:v7+s30+$0x0], $0xffff;
	v3 =	vmul.bf16 v50, v55;
	[tilespmem:s19+$0xFFFFFFD0] =	vst v2  }
0xb4: {  	v59 =	vld [tilespmem:s19+$0x40];
	v58 =	vpack.i.f32.bf16 v16, v16;
	v2 =	vmul.bf16 v51, v55;
	[tilespmem:s19+$0x70] =	vst v12  }
0xb5: {  	v60 =	vld [tilespmem:s19+$0x50];
	[tilespmem:s19+$0xFFFFFFE0] =	vst v3;
	v3 =	vmul.bf16 v53, v58  }
0xb6: {  	v62 =	vld [tilespmem:s19+$0x60];
	v61 =	vpack.i.f32.bf16 v17, v17;
	[tilespmem:s19+$0xFFFFFFF0] =	vst v2;
	v2 =	vmul.bf16 v54, v58  }
0xb7: {  	[tilespmem:s19+$0x0] =	vst v3;
	v3 =	vmul.bf16 v56, v61  }
0xb8: {  	v63 =	vpack.i.f32.bf16 v7, v7;
	[tilespmem:s19+$0x10] =	vst v2;
	v2 =	vmul.bf16 v57, v61  }
0xb9: {  	[tilespmem:s19+$0x20] =	vst v3;
	v3 =	vmul.bf16 v59, v63  }
0xba: {  	[tilespmem:s19+$0x30] =	vst v2;
	v2 =	vmul.bf16 v60, v63  }
0xbb: {  	[tilespmem:s19+$0x40] =	vst v3;
	v3 =	vmul.bf16 v62, v13  }
0xbc: {  	[tilespmem:s19+$0x50] =	vst v2  }
0xbd: {  	p1 =	por $0x1, $0x1;
	s10 =	simm.s32 $0x0;
	[tilespmem:s19+$0x60] =	vst v3  }
0xbe: {  	[spmem:s2] =	stream.indirect.scatter.add.bf16 [tilespmem:s23], [sflag:$0x7], $0x20, s31, s21, $0xb8;
	[tilespmem:$0x12800] =	vst v63  }
.LBB2_11:
0xbf: {  	v2 =	vld [tilespmem:s10+$0x180]  }
0xc0: {  	v3 =	vld [tilespmem:s10+$0x190]  }
0xc1: {  	v4 =	vld [tilespmem:s10+$0x1A0]  }
0xc2: {  	v5 =	vld [tilespmem:s10+$0x1B0]  }
0xc3: {  	v6 =	vld [tilespmem:s10+$0x280]  }
0xc4: {  	v7 =	vld [tilespmem:s10+$0x290]  }
0xc5: {  	v8 =	vld [tilespmem:s10+$0x2A0]  }
0xc6: {  	v9 =	vld [tilespmem:s10+$0x2B0]  }
0xc7: {  	v2 =	vld.idx.msk [tilespmem:v2+s18+$0x0], $0xffff  }
0xc8: {  	v3 =	vld.idx.msk [tilespmem:v3+s18+$0x0], $0xffff  }
0xc9: {  	v4 =	vld.idx.msk [tilespmem:v4+s18+$0x0], $0xffff  }
0xca: {  	v5 =	vld.idx.msk [tilespmem:v5+s18+$0x0], $0xffff;
	_ =	sdelay $0x1  }
0xcb: {  	p2 =	por p1, p1;
	v2 =	vmul.f32 v2, v6  }
.Ltmp4:
0xcc: {  	v3 =	vmul.f32 v3, v7;
	(pc) =	sbr.rel @p2 .LBB2_11-.Ltmp4, $4  }
0xcd: {  	[tilespmem:s10+$0x3780] =	vst v2;
	v2 =	vmul.f32 v4, v8  }
0xce: {  	[tilespmem:s10+$0x3790] =	vst v3;
	v3 =	vmul.f32 v5, v9  }
0xcf: {  	[tilespmem:s10+$0x37A0] =	vst v2  }
0xd0: {  	p1 =	por $0x0, $0x0;
	[tilespmem:s10+$0x37B0] =	vst v3;
	s10 =	simm.s32 $0x40  }
0xd1: {  	_ =	swait.ge [sflag:s0], $0x180  }
0xd2: {  	[sflag:s0] =	ssyncset.done $0x0  }
0xd3: {  	s3 =	simm.s32 @!p0 $0x9;
	[sflag:s0] =	ssyncadd.s32 $0xFFFFFE80  }
0xd4: {  	_ =	swait.ge @!p0 [sflag:s3], $0x1000  }
0xd5: {  	[sflag:s3] =	ssyncset.done @!p0 $0x0  }
0xd6: {  	s10 =	simm.s32 $0x0;
	[sflag:s3] =	ssyncadd.s32 @!p0 $0xFFFFF000;
	p0 =	por $0x1, $0x1  }
.LBB2_13:
0xd7: {  	v2 =	vld [tilespmem:s10+$0x300]  }
0xd8: {  	v3 =	vld [tilespmem:s10+$0x310]  }
0xd9: {  	v4 =	vld [tilespmem:s10+$0x320]  }
0xda: {  	v5 =	vld [tilespmem:s10+$0x330];
	_ =	sdelay $0x1  }
0xdb: {  	v2 =	vshll.u32 v2, $0x1  }
0xdc: {  	v3 =	vshll.u32 v3, $0x1;
	v2 =	vor.u32 v0, v2  }
0xdd: {  	v62 =	vld [tilespmem:s10+$0x380];
	[tilespmem:s10+$0x580] =	vst v2;
	v2 =	vor.u32 v0, v3;
	v3 =	vshll.u32 v4, $0x1  }
0xde: {  	v63 =	vld [tilespmem:s10+$0x390];
	[tilespmem:s10+$0x590] =	vst v2;
	v2 =	vor.u32 v0, v3;
	v3 =	vshll.u32 v5, $0x1  }
0xdf: {  	[tilespmem:s10+$0x5A0] =	vst v2;
	v2 =	vor.u32 v0, v3;
	v3 =	vld [tilespmem:s10+$0x3A0]  }
0xe0: {  	p1 =	por p0, p0;
	[tilespmem:s10+$0x5B0] =	vst v2;
	v2 =	vld [tilespmem:s10+$0x3B0]  }
.Ltmp5:
0xe1: {  	_ = 	snop;
	(pc) =	sbr.rel @p1 .LBB2_13-.Ltmp5, $4  }
0xe2: {  	[tilespmem:s10+$0x700] =	vst v62  }
0xe3: {  	[tilespmem:s10+$0x710] =	vst v63  }
0xe4: {  	[tilespmem:s10+$0x720] =	vst v3  }
0xe5: {  	p0 =	por $0x0, $0x0;
	[tilespmem:s10+$0x730] =	vst v2;
	s10 =	simm.s32 $0x40  }
0xe6: {  	s3 =	simm.s32 $0x0  }
0xe7: {  	s19 =	simm.s32 $0x1;
	s22 =	simm.s32 $0x2;
	s10 =	simm.s32 $0x3;
	v2 =	vmov s3  }
0xe8: {  	s13 =	simm.s32 $0x4;
	p0 =	seq.s32 s16, $0x53;
	v3 =	vmov s19;
	v4 =	vmov s22;
	v5 =	vmov s10;
	s19 =	simm.s32 $0x5  }
0xe9: {  	v6 =	vmov s13;
	s22 =	simm.s32 $0x6;
	s13 =	sadd.s32 @!p0 s17, s12;
	v2 =	vshrl.u32 v2, $0x3;
	v7 =	vmov s19  }
0xea: {  	v8 =	vmov s22;
	s3 =	smul.u32 @!p0 $0x180, s13;
	v3 =	vshrl.u32 v3, $0x3;
	v4 =	vshrl.u32 v4, $0x3  }
0xeb: {  	[tilespmem:s6], [sflag:$0x6] =	stream.indirect.gather [hbm4b:s5+s21], $0x20, s1, s21, $0xb8;
	v5 =	vshrl.u32 v5, $0x3;
	v6 =	vshrl.u32 v6, $0x3;
	v2 =	vshll.u32 v2, v1;
	[tilespmem:$0x12800] =	vst v63  }
0xec: {  	v7 =	vshrl.u32 v7, $0x3;
	v3 =	vshll.u32 v3, v1;
	v4 =	vshll.u32 v4, v1;
	s3 =	sshrl.u32 @!p0 s3, $0x3  }
0xed: {  	v5 =	vshll.u32 v5, v1;
	v2 =	vbroadcast v2, $0x0;
	v3 =	vadd.s32 $0x1, v3;
	s3 =	sadd.s32 @!p0 s4, s3  }
0xee: {  	s10 =	simm.s32 @!p0 $0x0;
	s19 =	simm.s32 $0x7;
	v6 =	vshll.u32 v6, v1;
	v4 =	vadd.s32 $0x2, v4;
	v3 =	vbroadcast v3, $0x0;
	s3 =	sadd.s32 @!p0 $0x60, s3  }
0xef: {  	v9 =	vmov s19;
	v5 =	vadd.s32 $0x3, v5;
	v4 =	vbroadcast v4, $0x0;
	[tilespmem:s10], [sflag:$0x1] =	stream.linear.gather @!p0 [hbm4b:s3+s10], $0x180, $0x38;
	[tilespmem:$0x12800] =	vst v63  }
0xf0: {  	v7 =	vshll.u32 v7, v1;
	v6 =	vadd.s32 $0x4, v6;
	v5 =	vbroadcast v5, $0x0;
	_ =	swait.ge [sflag:s9], $0x1000  }
0xf1: {  	v9 =	vshrl.u32 v9, $0x3;
	v7 =	vadd.s32 $0x5, v7;
	v6 =	vbroadcast v6, $0x0;
	[sflag:s9] =	ssyncset.done $0x0  }
0xf2: {  	v8 =	vshrl.u32 v8, $0x3;
	v9 =	vshll.u32 v9, v1;
	v7 =	vbroadcast v7, $0x0;
	[sflag:s9] =	ssyncadd.s32 $0xFFFFF000  }
0xf3: {  	v8 =	vshll.u32 v8, v1;
	v9 =	vadd.s32 $0x7, v9;
	v10 =	vld.idx.msk [tilespmem:v2+s30+$0x0], $0xffff  }
0xf4: {  	v2 =	vadd.s32 $0x6, v8;
	v8 =	vbroadcast v9, $0x0;
	v9 =	vld.idx.msk [tilespmem:v3+s30+$0x0], $0xffff  }
0xf5: {  	v11 =	vld.idx.msk [tilespmem:v4+s30+$0x0], $0xffff  }
0xf6: {  	v15 =	vld.idx.msk [tilespmem:v5+s30+$0x0], $0xffff  }
0xf7: {  	s19 =	simm.s32 $0xC;
	s10 =	simm.s32 $0x9;
	v4 =	vld.idx.msk [tilespmem:v6+s30+$0x0], $0xffff  }
0xf8: {  	v13 =	vmov s19;
	s19 =	simm.s32 $0xD;
	v6 =	vmov s10;
	s10 =	simm.s32 $0x1800;
	v3 =	vbroadcast v2, $0x0;
	v2 =	vld.idx.msk [tilespmem:v7+s30+$0x0], $0xffff  }
0xf9: {  	s22 =	simm.s32 $0x8;
	v14 =	vmov s19;
	v19 =	vld [tilespmem:s10+$0xFFFFFF80]  }
0xfa: {  	v13 =	vshrl.u32 v13, $0x3;
	v14 =	vshrl.u32 v14, $0x3;
	v5 =	vmov s22;
	v20 =	vld [tilespmem:s10+$0xFFFFFF90]  }
0xfb: {  	v13 =	vshll.u32 v13, v1;
	v14 =	vshll.u32 v14, v1;
	s22 =	simm.s32 $0xB;
	v5 =	vshrl.u32 v5, $0x3;
	v21 =	vld [tilespmem:s10+$0xFFFFFFA0]  }
0xfc: {  	v12 =	vmov s22;
	s22 =	simm.s32 $0xE;
	v18 =	vshrl.u32 v6, $0x3;
	v22 =	vld [tilespmem:s10+$0xFFFFFFB0];
	v5 =	vshll.u32 v5, v1  }
0xfd: {  	v16 =	vmov s22;
	v12 =	vshrl.u32 v12, $0x3;
	v18 =	vshll.u32 v18, v1;
	v7 =	vld.idx.msk [tilespmem:v8+s30+$0x0], $0xffff  }
0xfe: {  	s13 =	simm.s32 $0xA;
	v17 =	vld [tilespmem:s10+$0x70];
	v16 =	vshrl.u32 v16, $0x3;
	v6 =	vbroadcast v5, $0x0;
	v10 =	vpack.i.f32.bf16 v10, v10  }
0xff: {  	v23 =	vld [tilespmem:s10+$0xFFFFFFC0];
	v12 =	vshll.u32 v12, v1;
	v8 =	vmov s13;
	v19 =	vmul.bf16 v19, v10  }
0x100: {  	v24 =	vld [tilespmem:s10+$0xFFFFFFD0];
	v18 =	vadd.s32 $0x1, v18;
	v20 =	vmul.bf16 v20, v10;
	v8 =	vshrl.u32 v8, $0x3  }
0x101: {  	v26 =	vadd.s32 $0x3, v12;
	v12 =	vld [tilespmem:s10+$0xFFFFFFF0];
	v9 =	vpack.i.f32.bf16 v9, v9;
	v8 =	vshll.u32 v8, v1;
	[tilespmem:s10+$0xFFFFFF80] =	vst v19  }
0x102: {  	v10 =	vld [tilespmem:s10+$0xFFFFFFE0];
	v19 =	vmul.bf16 v21, v9;
	[tilespmem:s10+$0xFFFFFF90] =	vst v20;
	v20 =	vmul.bf16 v22, v9;
	v5 =	vpack.i.f32.bf16 v7, v7  }
0x103: {  	v3 =	vld.idx.msk [tilespmem:v3+s30+$0x0], $0xffff;
	v21 =	vpack.i.f32.bf16 v11, v11;
	v11 =	vbroadcast v26, $0x0;
	v17 =	vmul.bf16 v17, v5  }
0x104: {  	v25 =	vadd.s32 $0x2, v8;
	[tilespmem:s10+$0xFFFFFFA0] =	vst v19;
	v7 =	vshll.u32 v16, v1;
	v16 =	vadd.s32 $0x4, v13;
	v13 =	vld [tilespmem:s10+$0x0]  }
0x105: {  	v8 =	vbroadcast v18, $0x0;
	v18 =	vmul.bf16 v23, v21;
	[tilespmem:s10+$0x70] =	vst v17;
	v17 =	vadd.s32 $0x5, v14;
	v14 =	vld [tilespmem:s10+$0x10]  }
0x106: {  	s19 =	simm.s32 $0x10;
	s22 =	simm.s32 $0xF;
	v9 =	vbroadcast v25, $0x0;
	[tilespmem:s10+$0xFFFFFFB0] =	vst v20;
	v20 =	vmul.bf16 v24, v21;
	v19 =	vpack.i.f32.bf16 v15, v15;
	v15 =	vld [tilespmem:s10+$0x20]  }
.LBB2_15:
0x107: {  	p1 =	slt.u32 s19, $0x78;
	v16 =	vbroadcast v16, $0x0;
	v21 =	vmov s22;
	[tilespmem:s10+$0xFFFFFFC0] =	vst v18;
	v10 =	vmul.bf16 v10, v19;
	v18 =	vld [tilespmem:s10+$0x30]  }
0x108: {  	v4 =	vpack.i.f32.bf16 v4, v4;
	v21 =	vshrl.u32 v21, $0x3;
	[tilespmem:s10+$0xFFFFFFD0] =	vst v20;
	v12 =	vmul.bf16 v12, v19;
	v19 =	vld [tilespmem:s10+$0x40]  }
0x109: {  	v17 =	vbroadcast v17, $0x0;
	v20 =	vshll.u32 v21, v1;
	[tilespmem:s10+$0xFFFFFFE0] =	vst v10;
	v10 =	vmul.bf16 v13, v4;
	v13 =	vld [tilespmem:s10+$0x50]  }
0x10a: {  	v2 =	vpack.i.f32.bf16 v2, v2;
	v20 =	vadd.s32 $0x7, v20;
	[tilespmem:s10+$0xFFFFFFF0] =	vst v12;
	v4 =	vmul.bf16 v14, v4;
	v12 =	vld [tilespmem:s10+$0x60]  }
0x10b: {  	v14 =	vld.idx.msk [tilespmem:v6+s30+$0x0], $0xffff;
	v6 =	vadd.s32 $0x6, v7;
	v7 =	vbroadcast v20, $0x0;
	[tilespmem:s10+$0x0] =	vst v10;
	v10 =	vmul.bf16 v15, v2  }
0x10c: {  	v3 =	vpack.i.f32.bf16 v3, v3;
	v8 =	vld.idx.msk [tilespmem:v8+s30+$0x0], $0xffff;
	v6 =	vbroadcast v6, $0x0;
	[tilespmem:s10+$0x10] =	vst v4;
	v2 =	vmul.bf16 v18, v2  }
0x10d: {  	v9 =	vld.idx.msk [tilespmem:v9+s30+$0x0], $0xffff;
	[tilespmem:s10+$0x20] =	vst v10;
	v10 =	vmul.bf16 v19, v3  }
0x10e: {  	v15 =	vld.idx.msk [tilespmem:v11+s30+$0x0], $0xffff;
	[tilespmem:s10+$0x30] =	vst v2;
	v3 =	vmul.bf16 v13, v3  }
0x10f: {  	v4 =	vld.idx.msk [tilespmem:v16+s30+$0x0], $0xffff;
	[tilespmem:s10+$0x40] =	vst v10;
	v5 =	vmul.bf16 v12, v5  }
0x110: {  	s3 =	sadd.s32 $0x1, s19;
	v10 =	vmov s19;
	v2 =	vld.idx.msk [tilespmem:v17+s30+$0x0], $0xffff;
	[tilespmem:s10+$0x50] =	vst v3  }
0x111: {  	s13 =	sadd.s32 $0x3, s19;
	s22 =	sadd.s32 $0x4, s19;
	v11 =	vmov s3;
	s3 =	sadd.s32 $0x2, s19;
	v10 =	vshrl.u32 v10, $0x3;
	v7 =	vld.idx.msk [tilespmem:v7+s30+$0x0], $0xffff;
	[tilespmem:s10+$0x60] =	vst v5  }
0x112: {  	v13 =	vmov s22;
	v12 =	vmov s13;
	s13 =	sadd.s32 $0x6, s19;
	v5 =	vmov s3;
	s3 =	sadd.s32 $0x5, s19;
	s10 =	sadd.s32 $0x100, s10;
	v3 =	vld.idx.msk [tilespmem:v6+s30+$0x0], $0xffff  }
0x113: {  	v16 =	vmov s13;
	v6 =	vshll.u32 v10, v1;
	v10 =	vmov s3;
	v17 =	vld [tilespmem:s10+$0x70]  }
0x114: {  	v11 =	vshrl.u32 v11, $0x3;
	v12 =	vshrl.u32 v12, $0x3;
	v5 =	vshrl.u32 v5, $0x3;
	v18 =	vld [tilespmem:s10+$0xFFFFFF80]  }
0x115: {  	v13 =	vshrl.u32 v13, $0x3;
	v16 =	vshrl.u32 v16, $0x3;
	v10 =	vshrl.u32 v10, $0x3;
	v19 =	vld [tilespmem:s10+$0xFFFFFF90]  }
0x116: {  	v11 =	vshll.u32 v11, v1;
	v6 =	vbroadcast v6, $0x0;
	v20 =	vshll.u32 v5, v1;
	v21 =	vld [tilespmem:s10+$0xFFFFFFA0]  }
0x117: {  	v13 =	vshll.u32 v13, v1;
	v12 =	vshll.u32 v12, v1;
	v5 =	vpack.i.f32.bf16 v7, v7;
	v22 =	vld [tilespmem:s10+$0xFFFFFFB0]  }
0x118: {  	v23 =	vshll.u32 v10, v1;
	v10 =	vpack.i.f32.bf16 v14, v14;
	v14 =	vld [tilespmem:s10+$0xFFFFFFC0];
	v17 =	vmul.bf16 v17, v5  }
0x119: {  	v11 =	vadd.s32 $0x1, v11;
	v7 =	vshll.u32 v16, v1;
	v18 =	vmul.bf16 v18, v10;
	v24 =	vld [tilespmem:s10+$0xFFFFFFD0]  }
.Ltmp6:
0x11a: {  	v25 =	vpack.i.f32.bf16 v8, v8;
	v20 =	vadd.s32 $0x2, v20;
	v19 =	vmul.bf16 v19, v10;
	v10 =	vld [tilespmem:s10+$0xFFFFFFE0];
	[tilespmem:s10+$0x70] =	vst v17;
	(pc) =	sbr.rel @p1 .LBB2_15-.Ltmp6, $4  }
0x11b: {  	v26 =	vadd.s32 $0x3, v12;
	v16 =	vadd.s32 $0x4, v13;
	[tilespmem:s10+$0xFFFFFF80] =	vst v18;
	v18 =	vmul.bf16 v21, v25;
	v12 =	vld [tilespmem:s10+$0xFFFFFFF0]  }
0x11c: {  	v8 =	vbroadcast v11, $0x0;
	v21 =	vpack.i.f32.bf16 v9, v9;
	[tilespmem:s10+$0xFFFFFF90] =	vst v19;
	v19 =	vmul.bf16 v22, v25;
	v13 =	vld [tilespmem:s10+$0x0]  }
0x11d: {  	v17 =	vadd.s32 $0x5, v23;
	v9 =	vbroadcast v20, $0x0;
	[tilespmem:s10+$0xFFFFFFA0] =	vst v18;
	v18 =	vmul.bf16 v14, v21;
	v14 =	vld [tilespmem:s10+$0x10]  }
0x11e: {  	s22 =	sadd.s32 $0x7, s19;
	s19 =	sadd.s32 $0x8, s19;
	v11 =	vbroadcast v26, $0x0;
	[tilespmem:s10+$0xFFFFFFB0] =	vst v19;
	v20 =	vmul.bf16 v24, v21;
	v19 =	vpack.i.f32.bf16 v15, v15;
	v15 =	vld [tilespmem:s10+$0x20]  }
0x11f: {  	v22 =	vld [tilespmem:s10+$0x30]  }
0x120: {  	v23 =	vld [tilespmem:s10+$0x40]  }
0x121: {  	v24 =	vld [tilespmem:s10+$0x50]  }
0x122: {  	v25 =	vld [tilespmem:s10+$0x60]  }
0x123: {  	v6 =	vld.idx.msk [tilespmem:v6+s30+$0x0], $0xffff  }
0x124: {  	v8 =	vld.idx.msk [tilespmem:v8+s30+$0x0], $0xffff  }
0x125: {  	v9 =	vld.idx.msk [tilespmem:v9+s30+$0x0], $0xffff  }
0x126: {  	v21 =	vmov s22;
	s19 =	sadd.s32 $0x100, s10;
	v11 =	vld.idx.msk [tilespmem:v11+s30+$0x0], $0xffff  }
0x127: {  	[tilespmem:s10+$0xFFFFFFC0] =	vst v18;
	v10 =	vmul.bf16 v10, v19;
	v21 =	vshrl.u32 v21, $0x3;
	v43 =	vld [tilespmem:s19+$0x70]  }
0x128: {  	v4 =	vpack.i.f32.bf16 v4, v4;
	[tilespmem:s10+$0xFFFFFFD0] =	vst v20;
	v12 =	vmul.bf16 v12, v19;
	v44 =	vld [tilespmem:s19+$0xFFFFFF80];
	v21 =	vshll.u32 v21, v1  }
0x129: {  	v46 =	vld [tilespmem:s19+$0xFFFFFF90];
	[tilespmem:s10+$0xFFFFFFE0] =	vst v10;
	v40 =	vmul.bf16 v13, v4;
	v21 =	vadd.s32 $0x7, v21  }
0x12a: {  	v2 =	vpack.i.f32.bf16 v2, v2;
	v47 =	vld [tilespmem:s19+$0xFFFFFFB0];
	[tilespmem:s10+$0xFFFFFFF0] =	vst v12;
	v4 =	vmul.bf16 v14, v4;
	v21 =	vbroadcast v21, $0x0  }
0x12b: {  	v48 =	vld [tilespmem:s19+$0xFFFFFFC0];
	[tilespmem:s10+$0x0] =	vst v40;
	v42 =	vmul.bf16 v15, v2;
	v2 =	vmul.bf16 v22, v2  }
0x12c: {  	v16 =	vbroadcast v16, $0x0;
	v3 =	vpack.i.f32.bf16 v3, v3;
	v49 =	vld [tilespmem:s19+$0xFFFFFFD0];
	[tilespmem:s10+$0x10] =	vst v4  }
0x12d: {  	v45 =	vmul.bf16 v23, v3;
	[tilespmem:s10+$0x30] =	vst v2;
	v2 =	vmul.bf16 v24, v3;
	v3 =	vld [tilespmem:s19+$0xFFFFFFA0]  }
0x12e: {  	v50 =	vld [tilespmem:s19+$0xFFFFFFE0];
	[tilespmem:s10+$0x20] =	vst v42  }
0x12f: {  	v17 =	vbroadcast v17, $0x0;
	v51 =	vld [tilespmem:s19+$0xFFFFFFF0];
	v5 =	vmul.bf16 v25, v5;
	[tilespmem:s10+$0x50] =	vst v2;
	v2 =	vpack.i.f32.bf16 v6, v6  }
0x130: {  	v7 =	vadd.s32 $0x6, v7;
	[tilespmem:s10+$0x40] =	vst v45;
	v41 =	vld.idx.msk [tilespmem:v21+s30+$0x0], $0xffff;
	v4 =	vmul.bf16 v44, v2  }
0x131: {  	v7 =	vbroadcast v7, $0x0;
	v53 =	vld [tilespmem:s19+$0x0];
	v8 =	vpack.i.f32.bf16 v8, v8;
	[tilespmem:s10+$0x60] =	vst v5;
	v2 =	vmul.bf16 v46, v2  }
0x132: {  	v54 =	vld [tilespmem:s19+$0x10];
	[tilespmem:s19+$0xFFFFFF80] =	vst v4;
	v3 =	vmul.bf16 v3, v8  }
0x133: {  	v52 =	vpack.i.f32.bf16 v9, v9;
	v16 =	vld.idx.msk [tilespmem:v16+s30+$0x0], $0xffff;
	[tilespmem:s19+$0xFFFFFF90] =	vst v2;
	v2 =	vmul.bf16 v47, v8  }
0x134: {  	v56 =	vld [tilespmem:s19+$0x20];
	[tilespmem:s19+$0xFFFFFFA0] =	vst v3;
	v3 =	vmul.bf16 v48, v52  }
0x135: {  	v17 =	vld.idx.msk [tilespmem:v17+s30+$0x0], $0xffff;
	[tilespmem:s19+$0xFFFFFFB0] =	vst v2;
	v2 =	vmul.bf16 v49, v52;
	v13 =	vpack.i.f32.bf16 v41, v41  }
0x136: {  	v57 =	vld [tilespmem:s19+$0x30];
	v55 =	vpack.i.f32.bf16 v11, v11;
	v12 =	vmul.bf16 v43, v13;
	[tilespmem:s19+$0xFFFFFFC0] =	vst v3  }
0x137: {  	v7 =	vld.idx.msk [tilespmem:v7+s30+$0x0], $0xffff;
	v3 =	vmul.bf16 v50, v55;
	[tilespmem:s19+$0xFFFFFFD0] =	vst v2  }
0x138: {  	v59 =	vld [tilespmem:s19+$0x40];
	v58 =	vpack.i.f32.bf16 v16, v16;
	v2 =	vmul.bf16 v51, v55;
	[tilespmem:s19+$0x70] =	vst v12  }
0x139: {  	v60 =	vld [tilespmem:s19+$0x50];
	[tilespmem:s19+$0xFFFFFFE0] =	vst v3;
	v3 =	vmul.bf16 v53, v58  }
0x13a: {  	v62 =	vld [tilespmem:s19+$0x60];
	v61 =	vpack.i.f32.bf16 v17, v17;
	[tilespmem:s19+$0xFFFFFFF0] =	vst v2;
	v2 =	vmul.bf16 v54, v58  }
0x13b: {  	[tilespmem:s19+$0x0] =	vst v3;
	v3 =	vmul.bf16 v56, v61  }
0x13c: {  	v63 =	vpack.i.f32.bf16 v7, v7;
	[tilespmem:s19+$0x10] =	vst v2;
	v2 =	vmul.bf16 v57, v61  }
0x13d: {  	[tilespmem:s19+$0x20] =	vst v3;
	v3 =	vmul.bf16 v59, v63  }
0x13e: {  	[tilespmem:s19+$0x30] =	vst v2;
	v2 =	vmul.bf16 v60, v63  }
0x13f: {  	[tilespmem:s19+$0x40] =	vst v3;
	v3 =	vmul.bf16 v62, v13  }
0x140: {  	[tilespmem:s19+$0x50] =	vst v2  }
0x141: {  	p1 =	por $0x1, $0x1;
	s10 =	simm.s32 $0x0;
	[tilespmem:s19+$0x60] =	vst v3  }
0x142: {  	[spmem:s2] =	stream.indirect.scatter.add.bf16 [tilespmem:s26], [sflag:$0x8], $0x20, s11, s21, $0xb8;
	[tilespmem:$0x12800] =	vst v63  }
.LBB2_17:
0x143: {  	v2 =	vld [tilespmem:s10+$0x300]  }
0x144: {  	v3 =	vld [tilespmem:s10+$0x310]  }
0x145: {  	v4 =	vld [tilespmem:s10+$0x320]  }
0x146: {  	v5 =	vld [tilespmem:s10+$0x330]  }
0x147: {  	v6 =	vld [tilespmem:s10+$0x400]  }
0x148: {  	v7 =	vld [tilespmem:s10+$0x410]  }
0x149: {  	v8 =	vld [tilespmem:s10+$0x420]  }
0x14a: {  	v9 =	vld [tilespmem:s10+$0x430]  }
0x14b: {  	v2 =	vld.idx.msk [tilespmem:v2+s18+$0x0], $0xffff  }
0x14c: {  	v3 =	vld.idx.msk [tilespmem:v3+s18+$0x0], $0xffff  }
0x14d: {  	v4 =	vld.idx.msk [tilespmem:v4+s18+$0x0], $0xffff  }
0x14e: {  	v5 =	vld.idx.msk [tilespmem:v5+s18+$0x0], $0xffff;
	_ =	sdelay $0x1  }
0x14f: {  	p2 =	por p1, p1;
	v2 =	vmul.f32 v2, v6  }
.Ltmp7:
0x150: {  	v3 =	vmul.f32 v3, v7;
	(pc) =	sbr.rel @p2 .LBB2_17-.Ltmp7, $4  }
0x151: {  	[tilespmem:s10+$0x3780] =	vst v2;
	v2 =	vmul.f32 v4, v8  }
0x152: {  	[tilespmem:s10+$0x3790] =	vst v3;
	v3 =	vmul.f32 v5, v9  }
0x153: {  	[tilespmem:s10+$0x37A0] =	vst v2  }
0x154: {  	p1 =	por $0x0, $0x0;
	[tilespmem:s10+$0x37B0] =	vst v3;
	s10 =	simm.s32 $0x40  }
.Ltmp8:
0x155: {  	(pc) =	sbr.rel @p0 .LBB2_22-.Ltmp8, $1  }
0x156: {  	_ =	sdelay $0x3  }
0x157: {  	_ =	swait.ge [sflag:s20], $0x180  }
0x158: {  	[sflag:s20] =	ssyncset.done $0x0  }
0x159: {  	[sflag:s20] =	ssyncadd.s32 $0xFFFFFE80  }
0x15a: {  	_ =	swait.ge [sflag:s8], $0x1000  }
0x15b: {  	[sflag:s8] =	ssyncset.done $0x0  }
0x15c: {  	s10 =	simm.s32 $0x0;
	p0 =	por $0x1, $0x1;
	[sflag:s8] =	ssyncadd.s32 $0xFFFFF000  }
.LBB2_20:
0x15d: {  	v2 =	vld [tilespmem:s10+$0x0];
	s3 =	sor.u32 $0x10, s10  }
0x15e: {  	s19 =	sor.u32 $0x20, s10;
	v3 =	vld [tilespmem:s3+$0x0]  }
0x15f: {  	s22 =	sor.u32 $0x30, s10;
	v4 =	vld [tilespmem:s19+$0x0]  }
0x160: {  	v5 =	vld [tilespmem:s22+$0x0];
	_ =	sdelay $0x1  }
0x161: {  	v2 =	vshll.u32 v2, $0x1  }
0x162: {  	v2 =	vor.u32 v0, v2;
	v3 =	vshll.u32 v3, $0x1  }
0x163: {  	v62 =	vld [tilespmem:s10+$0x80];
	[tilespmem:s10+$0x480] =	vst v2;
	v2 =	vor.u32 v0, v3;
	v3 =	vshll.u32 v4, $0x1  }
0x164: {  	v63 =	vld [tilespmem:s10+$0x90];
	[tilespmem:s10+$0x490] =	vst v2;
	v2 =	vor.u32 v0, v3;
	v3 =	vshll.u32 v5, $0x1  }
0x165: {  	[tilespmem:s10+$0x4A0] =	vst v2;
	v2 =	vor.u32 v0, v3;
	v3 =	vld [tilespmem:s10+$0xA0]  }
0x166: {  	p1 =	por p0, p0;
	[tilespmem:s10+$0x4B0] =	vst v2;
	v2 =	vld [tilespmem:s10+$0xB0]  }
.Ltmp9:
0x167: {  	_ = 	snop;
	(pc) =	sbr.rel @p1 .LBB2_20-.Ltmp9, $4  }
0x168: {  	[tilespmem:s10+$0x600] =	vst v62  }
0x169: {  	[tilespmem:s10+$0x610] =	vst v63  }
0x16a: {  	[tilespmem:s10+$0x620] =	vst v3  }
0x16b: {  	p0 =	por $0x0, $0x0;
	[tilespmem:s10+$0x630] =	vst v2;
	s10 =	simm.s32 $0x40  }
0x16c: {  	s3 =	rddreg [dreg:$0x8]  }
0x16d: {  	s3 =	sadd.s32 s17, s3  }
0x16e: {  	s10 =	simm.s32 $0x480;
	s3 =	smul.u32 $0x180, s3  }
0x16f: {  	[tilespmem:s23], [sflag:$0x4] =	stream.indirect.gather [hbm4b:s5+s21], $0x20, s10, s21, $0xb8;
	[tilespmem:$0x12800] =	vst v63  }
0x170: {  	s3 =	sshrl.u32 s3, $0x3  }
0x171: {  	s3 =	sadd.s32 s4, s3  }
0x172: {  	s22 =	simm.s32 $0x0;
	s13 =	simm.s32 $0x180;
	s3 =	sadd.s32 $0x60, s3  }
0x173: {  	[tilespmem:s13], [sflag:$0x2] =	stream.linear.gather [hbm4b:s3+s22], $0x180, $0x38;
	[tilespmem:$0x12800] =	vst v63  }
.LBB2_22:
0x174: {  	s3 =	simm.s32 $0x0;
	s13 =	simm.s32 $0x1;
	s17 =	simm.s32 $0x2  }
0x175: {  	s10 =	simm.s32 $0x3;
	s19 =	simm.s32 $0x5;
	s22 =	simm.s32 $0x6;
	v2 =	vmov s3;
	v3 =	vmov s13;
	v4 =	vmov s17  }
0x176: {  	s13 =	simm.s32 $0x4;
	v5 =	vmov s10;
	v7 =	vmov s19;
	v8 =	vmov s22  }
0x177: {  	v2 =	vshrl.u32 v2, $0x3;
	v6 =	vmov s13;
	v3 =	vshrl.u32 v3, $0x3  }
0x178: {  	s10 =	simm.s32 $0x7;
	v4 =	vshrl.u32 v4, $0x3;
	v5 =	vshrl.u32 v5, $0x3;
	v7 =	vshrl.u32 v7, $0x3  }
0x179: {  	v8 =	vshrl.u32 v8, $0x3;
	v9 =	vmov s10;
	v2 =	vshll.u32 v2, v1  }
0x17a: {  	_ =	swait.ge [sflag:s14], $0x1000;
	v6 =	vshrl.u32 v6, $0x3;
	v3 =	vshll.u32 v3, v1;
	v4 =	vshll.u32 v4, v1  }
0x17b: {  	[sflag:s14] =	ssyncset.done $0x0;
	v5 =	vshll.u32 v5, v1;
	v2 =	vbroadcast v2, $0x0;
	v3 =	vadd.s32 $0x1, v3  }
0x17c: {  	[sflag:s14] =	ssyncadd.s32 $0xFFFFF000;
	s10 =	simm.s32 $0x2800;
	v7 =	vshll.u32 v7, v1;
	v4 =	vadd.s32 $0x2, v4;
	v3 =	vbroadcast v3, $0x0  }
0x17d: {  	v19 =	vld [tilespmem:s10+$0xFFFFFF80];
	v6 =	vshll.u32 v6, v1;
	v5 =	vadd.s32 $0x3, v5;
	v4 =	vbroadcast v4, $0x0  }
0x17e: {  	v9 =	vshrl.u32 v9, $0x3;
	v20 =	vld [tilespmem:s10+$0xFFFFFF90];
	v6 =	vadd.s32 $0x4, v6;
	v5 =	vbroadcast v5, $0x0  }
0x17f: {  	v21 =	vld [tilespmem:s10+$0xFFFFFFA0];
	v7 =	vadd.s32 $0x5, v7;
	v9 =	vshll.u32 v9, v1;
	v6 =	vbroadcast v6, $0x0  }
0x180: {  	s22 =	simm.s32 $0xB;
	v8 =	vshll.u32 v8, v1;
	v22 =	vld [tilespmem:s10+$0xFFFFFFB0];
	v7 =	vbroadcast v7, $0x0;
	v9 =	vadd.s32 $0x7, v9  }
0x181: {  	v12 =	vmov s22;
	v10 =	vld.idx.msk [tilespmem:v2+s30+$0x0], $0xffff;
	v2 =	vadd.s32 $0x6, v8;
	v8 =	vbroadcast v9, $0x0  }
0x182: {  	s22 =	simm.s32 $0xE;
	v12 =	vshrl.u32 v12, $0x3;
	v9 =	vld.idx.msk [tilespmem:v3+s30+$0x0], $0xffff  }
0x183: {  	s13 =	simm.s32 $0x8;
	v16 =	vmov s22;
	v12 =	vshll.u32 v12, v1;
	v11 =	vld.idx.msk [tilespmem:v4+s30+$0x0], $0xffff  }
0x184: {  	s17 =	simm.s32 $0x9;
	v16 =	vshrl.u32 v16, $0x3;
	v26 =	vadd.s32 $0x3, v12;
	v15 =	vld.idx.msk [tilespmem:v5+s30+$0x0], $0xffff;
	v5 =	vmov s13  }
0x185: {  	v3 =	vbroadcast v2, $0x0;
	v4 =	vld.idx.msk [tilespmem:v6+s30+$0x0], $0xffff;
	v5 =	vshrl.u32 v5, $0x3;
	v6 =	vmov s17;
	s17 =	simm.s32 $0xC  }
0x186: {  	v2 =	vld.idx.msk [tilespmem:v7+s30+$0x0], $0xffff;
	v13 =	vmov s17;
	v5 =	vshll.u32 v5, v1;
	v18 =	vshrl.u32 v6, $0x3  }
0x187: {  	v13 =	vshrl.u32 v13, $0x3;
	v6 =	vbroadcast v5, $0x0;
	v18 =	vshll.u32 v18, v1;
	v7 =	vld.idx.msk [tilespmem:v8+s30+$0x0], $0xffff  }
0x188: {  	s19 =	simm.s32 $0xA;
	v17 =	vld [tilespmem:s10+$0x70];
	v13 =	vshll.u32 v13, v1;
	v10 =	vpack.i.f32.bf16 v10, v10;
	v18 =	vadd.s32 $0x1, v18  }
0x189: {  	v23 =	vld [tilespmem:s10+$0xFFFFFFC0];
	v8 =	vmov s19;
	s19 =	simm.s32 $0xD;
	v19 =	vmul.bf16 v19, v10;
	v20 =	vmul.bf16 v20, v10  }
0x18a: {  	v24 =	vld [tilespmem:s10+$0xFFFFFFD0];
	v9 =	vpack.i.f32.bf16 v9, v9;
	v14 =	vmov s19;
	v8 =	vshrl.u32 v8, $0x3  }
0x18b: {  	v12 =	vld [tilespmem:s10+$0xFFFFFFF0];
	v14 =	vshrl.u32 v14, $0x3;
	v8 =	vshll.u32 v8, v1;
	[tilespmem:s10+$0xFFFFFF80] =	vst v19;
	v19 =	vmul.bf16 v21, v9  }
0x18c: {  	v10 =	vld [tilespmem:s10+$0xFFFFFFE0];
	[tilespmem:s10+$0xFFFFFF90] =	vst v20;
	v20 =	vmul.bf16 v22, v9;
	v21 =	vpack.i.f32.bf16 v11, v11;
	v5 =	vpack.i.f32.bf16 v7, v7  }
0x18d: {  	v3 =	vld.idx.msk [tilespmem:v3+s30+$0x0], $0xffff;
	v11 =	vbroadcast v26, $0x0;
	v14 =	vshll.u32 v14, v1;
	v17 =	vmul.bf16 v17, v5  }
0x18e: {  	v25 =	vadd.s32 $0x2, v8;
	[tilespmem:s10+$0xFFFFFFA0] =	vst v19;
	v7 =	vshll.u32 v16, v1;
	v16 =	vadd.s32 $0x4, v13;
	v13 =	vld [tilespmem:s10+$0x0]  }
0x18f: {  	v8 =	vbroadcast v18, $0x0;
	v18 =	vmul.bf16 v23, v21;
	[tilespmem:s10+$0x70] =	vst v17;
	v17 =	vadd.s32 $0x5, v14;
	v14 =	vld [tilespmem:s10+$0x10]  }
0x190: {  	s17 =	simm.s32 $0x10;
	s19 =	simm.s32 $0xF;
	v9 =	vbroadcast v25, $0x0;
	[tilespmem:s10+$0xFFFFFFB0] =	vst v20;
	v20 =	vmul.bf16 v24, v21;
	v19 =	vpack.i.f32.bf16 v15, v15;
	v15 =	vld [tilespmem:s10+$0x20]  }
.LBB2_23:
0x191: {  	p0 =	slt.u32 s17, $0x78;
	v16 =	vbroadcast v16, $0x0;
	v21 =	vmov s19;
	[tilespmem:s10+$0xFFFFFFC0] =	vst v18;
	v10 =	vmul.bf16 v10, v19;
	v18 =	vld [tilespmem:s10+$0x30]  }
0x192: {  	v4 =	vpack.i.f32.bf16 v4, v4;
	v21 =	vshrl.u32 v21, $0x3;
	[tilespmem:s10+$0xFFFFFFD0] =	vst v20;
	v12 =	vmul.bf16 v12, v19;
	v19 =	vld [tilespmem:s10+$0x40]  }
0x193: {  	v17 =	vbroadcast v17, $0x0;
	v20 =	vshll.u32 v21, v1;
	[tilespmem:s10+$0xFFFFFFE0] =	vst v10;
	v10 =	vmul.bf16 v13, v4;
	v13 =	vld [tilespmem:s10+$0x50]  }
0x194: {  	v2 =	vpack.i.f32.bf16 v2, v2;
	v20 =	vadd.s32 $0x7, v20;
	[tilespmem:s10+$0xFFFFFFF0] =	vst v12;
	v4 =	vmul.bf16 v14, v4;
	v12 =	vld [tilespmem:s10+$0x60]  }
0x195: {  	v14 =	vld.idx.msk [tilespmem:v6+s30+$0x0], $0xffff;
	v6 =	vadd.s32 $0x6, v7;
	v7 =	vbroadcast v20, $0x0;
	[tilespmem:s10+$0x0] =	vst v10;
	v10 =	vmul.bf16 v15, v2  }
0x196: {  	v3 =	vpack.i.f32.bf16 v3, v3;
	v8 =	vld.idx.msk [tilespmem:v8+s30+$0x0], $0xffff;
	v6 =	vbroadcast v6, $0x0;
	[tilespmem:s10+$0x10] =	vst v4;
	v2 =	vmul.bf16 v18, v2  }
0x197: {  	v9 =	vld.idx.msk [tilespmem:v9+s30+$0x0], $0xffff;
	[tilespmem:s10+$0x20] =	vst v10;
	v10 =	vmul.bf16 v19, v3  }
0x198: {  	v15 =	vld.idx.msk [tilespmem:v11+s30+$0x0], $0xffff;
	[tilespmem:s10+$0x30] =	vst v2;
	v3 =	vmul.bf16 v13, v3  }
0x199: {  	v4 =	vld.idx.msk [tilespmem:v16+s30+$0x0], $0xffff;
	[tilespmem:s10+$0x40] =	vst v10;
	v5 =	vmul.bf16 v12, v5  }
0x19a: {  	s3 =	sadd.s32 $0x1, s17;
	v10 =	vmov s17;
	v2 =	vld.idx.msk [tilespmem:v17+s30+$0x0], $0xffff;
	[tilespmem:s10+$0x50] =	vst v3  }
0x19b: {  	s13 =	sadd.s32 $0x3, s17;
	s19 =	sadd.s32 $0x4, s17;
	v11 =	vmov s3;
	s3 =	sadd.s32 $0x2, s17;
	v10 =	vshrl.u32 v10, $0x3;
	v7 =	vld.idx.msk [tilespmem:v7+s30+$0x0], $0xffff;
	[tilespmem:s10+$0x60] =	vst v5  }
0x19c: {  	v13 =	vmov s19;
	v12 =	vmov s13;
	s13 =	sadd.s32 $0x6, s17;
	v5 =	vmov s3;
	s3 =	sadd.s32 $0x5, s17;
	s10 =	sadd.s32 $0x100, s10;
	v3 =	vld.idx.msk [tilespmem:v6+s30+$0x0], $0xffff  }
0x19d: {  	v16 =	vmov s13;
	v6 =	vshll.u32 v10, v1;
	v10 =	vmov s3;
	v17 =	vld [tilespmem:s10+$0x70]  }
0x19e: {  	v11 =	vshrl.u32 v11, $0x3;
	v12 =	vshrl.u32 v12, $0x3;
	v5 =	vshrl.u32 v5, $0x3;
	v18 =	vld [tilespmem:s10+$0xFFFFFF80]  }
0x19f: {  	v13 =	vshrl.u32 v13, $0x3;
	v16 =	vshrl.u32 v16, $0x3;
	v10 =	vshrl.u32 v10, $0x3;
	v19 =	vld [tilespmem:s10+$0xFFFFFF90]  }
0x1a0: {  	v11 =	vshll.u32 v11, v1;
	v6 =	vbroadcast v6, $0x0;
	v20 =	vshll.u32 v5, v1;
	v21 =	vld [tilespmem:s10+$0xFFFFFFA0]  }
0x1a1: {  	v13 =	vshll.u32 v13, v1;
	v12 =	vshll.u32 v12, v1;
	v5 =	vpack.i.f32.bf16 v7, v7;
	v22 =	vld [tilespmem:s10+$0xFFFFFFB0]  }
0x1a2: {  	v23 =	vshll.u32 v10, v1;
	v10 =	vpack.i.f32.bf16 v14, v14;
	v14 =	vld [tilespmem:s10+$0xFFFFFFC0];
	v17 =	vmul.bf16 v17, v5  }
0x1a3: {  	v11 =	vadd.s32 $0x1, v11;
	v7 =	vshll.u32 v16, v1;
	v18 =	vmul.bf16 v18, v10;
	v24 =	vld [tilespmem:s10+$0xFFFFFFD0]  }
.Ltmp10:
0x1a4: {  	v25 =	vpack.i.f32.bf16 v8, v8;
	v20 =	vadd.s32 $0x2, v20;
	v19 =	vmul.bf16 v19, v10;
	v10 =	vld [tilespmem:s10+$0xFFFFFFE0];
	[tilespmem:s10+$0x70] =	vst v17;
	(pc) =	sbr.rel @p0 .LBB2_23-.Ltmp10, $4  }
0x1a5: {  	v26 =	vadd.s32 $0x3, v12;
	v16 =	vadd.s32 $0x4, v13;
	[tilespmem:s10+$0xFFFFFF80] =	vst v18;
	v18 =	vmul.bf16 v21, v25;
	v12 =	vld [tilespmem:s10+$0xFFFFFFF0]  }
0x1a6: {  	v8 =	vbroadcast v11, $0x0;
	v21 =	vpack.i.f32.bf16 v9, v9;
	[tilespmem:s10+$0xFFFFFF90] =	vst v19;
	v19 =	vmul.bf16 v22, v25;
	v13 =	vld [tilespmem:s10+$0x0]  }
0x1a7: {  	v17 =	vadd.s32 $0x5, v23;
	v9 =	vbroadcast v20, $0x0;
	[tilespmem:s10+$0xFFFFFFA0] =	vst v18;
	v18 =	vmul.bf16 v14, v21;
	v14 =	vld [tilespmem:s10+$0x10]  }
0x1a8: {  	s19 =	sadd.s32 $0x7, s17;
	s17 =	sadd.s32 $0x8, s17;
	v11 =	vbroadcast v26, $0x0;
	[tilespmem:s10+$0xFFFFFFB0] =	vst v19;
	v20 =	vmul.bf16 v24, v21;
	v19 =	vpack.i.f32.bf16 v15, v15;
	v15 =	vld [tilespmem:s10+$0x20]  }
0x1a9: {  	v22 =	vld [tilespmem:s10+$0x30]  }
0x1aa: {  	v23 =	vld [tilespmem:s10+$0x40]  }
0x1ab: {  	v24 =	vld [tilespmem:s10+$0x50]  }
0x1ac: {  	v25 =	vld [tilespmem:s10+$0x60]  }
0x1ad: {  	v6 =	vld.idx.msk [tilespmem:v6+s30+$0x0], $0xffff  }
0x1ae: {  	v8 =	vld.idx.msk [tilespmem:v8+s30+$0x0], $0xffff  }
0x1af: {  	v9 =	vld.idx.msk [tilespmem:v9+s30+$0x0], $0xffff  }
0x1b0: {  	v21 =	vmov s19;
	s17 =	sadd.s32 $0x100, s10;
	v11 =	vld.idx.msk [tilespmem:v11+s30+$0x0], $0xffff  }
0x1b1: {  	[tilespmem:s10+$0xFFFFFFC0] =	vst v18;
	v10 =	vmul.bf16 v10, v19;
	v21 =	vshrl.u32 v21, $0x3;
	v43 =	vld [tilespmem:s17+$0x70]  }
0x1b2: {  	v4 =	vpack.i.f32.bf16 v4, v4;
	[tilespmem:s10+$0xFFFFFFD0] =	vst v20;
	v12 =	vmul.bf16 v12, v19;
	v44 =	vld [tilespmem:s17+$0xFFFFFF80];
	v21 =	vshll.u32 v21, v1  }
0x1b3: {  	v46 =	vld [tilespmem:s17+$0xFFFFFF90];
	[tilespmem:s10+$0xFFFFFFE0] =	vst v10;
	v40 =	vmul.bf16 v13, v4;
	v21 =	vadd.s32 $0x7, v21  }
0x1b4: {  	v2 =	vpack.i.f32.bf16 v2, v2;
	v47 =	vld [tilespmem:s17+$0xFFFFFFB0];
	[tilespmem:s10+$0xFFFFFFF0] =	vst v12;
	v4 =	vmul.bf16 v14, v4;
	v21 =	vbroadcast v21, $0x0  }
0x1b5: {  	v48 =	vld [tilespmem:s17+$0xFFFFFFC0];
	[tilespmem:s10+$0x0] =	vst v40;
	v42 =	vmul.bf16 v15, v2;
	v2 =	vmul.bf16 v22, v2  }
0x1b6: {  	v16 =	vbroadcast v16, $0x0;
	v3 =	vpack.i.f32.bf16 v3, v3;
	v49 =	vld [tilespmem:s17+$0xFFFFFFD0];
	[tilespmem:s10+$0x10] =	vst v4  }
0x1b7: {  	v45 =	vmul.bf16 v23, v3;
	[tilespmem:s10+$0x30] =	vst v2;
	v2 =	vmul.bf16 v24, v3;
	v3 =	vld [tilespmem:s17+$0xFFFFFFA0]  }
0x1b8: {  	v50 =	vld [tilespmem:s17+$0xFFFFFFE0];
	[tilespmem:s10+$0x20] =	vst v42  }
0x1b9: {  	v17 =	vbroadcast v17, $0x0;
	v51 =	vld [tilespmem:s17+$0xFFFFFFF0];
	v5 =	vmul.bf16 v25, v5;
	[tilespmem:s10+$0x50] =	vst v2;
	v2 =	vpack.i.f32.bf16 v6, v6  }
0x1ba: {  	v7 =	vadd.s32 $0x6, v7;
	[tilespmem:s10+$0x40] =	vst v45;
	v41 =	vld.idx.msk [tilespmem:v21+s30+$0x0], $0xffff;
	v4 =	vmul.bf16 v44, v2  }
0x1bb: {  	v7 =	vbroadcast v7, $0x0;
	v53 =	vld [tilespmem:s17+$0x0];
	v8 =	vpack.i.f32.bf16 v8, v8;
	[tilespmem:s10+$0x60] =	vst v5;
	v2 =	vmul.bf16 v46, v2  }
0x1bc: {  	v54 =	vld [tilespmem:s17+$0x10];
	[tilespmem:s17+$0xFFFFFF80] =	vst v4;
	v3 =	vmul.bf16 v3, v8  }
0x1bd: {  	v52 =	vpack.i.f32.bf16 v9, v9;
	v16 =	vld.idx.msk [tilespmem:v16+s30+$0x0], $0xffff;
	[tilespmem:s17+$0xFFFFFF90] =	vst v2;
	v2 =	vmul.bf16 v47, v8  }
0x1be: {  	v56 =	vld [tilespmem:s17+$0x20];
	[tilespmem:s17+$0xFFFFFFA0] =	vst v3;
	v3 =	vmul.bf16 v48, v52  }
0x1bf: {  	v17 =	vld.idx.msk [tilespmem:v17+s30+$0x0], $0xffff;
	[tilespmem:s17+$0xFFFFFFB0] =	vst v2;
	v2 =	vmul.bf16 v49, v52;
	v13 =	vpack.i.f32.bf16 v41, v41  }
0x1c0: {  	v57 =	vld [tilespmem:s17+$0x30];
	v55 =	vpack.i.f32.bf16 v11, v11;
	v12 =	vmul.bf16 v43, v13;
	[tilespmem:s17+$0xFFFFFFC0] =	vst v3  }
0x1c1: {  	v7 =	vld.idx.msk [tilespmem:v7+s30+$0x0], $0xffff;
	v3 =	vmul.bf16 v50, v55;
	[tilespmem:s17+$0xFFFFFFD0] =	vst v2  }
0x1c2: {  	v59 =	vld [tilespmem:s17+$0x40];
	v58 =	vpack.i.f32.bf16 v16, v16;
	v2 =	vmul.bf16 v51, v55;
	[tilespmem:s17+$0x70] =	vst v12  }
0x1c3: {  	v60 =	vld [tilespmem:s17+$0x50];
	[tilespmem:s17+$0xFFFFFFE0] =	vst v3;
	v3 =	vmul.bf16 v53, v58  }
0x1c4: {  	v62 =	vld [tilespmem:s17+$0x60];
	v61 =	vpack.i.f32.bf16 v17, v17;
	[tilespmem:s17+$0xFFFFFFF0] =	vst v2;
	v2 =	vmul.bf16 v54, v58  }
0x1c5: {  	[tilespmem:s17+$0x0] =	vst v3;
	v3 =	vmul.bf16 v56, v61  }
0x1c6: {  	s16 =	sadd.s32 $0x1, s16;
	v63 =	vpack.i.f32.bf16 v7, v7;
	[tilespmem:s17+$0x10] =	vst v2;
	v2 =	vmul.bf16 v57, v61  }
0x1c7: {  	p0 =	sne.s32 s16, $0x54;
	[tilespmem:s17+$0x20] =	vst v3;
	v3 =	vmul.bf16 v59, v63  }
.Ltmp11:
0x1c8: {  	[tilespmem:s17+$0x30] =	vst v2;
	v2 =	vmul.bf16 v60, v63;
	(pc) =	sbr.rel @p0 .LBB2_4-.Ltmp11, $4  }
0x1c9: {  	[tilespmem:s17+$0x40] =	vst v3;
	v3 =	vmul.bf16 v62, v13  }
0x1ca: {  	[tilespmem:s17+$0x50] =	vst v2  }
0x1cb: {  	[tilespmem:s17+$0x60] =	vst v3  }
0x1cc: {  	[spmem:s2] =	stream.indirect.scatter.add.bf16 [tilespmem:s6], [sflag:$0x9], $0x20, s15, s21, $0xb8;
	[tilespmem:$0x12800] =	vst v63  }
0x1cd: {  	_ =	swait.ge [sflag:s8], $0x1000  }
0x1ce: {  	[sflag:s8] =	ssyncset.done $0x0  }
0x1cf: {  	s3 =	simm.s32 $0x8;
	[sflag:s8] =	ssyncadd.s32 $0xFFFFF000  }
0x1d0: {  	_ =	swait.ge [sflag:s3], $0x1000  }
0x1d1: {  	[sflag:s3] =	ssyncset.done $0x0  }
0x1d2: {  	s17 =	simm.s32 $0x9;
	[sflag:s3] =	ssyncadd.s32 $0xFFFFF000  }
0x1d3: {  	_ =	swait.ge [sflag:s17], $0x1000  }
0x1d4: {  	[sflag:s17] =	ssyncset.done $0x0  }
0x1d5: {  	[sflag:s17] =	ssyncadd.s32 $0xFFFFF000  }
0x1d6: {  	[bflag:$0x0] =	sbarrier.arrive $0xFFFF  }
0x1d7: {  	s13 =	rddreg [dreg:$0x6]  }
0x1d8: {  	s19 =	rddreg [dreg:$0x9]  }
0x1d9: {  	s17 =	simm.s32 $0xA;
	s16 =	rddreg [dreg:$0xb]  }
0x1da: {  	[hbm:s19], [sflag:s13] =	dma.local [spmem:s16], $0x1400  }
0x1db: {  	_ =	swait.ge [sflag:s17], $0x1400  }
0x1dc: {  	s10 =	rddreg [dreg:$0xc]  }
0x1dd: {  	s22 =	rddreg [dreg:$0xa];
	s10 =	sadd.s32 $0x1, s10  }
0x1de: {  	p0 =	sne.s32 s10, s22  }
.Ltmp12:
0x1df: {  	_ = 	snop;
	(pc) =	sbr.rel @p0 .LBB2_1-.Ltmp12, $3  }
0x1e0: {  	_ =	sdelay $0x1  }
0x1e1: {  	[sflag:s17] =	ssyncset.done $0x0  }
0x1e2: {  	[sflag:s17] =	ssyncadd.s32 $0xFFFFEC00  }
0x1e3: {  	_ =	sfence.sel $0x180000  }
0x1e4: {  	[bflag:$0x0] =	sbarrier.arrive $0xFFFF  }
0x1e5: {  	_ =	strace $0x9000004A  }
0x1e6: {  	s0 =	stileid.u32;
	[bflag:$0x2] =	sbarrier.arrive $0xFFFF  }
0x1e7: {  	p0 =	sne.s32 s0, $0x0;
	s0 =	rddreg [dreg:$0x2]  }
0x1e8: {  	s0 =	sadd.s32 @!p0 $0x100000, s0  }
0x1e9: {  	[sflag:s0] =	ssyncadd.tile.s32 @!p0 $0x1;
	_ =	shalt  }
.Lfunc_end2:
_tile_overlayer_lowered:
.L_overlay_start_2:
0x1ea: {  	(tag) =	ssettag $0x2  }
0x1eb: {  	s0 =	rddreg [dreg:$0x0];
	s2 =	stileid.u32  }
0x1ec: {  	s1 =	rddreg [dreg:$0x1];
	p0 =	sne.s32 s2, $0x0  }
0x1ed: {  	s3 =	rddreg [dreg:$0x2];
	[bflag:$0x3] =	sbarrier.arrive $0xFFFF;
	s2 =	simm.s32 @!p0 $0x1C0A  }
0x1ee: {  	[timem:s3], [sflag:s2] =	dma.local @!p0 [hbm:s0], s1  }
0x1ef: {  	s0 =	simm.s32 @!p0 $0xA  }
0x1f0: {  	_ =	swait.ge @!p0 [sflag:s0], s1  }
0x1f1: {  	s1 =	ssub.s32 @!p0 $0x0, s1;
	[sflag:s0] =	ssyncset.done @!p0 $0x0  }
0x1f2: {  	[sflag:s0] =	ssyncadd.s32 @!p0 s1  }
0x1f3: {  	[bflag:$0x3] =	sbarrier.arrive $0xFFFF  }
0x1f4: {  	_ =	shalt  }

</sc_bundles>
